<compile_context>
chip_gen: v7x
topology: tpu7x:2x2x1
jax: 0.10.2.dev20260603
libtpu: 0.0.44.dev20260713+nightly
codegen_flags: <defaults>
</compile_context>

<pallas_src>
import functools

import jax
import jax.numpy as jnp
from jax import lax
from jax.experimental import pallas as pl
from jax.experimental.pallas import tpu as pltpu
from jax.experimental.pallas import tpu_sc as plsc

T, D, H, E, TOPK = 2048, 768, 512, 16, 2
BT = 256
BTF = 512
NTILES = 24
R = NTILES * BTF
NCHUNK = T // BT
EP = 128
NC, NS = 2, 16
NW = NC * NS


def _gating_dispatch_body(x_ref, wg_ref, bg_ref,
                          w_ref, pos_ref, usage_ref, meta_ref,
                          rk1_ref, rk2_ref, i1_ref, i2_ref):
    wg = wg_ref[...]
    bg = bg_ref[...]
    lane = lax.broadcasted_iota(jnp.int32, (BT, EP), 1).astype(jnp.float32)
    ta = lax.broadcasted_iota(jnp.int32, (BT, BT), 0)
    tb = lax.broadcasted_iota(jnp.int32, (BT, BT), 1)
    tri = (tb < ta).astype(jnp.float32)

    def chunk_a(ch, carry):
        cvec, uvec = carry
        sl = pl.ds(ch * BT, BT)
        xt = x_ref[sl, :]
        logits = lax.dot_general(xt, wg, (((1,), (1,)), ((), ())),
                                 preferred_element_type=jnp.float32) + bg
        m1 = jnp.max(logits, axis=1, keepdims=True)
        i1 = jnp.min(jnp.where(logits == m1, lane, 1e9), axis=1, keepdims=True)
        oh1 = (lane == i1).astype(jnp.float32)
        l2 = jnp.where(oh1 > 0, -3e38, logits)
        m2 = jnp.max(l2, axis=1, keepdims=True)
        i2 = jnp.min(jnp.where(l2 == m2, lane, 1e9), axis=1, keepdims=True)
        oh2 = (lane == i2).astype(jnp.float32)
        ex = jnp.exp(m2 - m1)
        w1 = 1.0 / (1.0 + ex)
        w2 = 1.0 - w1
        p1 = lax.dot_general(tri, oh1, (((1,), (0,)), ((), ())),
                             preferred_element_type=jnp.float32)
        p2 = lax.dot_general(tri, oh2, (((1,), (0,)), ((), ())),
                             preferred_element_type=jnp.float32)
        tot1 = jnp.sum(oh1, axis=0, keepdims=True)
        tot2 = jnp.sum(oh2, axis=0, keepdims=True)
        rk1_ref[sl, :] = p1 + cvec
        rk2_ref[sl, :] = p2 + cvec + tot1
        i1_ref[sl, :] = i1
        i2_ref[sl, :] = i2
        w_ref[sl, 0:1] = w1
        w_ref[sl, 1:2] = w2
        uvec = uvec + jnp.sum(w1 * oh1 + w2 * oh2, axis=0, keepdims=True)
        return (cvec + tot1 + tot2, uvec)

    zeros = jnp.zeros((1, EP), jnp.float32)
    counts, usage = lax.fori_loop(0, NCHUNK, chunk_a, (zeros, zeros))
    usage_ref[...] = usage

    nt = jnp.floor((counts + (BTF - 1.0)) * (1.0 / BTF))
    a = lax.broadcasted_iota(jnp.int32, (EP, EP), 0)
    b = lax.broadcasted_iota(jnp.int32, (EP, EP), 1)
    mlt = (a < b).astype(jnp.float32)
    ts = lax.dot_general(nt, mlt, (((1,), (0,)), ((), ())),
                         preferred_element_type=jnp.float32)
    offrow = ts * float(BTF)
    total = jnp.sum(nt * (lax.broadcasted_iota(jnp.int32, (1, EP), 1) < E),
                    axis=1, keepdims=True)
    ones_col = jnp.ones((EP, 1), jnp.float32)
    tsb = lax.dot_general(ones_col, ts, (((1,), (0,)), ((), ())),
                          preferred_element_type=jnp.float32)
    j_col = lax.broadcasted_iota(jnp.int32, (EP, 1), 0).astype(jnp.float32)
    j_io = lax.broadcasted_iota(jnp.int32, (EP, EP), 0).astype(jnp.float32)
    e_io = lax.broadcasted_iota(jnp.int32, (EP, EP), 1)
    cmp = jnp.where((tsb <= j_io) & (e_io < E), 1.0, 0.0)
    te = jnp.sum(cmp, axis=1, keepdims=True) - 1.0
    meta_ref[:, 0:1] = jnp.clip(te, 0.0, float(E - 1)).astype(jnp.int32)
    total_col = jnp.sum(ones_col * 0.0 + total, axis=1, keepdims=True)
    meta_ref[:, 1:2] = jnp.minimum(j_col, total_col - 1.0).astype(jnp.int32)
    meta_ref[:, 2:3] = (j_col < total_col).astype(jnp.int32)

    def chunk_b(ch, _):
        sl = pl.ds(ch * BT, BT)
        oh1 = (lane == i1_ref[sl, :]).astype(jnp.float32)
        oh2 = (lane == i2_ref[sl, :]).astype(jnp.float32)
        pos1 = jnp.sum(oh1 * (rk1_ref[sl, :] + offrow), axis=1, keepdims=True)
        pos2 = jnp.sum(oh2 * (rk2_ref[sl, :] + offrow), axis=1, keepdims=True)
        pos_ref[sl, 0:1] = pos1.astype(jnp.int32)
        pos_ref[sl, 1:2] = pos2.astype(jnp.int32)
        return 0

    lax.fori_loop(0, NCHUNK, chunk_b, 0)


def _gating_dispatch(x, wgp, bgp, interpret=False):
    out_shapes = (
        jax.ShapeDtypeStruct((T, 2), jnp.float32),
        jax.ShapeDtypeStruct((T, 2), jnp.int32),
        jax.ShapeDtypeStruct((1, EP), jnp.float32),
        jax.ShapeDtypeStruct((EP, 3), jnp.int32),
    )
    return pl.pallas_call(
        _gating_dispatch_body,
        grid=(1,),
        in_specs=[
            pl.BlockSpec((T, D), lambda i: (0, 0)),
            pl.BlockSpec((EP, D), lambda i: (0, 0)),
            pl.BlockSpec((1, EP), lambda i: (0, 0)),
        ],
        out_specs=(
            pl.BlockSpec((T, 2), lambda i: (0, 0)),
            pl.BlockSpec((T, 2), lambda i: (0, 0)),
            pl.BlockSpec((1, EP), lambda i: (0, 0)),
            pl.BlockSpec((EP, 3), lambda i: (0, 0)),
        ),
        out_shape=out_shapes,
        scratch_shapes=[
            pltpu.VMEM((T, EP), jnp.float32),
            pltpu.VMEM((T, EP), jnp.float32),
            pltpu.VMEM((T, 1), jnp.float32),
            pltpu.VMEM((T, 1), jnp.float32),
        ],
        interpret=interpret,
    )(x, wgp, bgp)


def _ffn_body(meta_ref, xs_ref, w1_ref, b1_ref, w2_ref, b2_ref, ys_ref):
    @pl.when(meta_ref[pl.program_id(0), 2] == 1)
    def _():
        xt = xs_ref[...].astype(jnp.bfloat16)
        h = lax.dot_general(xt, w1_ref[0].astype(jnp.bfloat16),
                            (((1,), (1,)), ((), ())),
                            preferred_element_type=jnp.float32)
        h = h + b1_ref[0]
        y = lax.dot_general(h.astype(jnp.bfloat16),
                            w2_ref[0].astype(jnp.bfloat16),
                            (((1,), (1,)), ((), ())),
                            preferred_element_type=jnp.float32)
        y = y + b2_ref[0]
        ys_ref[...] = y


def _ffn(meta, xs, w1, b1, w2, b2, interpret=False):
    grid_spec = pltpu.PrefetchScalarGridSpec(
        num_scalar_prefetch=1,
        grid=(NTILES,),
        in_specs=[
            pl.BlockSpec((BTF, D), lambda i, m: (m[i, 1], 0)),
            pl.BlockSpec((1, H, D), lambda i, m: (m[i, 0], 0, 0)),
            pl.BlockSpec((1, 1, H), lambda i, m: (m[i, 0], 0, 0)),
            pl.BlockSpec((1, D, H), lambda i, m: (m[i, 0], 0, 0)),
            pl.BlockSpec((1, 1, D), lambda i, m: (m[i, 0], 0, 0)),
        ],
        out_specs=pl.BlockSpec((BTF, D), lambda i, m: (i, 0)),
    )
    return pl.pallas_call(
        _ffn_body,
        grid_spec=grid_spec,
        out_shape=jax.ShapeDtypeStruct((R, D), jnp.float32),
        interpret=interpret,
    )(meta, xs, w1, b1, w2, b2)


def _make_rowscatter():
    mesh = plsc.VectorSubcoreMesh(core_axis_name="c", subcore_axis_name="s")
    tok_w = T // NW

    @functools.partial(
        pl.kernel,
        out_type=jax.ShapeDtypeStruct((R, D), jnp.float32),
        mesh=mesh,
        compiler_params=pltpu.CompilerParams(needs_layout_passes=False),
        scratch_types=[
            pltpu.VMEM((tok_w, 2), jnp.int32),
            pltpu.VMEM((tok_w,), jnp.int32),
            pltpu.VMEM((tok_w,), jnp.int32),
            pltpu.VMEM((tok_w, D), jnp.float32),
            pltpu.SemaphoreType.DMA,
            pltpu.SemaphoreType.DMA,
        ],
    )
    def rowscatter_kernel(x_hbm, pos_hbm, xs_hbm, pb, i0, i1, xrows, s0, s1):
        wid = lax.axis_index("s") * NC + lax.axis_index("c")
        cx = pltpu.async_copy(x_hbm.at[pl.ds(wid * tok_w, tok_w)], xrows, s1)
        pltpu.sync_copy(pos_hbm.at[pl.ds(wid * tok_w, tok_w)], pb)
        for q in range(tok_w // 16):
            rq = q * 16 + lax.iota(jnp.int32, 16)
            z = jnp.zeros((16,), jnp.int32)
            i0[pl.ds(q * 16, 16)] = plsc.load_gather(pb, [rq, z])
            i1[pl.ds(q * 16, 16)] = plsc.load_gather(pb, [rq, z + 1])
        cx.wait()
        c0 = pltpu.async_copy(xrows, xs_hbm.at[i0], s0)
        c1 = pltpu.async_copy(xrows, xs_hbm.at[i1], s1)
        c0.wait()
        c1.wait()

    return rowscatter_kernel


def _make_combine():
    mesh = plsc.VectorSubcoreMesh(core_axis_name="c", subcore_axis_name="s")
    tok_w = T // NW

    @functools.partial(
        pl.kernel,
        out_type=jax.ShapeDtypeStruct((T, D), jnp.float32),
        mesh=mesh,
        compiler_params=pltpu.CompilerParams(needs_layout_passes=False),
        scratch_types=[
            pltpu.VMEM((tok_w, 2), jnp.int32),
            pltpu.VMEM((tok_w, 2), jnp.float32),
            pltpu.VMEM((tok_w,), jnp.int32),
            pltpu.VMEM((tok_w,), jnp.int32),
            pltpu.VMEM((tok_w, D), jnp.float32),
            pltpu.VMEM((tok_w, D), jnp.float32),
            pltpu.SemaphoreType.DMA,
            pltpu.SemaphoreType.DMA,
        ],
    )
    def combine_kernel(pos_hbm, w_hbm, ys_hbm, out_hbm,
                       pb, wb, i0, i1, g0, g1, s0, s1):
        wid = lax.axis_index("s") * NC + lax.axis_index("c")
        pltpu.sync_copy(pos_hbm.at[pl.ds(wid * tok_w, tok_w)], pb)
        for q in range(tok_w // 16):
            rq = q * 16 + lax.iota(jnp.int32, 16)
            z = jnp.zeros((16,), jnp.int32)
            i0[pl.ds(q * 16, 16)] = plsc.load_gather(pb, [rq, z])
            i1[pl.ds(q * 16, 16)] = plsc.load_gather(pb, [rq, z + 1])
        c0 = pltpu.async_copy(ys_hbm.at[i0], g0, s0)
        c1 = pltpu.async_copy(ys_hbm.at[i1], g1, s1)
        pltpu.sync_copy(w_hbm.at[pl.ds(wid * tok_w, tok_w)], wb)
        c0.wait()
        c1.wait()

        def row_body(r, _):
            ri = jnp.broadcast_to(r, (16,)).astype(jnp.int32)
            zi = jnp.zeros((16,), jnp.int32)
            a0 = plsc.load_gather(wb, [ri, zi])
            a1 = plsc.load_gather(wb, [ri, zi + 1])
            for c in range(D // 16):
                sl = pl.ds(c * 16, 16)
                g0[r, sl] = a0 * g0[r, sl] + a1 * g1[r, sl]
            return 0

        lax.fori_loop(0, tok_w, row_body, 0)
        pltpu.sync_copy(g0, out_hbm.at[pl.ds(wid * tok_w, tok_w)])

    return combine_kernel


def kernel(x, Wg, bg, W1, b1, W2, b2):
    wgp = jnp.zeros((EP, D), jnp.float32).at[:E].set(Wg)
    bgp = jnp.full((1, EP), -1e30, jnp.float32).at[0, :E].set(bg)

    ws, posi, usage, meta = _gating_dispatch(x, wgp, bgp)
    usage_counts = usage[0, :E]

    xs = _make_rowscatter()(x, posi)
    ys = _ffn(meta[:NTILES], xs, W1, b1.reshape(E, 1, H), W2,
              b2.reshape(E, 1, D))
    combined = _make_combine()(posi, ws, ys)
    return (combined, usage_counts)

# --- scband reference (transcript-rebuilt; emitter-appended) ---
"""Pipeline reference for scband-mo-elayer-60790967107614 (READ-ONLY COPY).

The authoritative reference and input builder live on the scoring server;
editing this copy changes nothing except your own understanding.
"""

import jax, jax.numpy as jnp
import numpy as np

T, D, H, E, TOPK = 2048, 768, 512, 16, 2

def setup_inputs(seed: int = 0):
    key = jax.random.key(seed)
    ks = jax.random.split(key, 8)
    x = jax.random.normal(ks[0], (T, D), dtype=jnp.float32)
    # GatingNetwork: nn.Linear(input_size, num_experts), weight ~ N(0, 0.001), bias = 0
    Wg = jax.random.normal(ks[1], (E, D), dtype=jnp.float32) * 0.001
    bg = jnp.zeros((E,), dtype=jnp.float32)
    # Experts: fc1 [H, D], fc2 [D, H] per expert, weights ~ N(0, 0.001), biases = 0
    W1 = jax.random.normal(ks[2], (E, H, D), dtype=jnp.float32) * 0.001
    b1 = jnp.zeros((E, H), dtype=jnp.float32)
    W2 = jax.random.normal(ks[3], (E, D, H), dtype=jnp.float32) * 0.001
    b2 = jnp.zeros((E, D), dtype=jnp.float32)
    return {"x": x, "Wg": Wg, "bg": bg, "W1": W1, "b1": b1, "W2": W2, "b2": b2}

def reference(x, Wg, bg, W1, b1, W2, b2):
    # gating softmax
    logits = x @ Wg.T + bg
    gating_weights = jax.nn.softmax(logits, axis=-1)
    # top-k routing and renormalization
    top_k_weights, top_k_indices = jax.lax.top_k(gating_weights, TOPK)
    top_k_weights = top_k_weights / jnp.sum(top_k_weights, axis=-1, keepdims=True)
    # expert FFNs (note: original Expert has NO nonlinearity between fc1 and fc2)
    h = jnp.einsum('td,ehd->teh', x, W1) + b1[None, :, :]
    out_all = jnp.einsum('teh,edh->ted', h, W2) + b2[None, :, :]
    # gather the top-k selected expert outputs per token
    sel = jnp.take_along_axis(out_all, top_k_indices[:, :, None], axis=1)  # [T, K, D]
    combined_output = jnp.einsum('tkd,tk->td', sel, top_k_weights)
    # usage counts: scatter-add of detached top-k weights per expert
    usage_counts = jnp.zeros((E,), dtype=jnp.float32).at[top_k_indices.reshape(-1)].add(
        jax.lax.stop_gradient(top_k_weights).reshape(-1))
    return (combined_output, usage_counts)

if __name__ == "__main__":
    import jax
    _d = setup_inputs()
    print(jax.jit(kernel)(*tuple(_d.values())))

</pallas_src>

<mosaic_0001>
#map = affine_map<(d0, d1) -> (0, 0)>
module attributes {stable_mosaic.version = 14 : i64} {
  func.func @combine_kernel(%arg0: i32, %arg1: i32, %arg2: memref<2048x2xi32, #tpu.memory_space<hbm>>, %arg3: memref<2048x2xf32, #tpu.memory_space<hbm>>, %arg4: memref<12288x768xf32, #tpu.memory_space<hbm>>, %arg5: memref<2048x768xf32, #tpu.memory_space<hbm>>, %arg6: memref<64x2xi32, #tpu.memory_space<vmem>>, %arg7: memref<64x2xf32, #tpu.memory_space<vmem>>, %arg8: memref<64xi32, #tpu.memory_space<vmem>>, %arg9: memref<64xi32, #tpu.memory_space<vmem>>, %arg10: memref<64x768xf32, #tpu.memory_space<vmem>>, %arg11: memref<64x768xf32, #tpu.memory_space<vmem>>, %arg12: memref<!tpu.dma_semaphore, #tpu.memory_space<semaphore_mem>>, %arg13: memref<!tpu.dma_semaphore, #tpu.memory_space<semaphore_mem>>) attributes {dimension_semantics = [#tpu.dimension_semantics<core_parallel>, #tpu.dimension_semantics<subcore_parallel>], iteration_bounds = array<i64: 2, 16>, scalar_prefetch = 0 : i64, scratch_operands = 8 : i64, tpu.core_type = #tpu.core_type<sc_vector_subcore>, window_params = [{transform_indices = #map}, {transform_indices = #map}, {transform_indices = #map}, {transform_indices = #map}]} {
    %mul3A = arith.constant 2 : i32
    %mul3A_0 = arith.muli %arg1, %mul3A : i32
    %add3A = arith.addi %mul3A_0, %arg0 : i32
    %mul3A_1 = arith.constant 64 : i32
    %mul3A_2 = arith.muli %add3A, %mul3A_1 : i32
    "tpu.region"() ({
      %run_scoped3A = tpu.sem_alloc : memref<!tpu.dma_semaphore, #tpu.memory_space<semaphore_mem>>
      %dma_start3A_79 = arith.constant 0 : i32
      %dma_start3A_80 = tpu.memref_slice %arg2[%mul3A_2, %dma_start3A_79] : memref<2048x2xi32, #tpu.memory_space<hbm>> -> memref<64x2xi32, #tpu.memory_space<hbm>>
      %dma_start3A_81 = arith.constant 0 : i32
      %dma_start3A_82 = tpu.memref_slice %arg2[%mul3A_2, %dma_start3A_81] : memref<2048x2xi32, #tpu.memory_space<hbm>> -> memref<64x2xi32, #tpu.memory_space<hbm>>
      tpu.enqueue_dma source(%dma_start3A_82 : memref<64x2xi32, #tpu.memory_space<hbm>>) target(%arg6 : memref<64x2xi32, #tpu.memory_space<vmem>>) target_semaphore(%run_scoped3A : memref<!tpu.dma_semaphore, #tpu.memory_space<semaphore_mem>>)
      %dma_wait3A_83 = arith.constant 0 : i32
      %dma_wait3A_84 = tpu.memref_slice %arg2[%mul3A_2, %dma_wait3A_83] : memref<2048x2xi32, #tpu.memory_space<hbm>> -> memref<64x2xi32, #tpu.memory_space<hbm>>
      %dma_wait3A_85 = arith.constant 0 : i32
      %dma_wait3A_86 = tpu.memref_slice %arg2[%mul3A_2, %dma_wait3A_85] : memref<2048x2xi32, #tpu.memory_space<hbm>> -> memref<64x2xi32, #tpu.memory_space<hbm>>
      tpu.wait_dma2 semaphore(%run_scoped3A : memref<!tpu.dma_semaphore, #tpu.memory_space<semaphore_mem>>) src(%dma_wait3A_86 : memref<64x2xi32, #tpu.memory_space<hbm>>) dst(%arg6 : memref<64x2xi32, #tpu.memory_space<vmem>>)
      tpu.yield
    }) : () -> ()
    %iota3A = tpu.iota {dimensions = array<i32: 0>} : vector<16xi32>
    %add3A_3 = arith.constant 0 : i32
    %add3A_4 = vector.broadcast %add3A_3 : i32 to vector<16xi32>
    %add3A_5 = arith.addi %add3A_4, %iota3A : vector<16xi32>
    %broadcast_in_dim3A = arith.constant 0 : i32
    %broadcast_in_dim3A_6 = vector.broadcast %broadcast_in_dim3A : i32 to vector<16xi32>
    %gather3A = tpu.vector_load_idx %arg6[%add3A_5, %broadcast_in_dim3A_6] : memref<64x2xi32, #tpu.memory_space<vmem>>[vector<16xi32>, vector<16xi32>], vector<16xi32>,
    %swap3A = arith.constant 0 : index
    %swap3A_7 = tpu.vector_load %arg8[%swap3A] {strides = array<i32>} : memref<64xi32, #tpu.memory_space<vmem>>, vector<16xi32>,
    tpu.vector_store %arg8[%swap3A], %gather3A {strides = array<i32>} : memref<64xi32, #tpu.memory_space<vmem>>, vector<16xi32>,
    %add3A_8 = arith.constant 1 : i32
    %add3A_9 = vector.broadcast %add3A_8 : i32 to vector<16xi32>
    %add3A_10 = arith.addi %broadcast_in_dim3A_6, %add3A_9 : vector<16xi32>
    %gather3A_11 = tpu.vector_load_idx %arg6[%add3A_5, %add3A_10] : memref<64x2xi32, #tpu.memory_space<vmem>>[vector<16xi32>, vector<16xi32>], vector<16xi32>,
    %swap3A_12 = arith.constant 0 : index
    %swap3A_13 = tpu.vector_load %arg9[%swap3A_12] {strides = array<i32>} : memref<64xi32, #tpu.memory_space<vmem>>, vector<16xi32>,
    tpu.vector_store %arg9[%swap3A_12], %gather3A_11 {strides = array<i32>} : memref<64xi32, #tpu.memory_space<vmem>>, vector<16xi32>,
    %iota3A_14 = tpu.iota {dimensions = array<i32: 0>} : vector<16xi32>
    %add3A_15 = arith.constant 16 : i32
    %add3A_16 = vector.broadcast %add3A_15 : i32 to vector<16xi32>
    %add3A_17 = arith.addi %add3A_16, %iota3A_14 : vector<16xi32>
    %broadcast_in_dim3A_18 = arith.constant 0 : i32
    %broadcast_in_dim3A_19 = vector.broadcast %broadcast_in_dim3A_18 : i32 to vector<16xi32>
    %gather3A_20 = tpu.vector_load_idx %arg6[%add3A_17, %broadcast_in_dim3A_19] : memref<64x2xi32, #tpu.memory_space<vmem>>[vector<16xi32>, vector<16xi32>], vector<16xi32>,
    %swap3A_21 = arith.constant 16 : index
    %swap3A_22 = tpu.vector_load %arg8[%swap3A_21] {strides = array<i32>} : memref<64xi32, #tpu.memory_space<vmem>>, vector<16xi32>,
    tpu.vector_store %arg8[%swap3A_21], %gather3A_20 {strides = array<i32>} : memref<64xi32, #tpu.memory_space<vmem>>, vector<16xi32>,
    %add3A_23 = arith.constant 1 : i32
    %add3A_24 = vector.broadcast %add3A_23 : i32 to vector<16xi32>
    %add3A_25 = arith.addi %broadcast_in_dim3A_19, %add3A_24 : vector<16xi32>
    %gather3A_26 = tpu.vector_load_idx %arg6[%add3A_17, %add3A_25] : memref<64x2xi32, #tpu.memory_space<vmem>>[vector<16xi32>, vector<16xi32>], vector<16xi32>,
    %swap3A_27 = arith.constant 16 : index
    %swap3A_28 = tpu.vector_load %arg9[%swap3A_27] {strides = array<i32>} : memref<64xi32, #tpu.memory_space<vmem>>, vector<16xi32>,
    tpu.vector_store %arg9[%swap3A_27], %gather3A_26 {strides = array<i32>} : memref<64xi32, #tpu.memory_space<vmem>>, vector<16xi32>,
    %iota3A_29 = tpu.iota {dimensions = array<i32: 0>} : vector<16xi32>
    %add3A_30 = arith.constant 32 : i32
    %add3A_31 = vector.broadcast %add3A_30 : i32 to vector<16xi32>
    %add3A_32 = arith.addi %add3A_31, %iota3A_29 : vector<16xi32>
    %broadcast_in_dim3A_33 = arith.constant 0 : i32
    %broadcast_in_dim3A_34 = vector.broadcast %broadcast_in_dim3A_33 : i32 to vector<16xi32>
    %gather3A_35 = tpu.vector_load_idx %arg6[%add3A_32, %broadcast_in_dim3A_34] : memref<64x2xi32, #tpu.memory_space<vmem>>[vector<16xi32>, vector<16xi32>], vector<16xi32>,
    %swap3A_36 = arith.constant 32 : index
    %swap3A_37 = tpu.vector_load %arg8[%swap3A_36] {strides = array<i32>} : memref<64xi32, #tpu.memory_space<vmem>>, vector<16xi32>,
    tpu.vector_store %arg8[%swap3A_36], %gather3A_35 {strides = array<i32>} : memref<64xi32, #tpu.memory_space<vmem>>, vector<16xi32>,
    %add3A_38 = arith.constant 1 : i32
    %add3A_39 = vector.broadcast %add3A_38 : i32 to vector<16xi32>
    %add3A_40 = arith.addi %broadcast_in_dim3A_34, %add3A_39 : vector<16xi32>
    %gather3A_41 = tpu.vector_load_idx %arg6[%add3A_32, %add3A_40] : memref<64x2xi32, #tpu.memory_space<vmem>>[vector<16xi32>, vector<16xi32>], vector<16xi32>,
    %swap3A_42 = arith.constant 32 : index
    %swap3A_43 = tpu.vector_load %arg9[%swap3A_42] {strides = array<i32>} : memref<64xi32, #tpu.memory_space<vmem>>, vector<16xi32>,
    tpu.vector_store %arg9[%swap3A_42], %gather3A_41 {strides = array<i32>} : memref<64xi32, #tpu.memory_space<vmem>>, vector<16xi32>,
    %iota3A_44 = tpu.iota {dimensions = array<i32: 0>} : vector<16xi32>
    %add3A_45 = arith.constant 48 : i32
    %add3A_46 = vector.broadcast %add3A_45 : i32 to vector<16xi32>
    %add3A_47 = arith.addi %add3A_46, %iota3A_44 : vector<16xi32>
    %broadcast_in_dim3A_48 = arith.constant 0 : i32
    %broadcast_in_dim3A_49 = vector.broadcast %broadcast_in_dim3A_48 : i32 to vector<16xi32>
    %gather3A_50 = tpu.vector_load_idx %arg6[%add3A_47, %broadcast_in_dim3A_49] : memref<64x2xi32, #tpu.memory_space<vmem>>[vector<16xi32>, vector<16xi32>], vector<16xi32>,
    %swap3A_51 = arith.constant 48 : index
    %swap3A_52 = tpu.vector_load %arg8[%swap3A_51] {strides = array<i32>} : memref<64xi32, #tpu.memory_space<vmem>>, vector<16xi32>,
    tpu.vector_store %arg8[%swap3A_51], %gather3A_50 {strides = array<i32>} : memref<64xi32, #tpu.memory_space<vmem>>, vector<16xi32>,
    %add3A_53 = arith.constant 1 : i32
    %add3A_54 = vector.broadcast %add3A_53 : i32 to vector<16xi32>
    %add3A_55 = arith.addi %broadcast_in_dim3A_49, %add3A_54 : vector<16xi32>
    %gather3A_56 = tpu.vector_load_idx %arg6[%add3A_47, %add3A_55] : memref<64x2xi32, #tpu.memory_space<vmem>>[vector<16xi32>, vector<16xi32>], vector<16xi32>,
    %swap3A_57 = arith.constant 48 : index
    %swap3A_58 = tpu.vector_load %arg9[%swap3A_57] {strides = array<i32>} : memref<64xi32, #tpu.memory_space<vmem>>, vector<16xi32>,
    tpu.vector_store %arg9[%swap3A_57], %gather3A_56 {strides = array<i32>} : memref<64xi32, #tpu.memory_space<vmem>>, vector<16xi32>,
    %dma_start3A = arith.constant 0 : i32
    %dma_start3A_59 = arith.constant 0 : i32
    %dma_start3A_60 = tpu.memref_slice %arg4[%dma_start3A, %dma_start3A_59] : memref<12288x768xf32, #tpu.memory_space<hbm>> -> memref<12288x768xf32, #tpu.memory_space<hbm>>
    tpu.enqueue_indirect_dma source(%dma_start3A_60 : memref<12288x768xf32, #tpu.memory_space<hbm>>) target(%arg10 : memref<64x768xf32, #tpu.memory_space<vmem>>) offsets(%arg8 : memref<64xi32, #tpu.memory_space<vmem>>) semaphore(%arg12 : memref<!tpu.dma_semaphore, #tpu.memory_space<semaphore_mem>>)
    %dma_start3A_61 = arith.constant 0 : i32
    %dma_start3A_62 = arith.constant 0 : i32
    %dma_start3A_63 = tpu.memref_slice %arg4[%dma_start3A_61, %dma_start3A_62] : memref<12288x768xf32, #tpu.memory_space<hbm>> -> memref<12288x768xf32, #tpu.memory_space<hbm>>
    tpu.enqueue_indirect_dma source(%dma_start3A_63 : memref<12288x768xf32, #tpu.memory_space<hbm>>) target(%arg11 : memref<64x768xf32, #tpu.memory_space<vmem>>) offsets(%arg9 : memref<64xi32, #tpu.memory_space<vmem>>) semaphore(%arg13 : memref<!tpu.dma_semaphore, #tpu.memory_space<semaphore_mem>>)
    %mul3A_64 = arith.constant 64 : i32
    %mul3A_65 = arith.muli %add3A, %mul3A_64 : i32
    "tpu.region"() ({
      %run_scoped3A = tpu.sem_alloc : memref<!tpu.dma_semaphore, #tpu.memory_space<semaphore_mem>>
      %dma_start3A_79 = arith.constant 0 : i32
      %dma_start3A_80 = tpu.memref_slice %arg3[%mul3A_65, %dma_start3A_79] : memref<2048x2xf32, #tpu.memory_space<hbm>> -> memref<64x2xf32, #tpu.memory_space<hbm>>
      %dma_start3A_81 = arith.constant 0 : i32
      %dma_start3A_82 = tpu.memref_slice %arg3[%mul3A_65, %dma_start3A_81] : memref<2048x2xf32, #tpu.memory_space<hbm>> -> memref<64x2xf32, #tpu.memory_space<hbm>>
      tpu.enqueue_dma source(%dma_start3A_82 : memref<64x2xf32, #tpu.memory_space<hbm>>) target(%arg7 : memref<64x2xf32, #tpu.memory_space<vmem>>) target_semaphore(%run_scoped3A : memref<!tpu.dma_semaphore, #tpu.memory_space<semaphore_mem>>)
      %dma_wait3A_83 = arith.constant 0 : i32
      %dma_wait3A_84 = tpu.memref_slice %arg3[%mul3A_65, %dma_wait3A_83] : memref<2048x2xf32, #tpu.memory_space<hbm>> -> memref<64x2xf32, #tpu.memory_space<hbm>>
      %dma_wait3A_85 = arith.constant 0 : i32
      %dma_wait3A_86 = tpu.memref_slice %arg3[%mul3A_65, %dma_wait3A_85] : memref<2048x2xf32, #tpu.memory_space<hbm>> -> memref<64x2xf32, #tpu.memory_space<hbm>>
      tpu.wait_dma2 semaphore(%run_scoped3A : memref<!tpu.dma_semaphore, #tpu.memory_space<semaphore_mem>>) src(%dma_wait3A_86 : memref<64x2xf32, #tpu.memory_space<hbm>>) dst(%arg7 : memref<64x2xf32, #tpu.memory_space<vmem>>)
      tpu.yield
    }) : () -> ()
    %dma_wait3A = arith.constant 0 : i32
    %dma_wait3A_66 = arith.constant 0 : i32
    %dma_wait3A_67 = tpu.memref_slice %arg4[%dma_wait3A, %dma_wait3A_66] : memref<12288x768xf32, #tpu.memory_space<hbm>> -> memref<12288x768xf32, #tpu.memory_space<hbm>>
    tpu.wait_indirect_dma semaphore(%arg12 : memref<!tpu.dma_semaphore, #tpu.memory_space<semaphore_mem>>) src(%dma_wait3A_67 : memref<12288x768xf32, #tpu.memory_space<hbm>>) dst(%arg10 : memref<64x768xf32, #tpu.memory_space<vmem>>)
    %dma_wait3A_68 = arith.constant 0 : i32
    %dma_wait3A_69 = arith.constant 0 : i32
    %dma_wait3A_70 = tpu.memref_slice %arg4[%dma_wait3A_68, %dma_wait3A_69] : memref<12288x768xf32, #tpu.memory_space<hbm>> -> memref<12288x768xf32, #tpu.memory_space<hbm>>
    tpu.wait_indirect_dma semaphore(%arg13 : memref<!tpu.dma_semaphore, #tpu.memory_space<semaphore_mem>>) src(%dma_wait3A_70 : memref<12288x768xf32, #tpu.memory_space<hbm>>) dst(%arg11 : memref<64x768xf32, #tpu.memory_space<vmem>>)
    %scan3A = arith.constant 0 : i32
    %scan3A_71 = arith.constant 0 : i32
    %scan3A_72 = arith.constant 64 : i32
    %scan3A_73 = arith.addi %scan3A_71, %scan3A_72 : i32
    %scan3A_74 = arith.constant 1 : i32
    %scan3A_75 = scf.for %scan3A_79 = %scan3A_71 to %scan3A_73 step %scan3A_74 iter_args(%scan3A_80 = %scan3A) -> (i32)  : i32 {
      %broadcast_in_dim3A_81 = vector.broadcast %scan3A_79 : i32 to vector<16xi32>
      %broadcast_in_dim3A_82 = arith.constant 0 : i32
      %broadcast_in_dim3A_83 = vector.broadcast %broadcast_in_dim3A_82 : i32 to vector<16xi32>
      %gather3A_84 = tpu.vector_load_idx %arg7[%broadcast_in_dim3A_81, %broadcast_in_dim3A_83] : memref<64x2xf32, #tpu.memory_space<vmem>>[vector<16xi32>, vector<16xi32>], vector<16xf32>,
      %add3A_85 = arith.constant 1 : i32
      %add3A_86 = vector.broadcast %add3A_85 : i32 to vector<16xi32>
      %add3A_87 = arith.addi %broadcast_in_dim3A_83, %add3A_86 : vector<16xi32>
      %gather3A_88 = tpu.vector_load_idx %arg7[%broadcast_in_dim3A_81, %add3A_87] : memref<64x2xf32, #tpu.memory_space<vmem>>[vector<16xi32>, vector<16xi32>], vector<16xf32>,
      %get3A = arith.index_cast %scan3A_79 : i32 to index
      %get3A_89 = arith.constant 0 : index
      %get3A_90 = tpu.vector_load %arg10[%get3A, %get3A_89] {strides = array<i32>} : memref<64x768xf32, #tpu.memory_space<vmem>>, vector<16xf32>,
      %mul3A_91 = arith.mulf %gather3A_84, %get3A_90 : vector<16xf32>
      %get3A_92 = arith.index_cast %scan3A_79 : i32 to index
      %get3A_93 = arith.constant 0 : index
      %get3A_94 = tpu.vector_load %arg11[%get3A_92, %get3A_93] {strides = array<i32>} : memref<64x768xf32, #tpu.memory_space<vmem>>, vector<16xf32>,
      %mul3A_95 = arith.mulf %gather3A_88, %get3A_94 : vector<16xf32>
      %add3A_96 = arith.addf %mul3A_91, %mul3A_95 : vector<16xf32>
      %swap3A_97 = arith.index_cast %scan3A_79 : i32 to index
      %swap3A_98 = arith.constant 0 : index
      %swap3A_99 = tpu.vector_load %arg10[%swap3A_97, %swap3A_98] {strides = array<i32>} : memref<64x768xf32, #tpu.memory_space<vmem>>, vector<16xf32>,
      tpu.vector_store %arg10[%swap3A_97, %swap3A_98], %add3A_96 {strides = array<i32>} : memref<64x768xf32, #tpu.memory_space<vmem>>, vector<16xf32>,
      %get3A_100 = arith.index_cast %scan3A_79 : i32 to index
      %get3A_101 = arith.constant 16 : index
      %get3A_102 = tpu.vector_load %arg10[%get3A_100, %get3A_101] {strides = array<i32>} : memref<64x768xf32, #tpu.memory_space<vmem>>, vector<16xf32>,
      %mul3A_103 = arith.mulf %gather3A_84, %get3A_102 : vector<16xf32>
      %get3A_104 = arith.index_cast %scan3A_79 : i32 to index
      %get3A_105 = arith.constant 16 : index
      %get3A_106 = tpu.vector_load %arg11[%get3A_104, %get3A_105] {strides = array<i32>} : memref<64x768xf32, #tpu.memory_space<vmem>>, vector<16xf32>,
      %mul3A_107 = arith.mulf %gather3A_88, %get3A_106 : vector<16xf32>
      %add3A_108 = arith.addf %mul3A_103, %mul3A_107 : vector<16xf32>
      %swap3A_109 = arith.index_cast %scan3A_79 : i32 to index
      %swap3A_110 = arith.constant 16 : index
      %swap3A_111 = tpu.vector_load %arg10[%swap3A_109, %swap3A_110] {strides = array<i32>} : memref<64x768xf32, #tpu.memory_space<vmem>>, vector<16xf32>,
      tpu.vector_store %arg10[%swap3A_109, %swap3A_110], %add3A_108 {strides = array<i32>} : memref<64x768xf32, #tpu.memory_space<vmem>>, vector<16xf32>,
      %get3A_112 = arith.index_cast %scan3A_79 : i32 to index
      %get3A_113 = arith.constant 32 : index
      %get3A_114 = tpu.vector_load %arg10[%get3A_112, %get3A_113] {strides = array<i32>} : memref<64x768xf32, #tpu.memory_space<vmem>>, vector<16xf32>,
      %mul3A_115 = arith.mulf %gather3A_84, %get3A_114 : vector<16xf32>
      %get3A_116 = arith.index_cast %scan3A_79 : i32 to index
      %get3A_117 = arith.constant 32 : index
      %get3A_118 = tpu.vector_load %arg11[%get3A_116, %get3A_117] {strides = array<i32>} : memref<64x768xf32, #tpu.memory_space<vmem>>, vector<16xf32>,
      %mul3A_119 = arith.mulf %gather3A_88, %get3A_118 : vector<16xf32>
      %add3A_120 = arith.addf %mul3A_115, %mul3A_119 : vector<16xf32>
      %swap3A_121 = arith.index_cast %scan3A_79 : i32 to index
      %swap3A_122 = arith.constant 32 : index
      %swap3A_123 = tpu.vector_load %arg10[%swap3A_121, %swap3A_122] {strides = array<i32>} : memref<64x768xf32, #tpu.memory_space<vmem>>, vector<16xf32>,
      tpu.vector_store %arg10[%swap3A_121, %swap3A_122], %add3A_120 {strides = array<i32>} : memref<64x768xf32, #tpu.memory_space<vmem>>, vector<16xf32>,
      %get3A_124 = arith.index_cast %scan3A_79 : i32 to index
      %get3A_125 = arith.constant 48 : index
      %get3A_126 = tpu.vector_load %arg10[%get3A_124, %get3A_125] {strides = array<i32>} : memref<64x768xf32, #tpu.memory_space<vmem>>, vector<16xf32>,
      %mul3A_127 = arith.mulf %gather3A_84, %get3A_126 : vector<16xf32>
      %get3A_128 = arith.index_cast %scan3A_79 : i32 to index
      %get3A_129 = arith.constant 48 : index
      %get3A_130 = tpu.vector_load %arg11[%get3A_128, %get3A_129] {strides = array<i32>} : memref<64x768xf32, #tpu.memory_space<vmem>>, vector<16xf32>,
      %mul3A_131 = arith.mulf %gather3A_88, %get3A_130 : vector<16xf32>
      %add3A_132 = arith.addf %mul3A_127, %mul3A_131 : vector<16xf32>
      %swap3A_133 = arith.index_cast %scan3A_79 : i32 to index
      %swap3A_134 = arith.constant 48 : index
      %swap3A_135 = tpu.vector_load %arg10[%swap3A_133, %swap3A_134] {strides = array<i32>} : memref<64x768xf32, #tpu.memory_space<vmem>>, vector<16xf32>,
      tpu.vector_store %arg10[%swap3A_133, %swap3A_134], %add3A_132 {strides = array<i32>} : memref<64x768xf32, #tpu.memory_space<vmem>>, vector<16xf32>,
      %get3A_136 = arith.index_cast %scan3A_79 : i32 to index
      %get3A_137 = arith.constant 64 : index
      %get3A_138 = tpu.vector_load %arg10[%get3A_136, %get3A_137] {strides = array<i32>} : memref<64x768xf32, #tpu.memory_space<vmem>>, vector<16xf32>,
      %mul3A_139 = arith.mulf %gather3A_84, %get3A_138 : vector<16xf32>
      %get3A_140 = arith.index_cast %scan3A_79 : i32 to index
      %get3A_141 = arith.constant 64 : index
      %get3A_142 = tpu.vector_load %arg11[%get3A_140, %get3A_141] {strides = array<i32>} : memref<64x768xf32, #tpu.memory_space<vmem>>, vector<16xf32>,
      %mul3A_143 = arith.mulf %gather3A_88, %get3A_142 : vector<16xf32>
      %add3A_144 = arith.addf %mul3A_139, %mul3A_143 : vector<16xf32>
      %swap3A_145 = arith.index_cast %scan3A_79 : i32 to index
      %swap3A_146 = arith.constant 64 : index
      %swap3A_147 = tpu.vector_load %arg10[%swap3A_145, %swap3A_146] {strides = array<i32>} : memref<64x768xf32, #tpu.memory_space<vmem>>, vector<16xf32>,
      tpu.vector_store %arg10[%swap3A_145, %swap3A_146], %add3A_144 {strides = array<i32>} : memref<64x768xf32, #tpu.memory_space<vmem>>, vector<16xf32>,
      %get3A_148 = arith.index_cast %scan3A_79 : i32 to index
      %get3A_149 = arith.constant 80 : index
      %get3A_150 = tpu.vector_load %arg10[%get3A_148, %get3A_149] {strides = array<i32>} : memref<64x768xf32, #tpu.memory_space<vmem>>, vector<16xf32>,
      %mul3A_151 = arith.mulf %gather3A_84, %get3A_150 : vector<16xf32>
      %get3A_152 = arith.index_cast %scan3A_79 : i32 to index
      %get3A_153 = arith.constant 80 : index
      %get3A_154 = tpu.vector_load %arg11[%get3A_152, %get3A_153] {strides = array<i32>} : memref<64x768xf32, #tpu.memory_space<vmem>>, vector<16xf32>,
      %mul3A_155 = arith.mulf %gather3A_88, %get3A_154 : vector<16xf32>
      %add3A_156 = arith.addf %mul3A_151, %mul3A_155 : vector<16xf32>
      %swap3A_157 = arith.index_cast %scan3A_79 : i32 to index
      %swap3A_158 = arith.constant 80 : index
      %swap3A_159 = tpu.vector_load %arg10[%swap3A_157, %swap3A_158] {strides = array<i32>} : memref<64x768xf32, #tpu.memory_space<vmem>>, vector<16xf32>,
      tpu.vector_store %arg10[%swap3A_157, %swap3A_158], %add3A_156 {strides = array<i32>} : memref<64x768xf32, #tpu.memory_space<vmem>>, vector<16xf32>,
      %get3A_160 = arith.index_cast %scan3A_79 : i32 to index
      %get3A_161 = arith.constant 96 : index
      %get3A_162 = tpu.vector_load %arg10[%get3A_160, %get3A_161] {strides = array<i32>} : memref<64x768xf32, #tpu.memory_space<vmem>>, vector<16xf32>,
      %mul3A_163 = arith.mulf %gather3A_84, %get3A_162 : vector<16xf32>
      %get3A_164 = arith.index_cast %scan3A_79 : i32 to index
      %get3A_165 = arith.constant 96 : index
      %get3A_166 = tpu.vector_load %arg11[%get3A_164, %get3A_165] {strides = array<i32>} : memref<64x768xf32, #tpu.memory_space<vmem>>, vector<16xf32>,
      %mul3A_167 = arith.mulf %gather3A_88, %get3A_166 : vector<16xf32>
      %add3A_168 = arith.addf %mul3A_163, %mul3A_167 : vector<16xf32>
      %swap3A_169 = arith.index_cast %scan3A_79 : i32 to index
      %swap3A_170 = arith.constant 96 : index
      %swap3A_171 = tpu.vector_load %arg10[%swap3A_169, %swap3A_170] {strides = array<i32>} : memref<64x768xf32, #tpu.memory_space<vmem>>, vector<16xf32>,
      tpu.vector_store %arg10[%swap3A_169, %swap3A_170], %add3A_168 {strides = array<i32>} : memref<64x768xf32, #tpu.memory_space<vmem>>, vector<16xf32>,
      %get3A_172 = arith.index_cast %scan3A_79 : i32 to index
      %get3A_173 = arith.constant 112 : index
      %get3A_174 = tpu.vector_load %arg10[%get3A_172, %get3A_173] {strides = array<i32>} : memref<64x768xf32, #tpu.memory_space<vmem>>, vector<16xf32>,
      %mul3A_175 = arith.mulf %gather3A_84, %get3A_174 : vector<16xf32>
      %get3A_176 = arith.index_cast %scan3A_79 : i32 to index
      %get3A_177 = arith.constant 112 : index
      %get3A_178 = tpu.vector_load %arg11[%get3A_176, %get3A_177] {strides = array<i32>} : memref<64x768xf32, #tpu.memory_space<vmem>>, vector<16xf32>,
      %mul3A_179 = arith.mulf %gather3A_88, %get3A_178 : vector<16xf32>
      %add3A_180 = arith.addf %mul3A_175, %mul3A_179 : vector<16xf32>
      %swap3A_181 = arith.index_cast %scan3A_79 : i32 to index
      %swap3A_182 = arith.constant 112 : index
      %swap3A_183 = tpu.vector_load %arg10[%swap3A_181, %swap3A_182] {strides = array<i32>} : memref<64x768xf32, #tpu.memory_space<vmem>>, vector<16xf32>,
      tpu.vector_store %arg10[%swap3A_181, %swap3A_182], %add3A_180 {strides = array<i32>} : memref<64x768xf32, #tpu.memory_space<vmem>>, vector<16xf32>,
      %get3A_184 = arith.index_cast %scan3A_79 : i32 to index
      %get3A_185 = arith.constant 128 : index
      %get3A_186 = tpu.vector_load %arg10[%get3A_184, %get3A_185] {strides = array<i32>} : memref<64x768xf32, #tpu.memory_space<vmem>>, vector<16xf32>,
      %mul3A_187 = arith.mulf %gather3A_84, %get3A_186 : vector<16xf32>
      %get3A_188 = arith.index_cast %scan3A_79 : i32 to index
      %get3A_189 = arith.constant 128 : index
      %get3A_190 = tpu.vector_load %arg11[%get3A_188, %get3A_189] {strides = array<i32>} : memref<64x768xf32, #tpu.memory_space<vmem>>, vector<16xf32>,
      %mul3A_191 = arith.mulf %gather3A_88, %get3A_190 : vector<16xf32>
      %add3A_192 = arith.addf %mul3A_187, %mul3A_191 : vector<16xf32>
      %swap3A_193 = arith.index_cast %scan3A_79 : i32 to index
      %swap3A_194 = arith.constant 128 : index
      %swap3A_195 = tpu.vector_load %arg10[%swap3A_193, %swap3A_194] {strides = array<i32>} : memref<64x768xf32, #tpu.memory_space<vmem>>, vector<16xf32>,
      tpu.vector_store %arg10[%swap3A_193, %swap3A_194], %add3A_192 {strides = array<i32>} : memref<64x768xf32, #tpu.memory_space<vmem>>, vector<16xf32>,
      %get3A_196 = arith.index_cast %scan3A_79 : i32 to index
      %get3A_197 = arith.constant 144 : index
      %get3A_198 = tpu.vector_load %arg10[%get3A_196, %get3A_197] {strides = array<i32>} : memref<64x768xf32, #tpu.memory_space<vmem>>, vector<16xf32>,
      %mul3A_199 = arith.mulf %gather3A_84, %get3A_198 : vector<16xf32>
      %get3A_200 = arith.index_cast %scan3A_79 : i32 to index
      %get3A_201 = arith.constant 144 : index
      %get3A_202 = tpu.vector_load %arg11[%get3A_200, %get3A_201] {strides = array<i32>} : memref<64x768xf32, #tpu.memory_space<vmem>>, vector<16xf32>,
      %mul3A_203 = arith.mulf %gather3A_88, %get3A_202 : vector<16xf32>
      %add3A_204 = arith.addf %mul3A_199, %mul3A_203 : vector<16xf32>
      %swap3A_205 = arith.index_cast %scan3A_79 : i32 to index
      %swap3A_206 = arith.constant 144 : index
      %swap3A_207 = tpu.vector_load %arg10[%swap3A_205, %swap3A_206] {strides = array<i32>} : memref<64x768xf32, #tpu.memory_space<vmem>>, vector<16xf32>,
      tpu.vector_store %arg10[%swap3A_205, %swap3A_206], %add3A_204 {strides = array<i32>} : memref<64x768xf32, #tpu.memory_space<vmem>>, vector<16xf32>,
      %get3A_208 = arith.index_cast %scan3A_79 : i32 to index
      %get3A_209 = arith.constant 160 : index
      %get3A_210 = tpu.vector_load %arg10[%get3A_208, %get3A_209] {strides = array<i32>} : memref<64x768xf32, #tpu.memory_space<vmem>>, vector<16xf32>,
      %mul3A_211 = arith.mulf %gather3A_84, %get3A_210 : vector<16xf32>
      %get3A_212 = arith.index_cast %scan3A_79 : i32 to index
      %get3A_213 = arith.constant 160 : index
      %get3A_214 = tpu.vector_load %arg11[%get3A_212, %get3A_213] {strides = array<i32>} : memref<64x768xf32, #tpu.memory_space<vmem>>, vector<16xf32>,
      %mul3A_215 = arith.mulf %gather3A_88, %get3A_214 : vector<16xf32>
      %add3A_216 = arith.addf %mul3A_211, %mul3A_215 : vector<16xf32>
      %swap3A_217 = arith.index_cast %scan3A_79 : i32 to index
      %swap3A_218 = arith.constant 160 : index
      %swap3A_219 = tpu.vector_load %arg10[%swap3A_217, %swap3A_218] {strides = array<i32>} : memref<64x768xf32, #tpu.memory_space<vmem>>, vector<16xf32>,
      tpu.vector_store %arg10[%swap3A_217, %swap3A_218], %add3A_216 {strides = array<i32>} : memref<64x768xf32, #tpu.memory_space<vmem>>, vector<16xf32>,
      %get3A_220 = arith.index_cast %scan3A_79 : i32 to index
      %get3A_221 = arith.constant 176 : index
      %get3A_222 = tpu.vector_load %arg10[%get3A_220, %get3A_221] {strides = array<i32>} : memref<64x768xf32, #tpu.memory_space<vmem>>, vector<16xf32>,
      %mul3A_223 = arith.mulf %gather3A_84, %get3A_222 : vector<16xf32>
      %get3A_224 = arith.index_cast %scan3A_79 : i32 to index
      %get3A_225 = arith.constant 176 : index
      %get3A_226 = tpu.vector_load %arg11[%get3A_224, %get3A_225] {strides = array<i32>} : memref<64x768xf32, #tpu.memory_space<vmem>>, vector<16xf32>,
      %mul3A_227 = arith.mulf %gather3A_88, %get3A_226 : vector<16xf32>
      %add3A_228 = arith.addf %mul3A_223, %mul3A_227 : vector<16xf32>
      %swap3A_229 = arith.index_cast %scan3A_79 : i32 to index
      %swap3A_230 = arith.constant 176 : index
      %swap3A_231 = tpu.vector_load %arg10[%swap3A_229, %swap3A_230] {strides = array<i32>} : memref<64x768xf32, #tpu.memory_space<vmem>>, vector<16xf32>,
      tpu.vector_store %arg10[%swap3A_229, %swap3A_230], %add3A_228 {strides = array<i32>} : memref<64x768xf32, #tpu.memory_space<vmem>>, vector<16xf32>,
      %get3A_232 = arith.index_cast %scan3A_79 : i32 to index
      %get3A_233 = arith.constant 192 : index
      %get3A_234 = tpu.vector_load %arg10[%get3A_232, %get3A_233] {strides = array<i32>} : memref<64x768xf32, #tpu.memory_space<vmem>>, vector<16xf32>,
      %mul3A_235 = arith.mulf %gather3A_84, %get3A_234 : vector<16xf32>
      %get3A_236 = arith.index_cast %scan3A_79 : i32 to index
      %get3A_237 = arith.constant 192 : index
      %get3A_238 = tpu.vector_load %arg11[%get3A_236, %get3A_237] {strides = array<i32>} : memref<64x768xf32, #tpu.memory_space<vmem>>, vector<16xf32>,
      %mul3A_239 = arith.mulf %gather3A_88, %get3A_238 : vector<16xf32>
      %add3A_240 = arith.addf %mul3A_235, %mul3A_239 : vector<16xf32>
      %swap3A_241 = arith.index_cast %scan3A_79 : i32 to index
      %swap3A_242 = arith.constant 192 : index
      %swap3A_243 = tpu.vector_load %arg10[%swap3A_241, %swap3A_242] {strides = array<i32>} : memref<64x768xf32, #tpu.memory_space<vmem>>, vector<16xf32>,
      tpu.vector_store %arg10[%swap3A_241, %swap3A_242], %add3A_240 {strides = array<i32>} : memref<64x768xf32, #tpu.memory_space<vmem>>, vector<16xf32>,
      %get3A_244 = arith.index_cast %scan3A_79 : i32 to index
      %get3A_245 = arith.constant 208 : index
      %get3A_246 = tpu.vector_load %arg10[%get3A_244, %get3A_245] {strides = array<i32>} : memref<64x768xf32, #tpu.memory_space<vmem>>, vector<16xf32>,
      %mul3A_247 = arith.mulf %gather3A_84, %get3A_246 : vector<16xf32>
      %get3A_248 = arith.index_cast %scan3A_79 : i32 to index
      %get3A_249 = arith.constant 208 : index
      %get3A_250 = tpu.vector_load %arg11[%get3A_248, %get3A_249] {strides = array<i32>} : memref<64x768xf32, #tpu.memory_space<vmem>>, vector<16xf32>,
      %mul3A_251 = arith.mulf %gather3A_88, %get3A_250 : vector<16xf32>
      %add3A_252 = arith.addf %mul3A_247, %mul3A_251 : vector<16xf32>
      %swap3A_253 = arith.index_cast %scan3A_79 : i32 to index
      %swap3A_254 = arith.constant 208 : index
      %swap3A_255 = tpu.vector_load %arg10[%swap3A_253, %swap3A_254] {strides = array<i32>} : memref<64x768xf32, #tpu.memory_space<vmem>>, vector<16xf32>,
      tpu.vector_store %arg10[%swap3A_253, %swap3A_254], %add3A_252 {strides = array<i32>} : memref<64x768xf32, #tpu.memory_space<vmem>>, vector<16xf32>,
      %get3A_256 = arith.index_cast %scan3A_79 : i32 to index
      %get3A_257 = arith.constant 224 : index
      %get3A_258 = tpu.vector_load %arg10[%get3A_256, %get3A_257] {strides = array<i32>} : memref<64x768xf32, #tpu.memory_space<vmem>>, vector<16xf32>,
      %mul3A_259 = arith.mulf %gather3A_84, %get3A_258 : vector<16xf32>
      %get3A_260 = arith.index_cast %scan3A_79 : i32 to index
      %get3A_261 = arith.constant 224 : index
      %get3A_262 = tpu.vector_load %arg11[%get3A_260, %get3A_261] {strides = array<i32>} : memref<64x768xf32, #tpu.memory_space<vmem>>, vector<16xf32>,
      %mul3A_263 = arith.mulf %gather3A_88, %get3A_262 : vector<16xf32>
      %add3A_264 = arith.addf %mul3A_259, %mul3A_263 : vector<16xf32>
      %swap3A_265 = arith.index_cast %scan3A_79 : i32 to index
      %swap3A_266 = arith.constant 224 : index
      %swap3A_267 = tpu.vector_load %arg10[%swap3A_265, %swap3A_266] {strides = array<i32>} : memref<64x768xf32, #tpu.memory_space<vmem>>, vector<16xf32>,
      tpu.vector_store %arg10[%swap3A_265, %swap3A_266], %add3A_264 {strides = array<i32>} : memref<64x768xf32, #tpu.memory_space<vmem>>, vector<16xf32>,
      %get3A_268 = arith.index_cast %scan3A_79 : i32 to index
      %get3A_269 = arith.constant 240 : index
      %get3A_270 = tpu.vector_load %arg10[%get3A_268, %get3A_269] {strides = array<i32>} : memref<64x768xf32, #tpu.memory_space<vmem>>, vector<16xf32>,
      %mul3A_271 = arith.mulf %gather3A_84, %get3A_270 : vector<16xf32>
      %get3A_272 = arith.index_cast %scan3A_79 : i32 to index
      %get3A_273 = arith.constant 240 : index
      %get3A_274 = tpu.vector_load %arg11[%get3A_272, %get3A_273] {strides = array<i32>} : memref<64x768xf32, #tpu.memory_space<vmem>>, vector<16xf32>,
      %mul3A_275 = arith.mulf %gather3A_88, %get3A_274 : vector<16xf32>
      %add3A_276 = arith.addf %mul3A_271, %mul3A_275 : vector<16xf32>
      %swap3A_277 = arith.index_cast %scan3A_79 : i32 to index
      %swap3A_278 = arith.constant 240 : index
      %swap3A_279 = tpu.vector_load %arg10[%swap3A_277, %swap3A_278] {strides = array<i32>} : memref<64x768xf32, #tpu.memory_space<vmem>>, vector<16xf32>,
      tpu.vector_store %arg10[%swap3A_277, %swap3A_278], %add3A_276 {strides = array<i32>} : memref<64x768xf32, #tpu.memory_space<vmem>>, vector<16xf32>,
      %get3A_280 = arith.index_cast %scan3A_79 : i32 to index
      %get3A_281 = arith.constant 256 : index
      %get3A_282 = tpu.vector_load %arg10[%get3A_280, %get3A_281] {strides = array<i32>} : memref<64x768xf32, #tpu.memory_space<vmem>>, vector<16xf32>,
      %mul3A_283 = arith.mulf %gather3A_84, %get3A_282 : vector<16xf32>
      %get3A_284 = arith.index_cast %scan3A_79 : i32 to index
      %get3A_285 = arith.constant 256 : index
      %get3A_286 = tpu.vector_load %arg11[%get3A_284, %get3A_285] {strides = array<i32>} : memref<64x768xf32, #tpu.memory_space<vmem>>, vector<16xf32>,
      %mul3A_287 = arith.mulf %gather3A_88, %get3A_286 : vector<16xf32>
      %add3A_288 = arith.addf %mul3A_283, %mul3A_287 : vector<16xf32>
      %swap3A_289 = arith.index_cast %scan3A_79 : i32 to index
      %swap3A_290 = arith.constant 256 : index
      %swap3A_291 = tpu.vector_load %arg10[%swap3A_289, %swap3A_290] {strides = array<i32>} : memref<64x768xf32, #tpu.memory_space<vmem>>, vector<16xf32>,
      tpu.vector_store %arg10[%swap3A_289, %swap3A_290], %add3A_288 {strides = array<i32>} : memref<64x768xf32, #tpu.memory_space<vmem>>, vector<16xf32>,
      %get3A_292 = arith.index_cast %scan3A_79 : i32 to index
      %get3A_293 = arith.constant 272 : index
      %get3A_294 = tpu.vector_load %arg10[%get3A_292, %get3A_293] {strides = array<i32>} : memref<64x768xf32, #tpu.memory_space<vmem>>, vector<16xf32>,
      %mul3A_295 = arith.mulf %gather3A_84, %get3A_294 : vector<16xf32>
      %get3A_296 = arith.index_cast %scan3A_79 : i32 to index
      %get3A_297 = arith.constant 272 : index
      %get3A_298 = tpu.vector_load %arg11[%get3A_296, %get3A_297] {strides = array<i32>} : memref<64x768xf32, #tpu.memory_space<vmem>>, vector<16xf32>,
      %mul3A_299 = arith.mulf %gather3A_88, %get3A_298 : vector<16xf32>
      %add3A_300 = arith.addf %mul3A_295, %mul3A_299 : vector<16xf32>
      %swap3A_301 = arith.index_cast %scan3A_79 : i32 to index
      %swap3A_302 = arith.constant 272 : index
      %swap3A_303 = tpu.vector_load %arg10[%swap3A_301, %swap3A_302] {strides = array<i32>} : memref<64x768xf32, #tpu.memory_space<vmem>>, vector<16xf32>,
      tpu.vector_store %arg10[%swap3A_301, %swap3A_302], %add3A_300 {strides = array<i32>} : memref<64x768xf32, #tpu.memory_space<vmem>>, vector<16xf32>,
      %get3A_304 = arith.index_cast %scan3A_79 : i32 to index
      %get3A_305 = arith.constant 288 : index
      %get3A_306 = tpu.vector_load %arg10[%get3A_304, %get3A_305] {strides = array<i32>} : memref<64x768xf32, #tpu.memory_space<vmem>>, vector<16xf32>,
      %mul3A_307 = arith.mulf %gather3A_84, %get3A_306 : vector<16xf32>
      %get3A_308 = arith.index_cast %scan3A_79 : i32 to index
      %get3A_309 = arith.constant 288 : index
      %get3A_310 = tpu.vector_load %arg11[%get3A_308, %get3A_309] {strides = array<i32>} : memref<64x768xf32, #tpu.memory_space<vmem>>, vector<16xf32>,
      %mul3A_311 = arith.mulf %gather3A_88, %get3A_310 : vector<16xf32>
      %add3A_312 = arith.addf %mul3A_307, %mul3A_311 : vector<16xf32>
      %swap3A_313 = arith.index_cast %scan3A_79 : i32 to index
      %swap3A_314 = arith.constant 288 : index
      %swap3A_315 = tpu.vector_load %arg10[%swap3A_313, %swap3A_314] {strides = array<i32>} : memref<64x768xf32, #tpu.memory_space<vmem>>, vector<16xf32>,
      tpu.vector_store %arg10[%swap3A_313, %swap3A_314], %add3A_312 {strides = array<i32>} : memref<64x768xf32, #tpu.memory_space<vmem>>, vector<16xf32>,
      %get3A_316 = arith.index_cast %scan3A_79 : i32 to index
      %get3A_317 = arith.constant 304 : index
      %get3A_318 = tpu.vector_load %arg10[%get3A_316, %get3A_317] {strides = array<i32>} : memref<64x768xf32, #tpu.memory_space<vmem>>, vector<16xf32>,
      %mul3A_319 = arith.mulf %gather3A_84, %get3A_318 : vector<16xf32>
      %get3A_320 = arith.index_cast %scan3A_79 : i32 to index
      %get3A_321 = arith.constant 304 : index
      %get3A_322 = tpu.vector_load %arg11[%get3A_320, %get3A_321] {strides = array<i32>} : memref<64x768xf32, #tpu.memory_space<vmem>>, vector<16xf32>,
      %mul3A_323 = arith.mulf %gather3A_88, %get3A_322 : vector<16xf32>
      %add3A_324 = arith.addf %mul3A_319, %mul3A_323 : vector<16xf32>
      %swap3A_325 = arith.index_cast %scan3A_79 : i32 to index
      %swap3A_326 = arith.constant 304 : index
      %swap3A_327 = tpu.vector_load %arg10[%swap3A_325, %swap3A_326] {strides = array<i32>} : memref<64x768xf32, #tpu.memory_space<vmem>>, vector<16xf32>,
      tpu.vector_store %arg10[%swap3A_325, %swap3A_326], %add3A_324 {strides = array<i32>} : memref<64x768xf32, #tpu.memory_space<vmem>>, vector<16xf32>,
      %get3A_328 = arith.index_cast %scan3A_79 : i32 to index
      %get3A_329 = arith.constant 320 : index
      %get3A_330 = tpu.vector_load %arg10[%get3A_328, %get3A_329] {strides = array<i32>} : memref<64x768xf32, #tpu.memory_space<vmem>>, vector<16xf32>,
      %mul3A_331 = arith.mulf %gather3A_84, %get3A_330 : vector<16xf32>
      %get3A_332 = arith.index_cast %scan3A_79 : i32 to index
      %get3A_333 = arith.constant 320 : index
      %get3A_334 = tpu.vector_load %arg11[%get3A_332, %get3A_333] {strides = array<i32>} : memref<64x768xf32, #tpu.memory_space<vmem>>, vector<16xf32>,
      %mul3A_335 = arith.mulf %gather3A_88, %get3A_334 : vector<16xf32>
      %add3A_336 = arith.addf %mul3A_331, %mul3A_335 : vector<16xf32>
      %swap3A_337 = arith.index_cast %scan3A_79 : i32 to index
      %swap3A_338 = arith.constant 320 : index
      %swap3A_339 = tpu.vector_load %arg10[%swap3A_337, %swap3A_338] {strides = array<i32>} : memref<64x768xf32, #tpu.memory_space<vmem>>, vector<16xf32>,
      tpu.vector_store %arg10[%swap3A_337, %swap3A_338], %add3A_336 {strides = array<i32>} : memref<64x768xf32, #tpu.memory_space<vmem>>, vector<16xf32>,
      %get3A_340 = arith.index_cast %scan3A_79 : i32 to index
      %get3A_341 = arith.constant 336 : index
      %get3A_342 = tpu.vector_load %arg10[%get3A_340, %get3A_341] {strides = array<i32>} : memref<64x768xf32, #tpu.memory_space<vmem>>, vector<16xf32>,
      %mul3A_343 = arith.mulf %gather3A_84, %get3A_342 : vector<16xf32>
      %get3A_344 = arith.index_cast %scan3A_79 : i32 to index
      %get3A_345 = arith.constant 336 : index
      %get3A_346 = tpu.vector_load %arg11[%get3A_344, %get3A_345] {strides = array<i32>} : memref<64x768xf32, #tpu.memory_space<vmem>>, vector<16xf32>,
      %mul3A_347 = arith.mulf %gather3A_88, %get3A_346 : vector<16xf32>
      %add3A_348 = arith.addf %mul3A_343, %mul3A_347 : vector<16xf32>
      %swap3A_349 = arith.index_cast %scan3A_79 : i32 to index
      %swap3A_350 = arith.constant 336 : index
      %swap3A_351 = tpu.vector_load %arg10[%swap3A_349, %swap3A_350] {strides = array<i32>} : memref<64x768xf32, #tpu.memory_space<vmem>>, vector<16xf32>,
      tpu.vector_store %arg10[%swap3A_349, %swap3A_350], %add3A_348 {strides = array<i32>} : memref<64x768xf32, #tpu.memory_space<vmem>>, vector<16xf32>,
      %get3A_352 = arith.index_cast %scan3A_79 : i32 to index
      %get3A_353 = arith.constant 352 : index
      %get3A_354 = tpu.vector_load %arg10[%get3A_352, %get3A_353] {strides = array<i32>} : memref<64x768xf32, #tpu.memory_space<vmem>>, vector<16xf32>,
      %mul3A_355 = arith.mulf %gather3A_84, %get3A_354 : vector<16xf32>
      %get3A_356 = arith.index_cast %scan3A_79 : i32 to index
      %get3A_357 = arith.constant 352 : index
      %get3A_358 = tpu.vector_load %arg11[%get3A_356, %get3A_357] {strides = array<i32>} : memref<64x768xf32, #tpu.memory_space<vmem>>, vector<16xf32>,
      %mul3A_359 = arith.mulf %gather3A_88, %get3A_358 : vector<16xf32>
      %add3A_360 = arith.addf %mul3A_355, %mul3A_359 : vector<16xf32>
      %swap3A_361 = arith.index_cast %scan3A_79 : i32 to index
      %swap3A_362 = arith.constant 352 : index
      %swap3A_363 = tpu.vector_load %arg10[%swap3A_361, %swap3A_362] {strides = array<i32>} : memref<64x768xf32, #tpu.memory_space<vmem>>, vector<16xf32>,
      tpu.vector_store %arg10[%swap3A_361, %swap3A_362], %add3A_360 {strides = array<i32>} : memref<64x768xf32, #tpu.memory_space<vmem>>, vector<16xf32>,
      %get3A_364 = arith.index_cast %scan3A_79 : i32 to index
      %get3A_365 = arith.constant 368 : index
      %get3A_366 = tpu.vector_load %arg10[%get3A_364, %get3A_365] {strides = array<i32>} : memref<64x768xf32, #tpu.memory_space<vmem>>, vector<16xf32>,
      %mul3A_367 = arith.mulf %gather3A_84, %get3A_366 : vector<16xf32>
      %get3A_368 = arith.index_cast %scan3A_79 : i32 to index
      %get3A_369 = arith.constant 368 : index
      %get3A_370 = tpu.vector_load %arg11[%get3A_368, %get3A_369] {strides = array<i32>} : memref<64x768xf32, #tpu.memory_space<vmem>>, vector<16xf32>,
      %mul3A_371 = arith.mulf %gather3A_88, %get3A_370 : vector<16xf32>
      %add3A_372 = arith.addf %mul3A_367, %mul3A_371 : vector<16xf32>
      %swap3A_373 = arith.index_cast %scan3A_79 : i32 to index
      %swap3A_374 = arith.constant 368 : index
      %swap3A_375 = tpu.vector_load %arg10[%swap3A_373, %swap3A_374] {strides = array<i32>} : memref<64x768xf32, #tpu.memory_space<vmem>>, vector<16xf32>,
      tpu.vector_store %arg10[%swap3A_373, %swap3A_374], %add3A_372 {strides = array<i32>} : memref<64x768xf32, #tpu.memory_space<vmem>>, vector<16xf32>,
      %get3A_376 = arith.index_cast %scan3A_79 : i32 to index
      %get3A_377 = arith.constant 384 : index
      %get3A_378 = tpu.vector_load %arg10[%get3A_376, %get3A_377] {strides = array<i32>} : memref<64x768xf32, #tpu.memory_space<vmem>>, vector<16xf32>,
      %mul3A_379 = arith.mulf %gather3A_84, %get3A_378 : vector<16xf32>
      %get3A_380 = arith.index_cast %scan3A_79 : i32 to index
      %get3A_381 = arith.constant 384 : index
      %get3A_382 = tpu.vector_load %arg11[%get3A_380, %get3A_381] {strides = array<i32>} : memref<64x768xf32, #tpu.memory_space<vmem>>, vector<16xf32>,
      %mul3A_383 = arith.mulf %gather3A_88, %get3A_382 : vector<16xf32>
      %add3A_384 = arith.addf %mul3A_379, %mul3A_383 : vector<16xf32>
      %swap3A_385 = arith.index_cast %scan3A_79 : i32 to index
      %swap3A_386 = arith.constant 384 : index
      %swap3A_387 = tpu.vector_load %arg10[%swap3A_385, %swap3A_386] {strides = array<i32>} : memref<64x768xf32, #tpu.memory_space<vmem>>, vector<16xf32>,
      tpu.vector_store %arg10[%swap3A_385, %swap3A_386], %add3A_384 {strides = array<i32>} : memref<64x768xf32, #tpu.memory_space<vmem>>, vector<16xf32>,
      %get3A_388 = arith.index_cast %scan3A_79 : i32 to index
      %get3A_389 = arith.constant 400 : index
      %get3A_390 = tpu.vector_load %arg10[%get3A_388, %get3A_389] {strides = array<i32>} : memref<64x768xf32, #tpu.memory_space<vmem>>, vector<16xf32>,
      %mul3A_391 = arith.mulf %gather3A_84, %get3A_390 : vector<16xf32>
      %get3A_392 = arith.index_cast %scan3A_79 : i32 to index
      %get3A_393 = arith.constant 400 : index
      %get3A_394 = tpu.vector_load %arg11[%get3A_392, %get3A_393] {strides = array<i32>} : memref<64x768xf32, #tpu.memory_space<vmem>>, vector<16xf32>,
      %mul3A_395 = arith.mulf %gather3A_88, %get3A_394 : vector<16xf32>
      %add3A_396 = arith.addf %mul3A_391, %mul3A_395 : vector<16xf32>
      %swap3A_397 = arith.index_cast %scan3A_79 : i32 to index
      %swap3A_398 = arith.constant 400 : index
      %swap3A_399 = tpu.vector_load %arg10[%swap3A_397, %swap3A_398] {strides = array<i32>} : memref<64x768xf32, #tpu.memory_space<vmem>>, vector<16xf32>,
      tpu.vector_store %arg10[%swap3A_397, %swap3A_398], %add3A_396 {strides = array<i32>} : memref<64x768xf32, #tpu.memory_space<vmem>>, vector<16xf32>,
      %get3A_400 = arith.index_cast %scan3A_79 : i32 to index
      %get3A_401 = arith.constant 416 : index
      %get3A_402 = tpu.vector_load %arg10[%get3A_400, %get3A_401] {strides = array<i32>} : memref<64x768xf32, #tpu.memory_space<vmem>>, vector<16xf32>,
      %mul3A_403 = arith.mulf %gather3A_84, %get3A_402 : vector<16xf32>
      %get3A_404 = arith.index_cast %scan3A_79 : i32 to index
      %get3A_405 = arith.constant 416 : index
      %get3A_406 = tpu.vector_load %arg11[%get3A_404, %get3A_405] {strides = array<i32>} : memref<64x768xf32, #tpu.memory_space<vmem>>, vector<16xf32>,
      %mul3A_407 = arith.mulf %gather3A_88, %get3A_406 : vector<16xf32>
      %add3A_408 = arith.addf %mul3A_403, %mul3A_407 : vector<16xf32>
      %swap3A_409 = arith.index_cast %scan3A_79 : i32 to index
      %swap3A_410 = arith.constant 416 : index
      %swap3A_411 = tpu.vector_load %arg10[%swap3A_409, %swap3A_410] {strides = array<i32>} : memref<64x768xf32, #tpu.memory_space<vmem>>, vector<16xf32>,
      tpu.vector_store %arg10[%swap3A_409, %swap3A_410], %add3A_408 {strides = array<i32>} : memref<64x768xf32, #tpu.memory_space<vmem>>, vector<16xf32>,
      %get3A_412 = arith.index_cast %scan3A_79 : i32 to index
      %get3A_413 = arith.constant 432 : index
      %get3A_414 = tpu.vector_load %arg10[%get3A_412, %get3A_413] {strides = array<i32>} : memref<64x768xf32, #tpu.memory_space<vmem>>, vector<16xf32>,
      %mul3A_415 = arith.mulf %gather3A_84, %get3A_414 : vector<16xf32>
      %get3A_416 = arith.index_cast %scan3A_79 : i32 to index
      %get3A_417 = arith.constant 432 : index
      %get3A_418 = tpu.vector_load %arg11[%get3A_416, %get3A_417] {strides = array<i32>} : memref<64x768xf32, #tpu.memory_space<vmem>>, vector<16xf32>,
      %mul3A_419 = arith.mulf %gather3A_88, %get3A_418 : vector<16xf32>
      %add3A_420 = arith.addf %mul3A_415, %mul3A_419 : vector<16xf32>
      %swap3A_421 = arith.index_cast %scan3A_79 : i32 to index
      %swap3A_422 = arith.constant 432 : index
      %swap3A_423 = tpu.vector_load %arg10[%swap3A_421, %swap3A_422] {strides = array<i32>} : memref<64x768xf32, #tpu.memory_space<vmem>>, vector<16xf32>,
      tpu.vector_store %arg10[%swap3A_421, %swap3A_422], %add3A_420 {strides = array<i32>} : memref<64x768xf32, #tpu.memory_space<vmem>>, vector<16xf32>,
      %get3A_424 = arith.index_cast %scan3A_79 : i32 to index
      %get3A_425 = arith.constant 448 : index
      %get3A_426 = tpu.vector_load %arg10[%get3A_424, %get3A_425] {strides = array<i32>} : memref<64x768xf32, #tpu.memory_space<vmem>>, vector<16xf32>,
      %mul3A_427 = arith.mulf %gather3A_84, %get3A_426 : vector<16xf32>
      %get3A_428 = arith.index_cast %scan3A_79 : i32 to index
      %get3A_429 = arith.constant 448 : index
      %get3A_430 = tpu.vector_load %arg11[%get3A_428, %get3A_429] {strides = array<i32>} : memref<64x768xf32, #tpu.memory_space<vmem>>, vector<16xf32>,
      %mul3A_431 = arith.mulf %gather3A_88, %get3A_430 : vector<16xf32>
      %add3A_432 = arith.addf %mul3A_427, %mul3A_431 : vector<16xf32>
      %swap3A_433 = arith.index_cast %scan3A_79 : i32 to index
      %swap3A_434 = arith.constant 448 : index
      %swap3A_435 = tpu.vector_load %arg10[%swap3A_433, %swap3A_434] {strides = array<i32>} : memref<64x768xf32, #tpu.memory_space<vmem>>, vector<16xf32>,
      tpu.vector_store %arg10[%swap3A_433, %swap3A_434], %add3A_432 {strides = array<i32>} : memref<64x768xf32, #tpu.memory_space<vmem>>, vector<16xf32>,
      %get3A_436 = arith.index_cast %scan3A_79 : i32 to index
      %get3A_437 = arith.constant 464 : index
      %get3A_438 = tpu.vector_load %arg10[%get3A_436, %get3A_437] {strides = array<i32>} : memref<64x768xf32, #tpu.memory_space<vmem>>, vector<16xf32>,
      %mul3A_439 = arith.mulf %gather3A_84, %get3A_438 : vector<16xf32>
      %get3A_440 = arith.index_cast %scan3A_79 : i32 to index
      %get3A_441 = arith.constant 464 : index
      %get3A_442 = tpu.vector_load %arg11[%get3A_440, %get3A_441] {strides = array<i32>} : memref<64x768xf32, #tpu.memory_space<vmem>>, vector<16xf32>,
      %mul3A_443 = arith.mulf %gather3A_88, %get3A_442 : vector<16xf32>
      %add3A_444 = arith.addf %mul3A_439, %mul3A_443 : vector<16xf32>
      %swap3A_445 = arith.index_cast %scan3A_79 : i32 to index
      %swap3A_446 = arith.constant 464 : index
      %swap3A_447 = tpu.vector_load %arg10[%swap3A_445, %swap3A_446] {strides = array<i32>} : memref<64x768xf32, #tpu.memory_space<vmem>>, vector<16xf32>,
      tpu.vector_store %arg10[%swap3A_445, %swap3A_446], %add3A_444 {strides = array<i32>} : memref<64x768xf32, #tpu.memory_space<vmem>>, vector<16xf32>,
      %get3A_448 = arith.index_cast %scan3A_79 : i32 to index
      %get3A_449 = arith.constant 480 : index
      %get3A_450 = tpu.vector_load %arg10[%get3A_448, %get3A_449] {strides = array<i32>} : memref<64x768xf32, #tpu.memory_space<vmem>>, vector<16xf32>,
      %mul3A_451 = arith.mulf %gather3A_84, %get3A_450 : vector<16xf32>
      %get3A_452 = arith.index_cast %scan3A_79 : i32 to index
      %get3A_453 = arith.constant 480 : index
      %get3A_454 = tpu.vector_load %arg11[%get3A_452, %get3A_453] {strides = array<i32>} : memref<64x768xf32, #tpu.memory_space<vmem>>, vector<16xf32>,
      %mul3A_455 = arith.mulf %gather3A_88, %get3A_454 : vector<16xf32>
      %add3A_456 = arith.addf %mul3A_451, %mul3A_455 : vector<16xf32>
      %swap3A_457 = arith.index_cast %scan3A_79 : i32 to index
      %swap3A_458 = arith.constant 480 : index
      %swap3A_459 = tpu.vector_load %arg10[%swap3A_457, %swap3A_458] {strides = array<i32>} : memref<64x768xf32, #tpu.memory_space<vmem>>, vector<16xf32>,
      tpu.vector_store %arg10[%swap3A_457, %swap3A_458], %add3A_456 {strides = array<i32>} : memref<64x768xf32, #tpu.memory_space<vmem>>, vector<16xf32>,
      %get3A_460 = arith.index_cast %scan3A_79 : i32 to index
      %get3A_461 = arith.constant 496 : index
      %get3A_462 = tpu.vector_load %arg10[%get3A_460, %get3A_461] {strides = array<i32>} : memref<64x768xf32, #tpu.memory_space<vmem>>, vector<16xf32>,
      %mul3A_463 = arith.mulf %gather3A_84, %get3A_462 : vector<16xf32>
      %get3A_464 = arith.index_cast %scan3A_79 : i32 to index
      %get3A_465 = arith.constant 496 : index
      %get3A_466 = tpu.vector_load %arg11[%get3A_464, %get3A_465] {strides = array<i32>} : memref<64x768xf32, #tpu.memory_space<vmem>>, vector<16xf32>,
      %mul3A_467 = arith.mulf %gather3A_88, %get3A_466 : vector<16xf32>
      %add3A_468 = arith.addf %mul3A_463, %mul3A_467 : vector<16xf32>
      %swap3A_469 = arith.index_cast %scan3A_79 : i32 to index
      %swap3A_470 = arith.constant 496 : index
      %swap3A_471 = tpu.vector_load %arg10[%swap3A_469, %swap3A_470] {strides = array<i32>} : memref<64x768xf32, #tpu.memory_space<vmem>>, vector<16xf32>,
      tpu.vector_store %arg10[%swap3A_469, %swap3A_470], %add3A_468 {strides = array<i32>} : memref<64x768xf32, #tpu.memory_space<vmem>>, vector<16xf32>,
      %get3A_472 = arith.index_cast %scan3A_79 : i32 to index
      %get3A_473 = arith.constant 512 : index
      %get3A_474 = tpu.vector_load %arg10[%get3A_472, %get3A_473] {strides = array<i32>} : memref<64x768xf32, #tpu.memory_space<vmem>>, vector<16xf32>,
      %mul3A_475 = arith.mulf %gather3A_84, %get3A_474 : vector<16xf32>
      %get3A_476 = arith.index_cast %scan3A_79 : i32 to index
      %get3A_477 = arith.constant 512 : index
      %get3A_478 = tpu.vector_load %arg11[%get3A_476, %get3A_477] {strides = array<i32>} : memref<64x768xf32, #tpu.memory_space<vmem>>, vector<16xf32>,
      %mul3A_479 = arith.mulf %gather3A_88, %get3A_478 : vector<16xf32>
      %add3A_480 = arith.addf %mul3A_475, %mul3A_479 : vector<16xf32>
      %swap3A_481 = arith.index_cast %scan3A_79 : i32 to index
      %swap3A_482 = arith.constant 512 : index
      %swap3A_483 = tpu.vector_load %arg10[%swap3A_481, %swap3A_482] {strides = array<i32>} : memref<64x768xf32, #tpu.memory_space<vmem>>, vector<16xf32>,
      tpu.vector_store %arg10[%swap3A_481, %swap3A_482], %add3A_480 {strides = array<i32>} : memref<64x768xf32, #tpu.memory_space<vmem>>, vector<16xf32>,
      %get3A_484 = arith.index_cast %scan3A_79 : i32 to index
      %get3A_485 = arith.constant 528 : index
      %get3A_486 = tpu.vector_load %arg10[%get3A_484, %get3A_485] {strides = array<i32>} : memref<64x768xf32, #tpu.memory_space<vmem>>, vector<16xf32>,
      %mul3A_487 = arith.mulf %gather3A_84, %get3A_486 : vector<16xf32>
      %get3A_488 = arith.index_cast %scan3A_79 : i32 to index
      %get3A_489 = arith.constant 528 : index
      %get3A_490 = tpu.vector_load %arg11[%get3A_488, %get3A_489] {strides = array<i32>} : memref<64x768xf32, #tpu.memory_space<vmem>>, vector<16xf32>,
      %mul3A_491 = arith.mulf %gather3A_88, %get3A_490 : vector<16xf32>
      %add3A_492 = arith.addf %mul3A_487, %mul3A_491 : vector<16xf32>
      %swap3A_493 = arith.index_cast %scan3A_79 : i32 to index
      %swap3A_494 = arith.constant 528 : index
      %swap3A_495 = tpu.vector_load %arg10[%swap3A_493, %swap3A_494] {strides = array<i32>} : memref<64x768xf32, #tpu.memory_space<vmem>>, vector<16xf32>,
      tpu.vector_store %arg10[%swap3A_493, %swap3A_494], %add3A_492 {strides = array<i32>} : memref<64x768xf32, #tpu.memory_space<vmem>>, vector<16xf32>,
      %get3A_496 = arith.index_cast %scan3A_79 : i32 to index
      %get3A_497 = arith.constant 544 : index
      %get3A_498 = tpu.vector_load %arg10[%get3A_496, %get3A_497] {strides = array<i32>} : memref<64x768xf32, #tpu.memory_space<vmem>>, vector<16xf32>,
      %mul3A_499 = arith.mulf %gather3A_84, %get3A_498 : vector<16xf32>
      %get3A_500 = arith.index_cast %scan3A_79 : i32 to index
      %get3A_501 = arith.constant 544 : index
      %get3A_502 = tpu.vector_load %arg11[%get3A_500, %get3A_501] {strides = array<i32>} : memref<64x768xf32, #tpu.memory_space<vmem>>, vector<16xf32>,
      %mul3A_503 = arith.mulf %gather3A_88, %get3A_502 : vector<16xf32>
      %add3A_504 = arith.addf %mul3A_499, %mul3A_503 : vector<16xf32>
      %swap3A_505 = arith.index_cast %scan3A_79 : i32 to index
      %swap3A_506 = arith.constant 544 : index
      %swap3A_507 = tpu.vector_load %arg10[%swap3A_505, %swap3A_506] {strides = array<i32>} : memref<64x768xf32, #tpu.memory_space<vmem>>, vector<16xf32>,
      tpu.vector_store %arg10[%swap3A_505, %swap3A_506], %add3A_504 {strides = array<i32>} : memref<64x768xf32, #tpu.memory_space<vmem>>, vector<16xf32>,
      %get3A_508 = arith.index_cast %scan3A_79 : i32 to index
      %get3A_509 = arith.constant 560 : index
      %get3A_510 = tpu.vector_load %arg10[%get3A_508, %get3A_509] {strides = array<i32>} : memref<64x768xf32, #tpu.memory_space<vmem>>, vector<16xf32>,
      %mul3A_511 = arith.mulf %gather3A_84, %get3A_510 : vector<16xf32>
      %get3A_512 = arith.index_cast %scan3A_79 : i32 to index
      %get3A_513 = arith.constant 560 : index
      %get3A_514 = tpu.vector_load %arg11[%get3A_512, %get3A_513] {strides = array<i32>} : memref<64x768xf32, #tpu.memory_space<vmem>>, vector<16xf32>,
      %mul3A_515 = arith.mulf %gather3A_88, %get3A_514 : vector<16xf32>
      %add3A_516 = arith.addf %mul3A_511, %mul3A_515 : vector<16xf32>
      %swap3A_517 = arith.index_cast %scan3A_79 : i32 to index
      %swap3A_518 = arith.constant 560 : index
      %swap3A_519 = tpu.vector_load %arg10[%swap3A_517, %swap3A_518] {strides = array<i32>} : memref<64x768xf32, #tpu.memory_space<vmem>>, vector<16xf32>,
      tpu.vector_store %arg10[%swap3A_517, %swap3A_518], %add3A_516 {strides = array<i32>} : memref<64x768xf32, #tpu.memory_space<vmem>>, vector<16xf32>,
      %get3A_520 = arith.index_cast %scan3A_79 : i32 to index
      %get3A_521 = arith.constant 576 : index
      %get3A_522 = tpu.vector_load %arg10[%get3A_520, %get3A_521] {strides = array<i32>} : memref<64x768xf32, #tpu.memory_space<vmem>>, vector<16xf32>,
      %mul3A_523 = arith.mulf %gather3A_84, %get3A_522 : vector<16xf32>
      %get3A_524 = arith.index_cast %scan3A_79 : i32 to index
      %get3A_525 = arith.constant 576 : index
      %get3A_526 = tpu.vector_load %arg11[%get3A_524, %get3A_525] {strides = array<i32>} : memref<64x768xf32, #tpu.memory_space<vmem>>, vector<16xf32>,
      %mul3A_527 = arith.mulf %gather3A_88, %get3A_526 : vector<16xf32>
      %add3A_528 = arith.addf %mul3A_523, %mul3A_527 : vector<16xf32>
      %swap3A_529 = arith.index_cast %scan3A_79 : i32 to index
      %swap3A_530 = arith.constant 576 : index
      %swap3A_531 = tpu.vector_load %arg10[%swap3A_529, %swap3A_530] {strides = array<i32>} : memref<64x768xf32, #tpu.memory_space<vmem>>, vector<16xf32>,
      tpu.vector_store %arg10[%swap3A_529, %swap3A_530], %add3A_528 {strides = array<i32>} : memref<64x768xf32, #tpu.memory_space<vmem>>, vector<16xf32>,
      %get3A_532 = arith.index_cast %scan3A_79 : i32 to index
      %get3A_533 = arith.constant 592 : index
      %get3A_534 = tpu.vector_load %arg10[%get3A_532, %get3A_533] {strides = array<i32>} : memref<64x768xf32, #tpu.memory_space<vmem>>, vector<16xf32>,
      %mul3A_535 = arith.mulf %gather3A_84, %get3A_534 : vector<16xf32>
      %get3A_536 = arith.index_cast %scan3A_79 : i32 to index
      %get3A_537 = arith.constant 592 : index
      %get3A_538 = tpu.vector_load %arg11[%get3A_536, %get3A_537] {strides = array<i32>} : memref<64x768xf32, #tpu.memory_space<vmem>>, vector<16xf32>,
      %mul3A_539 = arith.mulf %gather3A_88, %get3A_538 : vector<16xf32>
      %add3A_540 = arith.addf %mul3A_535, %mul3A_539 : vector<16xf32>
      %swap3A_541 = arith.index_cast %scan3A_79 : i32 to index
      %swap3A_542 = arith.constant 592 : index
      %swap3A_543 = tpu.vector_load %arg10[%swap3A_541, %swap3A_542] {strides = array<i32>} : memref<64x768xf32, #tpu.memory_space<vmem>>, vector<16xf32>,
      tpu.vector_store %arg10[%swap3A_541, %swap3A_542], %add3A_540 {strides = array<i32>} : memref<64x768xf32, #tpu.memory_space<vmem>>, vector<16xf32>,
      %get3A_544 = arith.index_cast %scan3A_79 : i32 to index
      %get3A_545 = arith.constant 608 : index
      %get3A_546 = tpu.vector_load %arg10[%get3A_544, %get3A_545] {strides = array<i32>} : memref<64x768xf32, #tpu.memory_space<vmem>>, vector<16xf32>,
      %mul3A_547 = arith.mulf %gather3A_84, %get3A_546 : vector<16xf32>
      %get3A_548 = arith.index_cast %scan3A_79 : i32 to index
      %get3A_549 = arith.constant 608 : index
      %get3A_550 = tpu.vector_load %arg11[%get3A_548, %get3A_549] {strides = array<i32>} : memref<64x768xf32, #tpu.memory_space<vmem>>, vector<16xf32>,
      %mul3A_551 = arith.mulf %gather3A_88, %get3A_550 : vector<16xf32>
      %add3A_552 = arith.addf %mul3A_547, %mul3A_551 : vector<16xf32>
      %swap3A_553 = arith.index_cast %scan3A_79 : i32 to index
      %swap3A_554 = arith.constant 608 : index
      %swap3A_555 = tpu.vector_load %arg10[%swap3A_553, %swap3A_554] {strides = array<i32>} : memref<64x768xf32, #tpu.memory_space<vmem>>, vector<16xf32>,
      tpu.vector_store %arg10[%swap3A_553, %swap3A_554], %add3A_552 {strides = array<i32>} : memref<64x768xf32, #tpu.memory_space<vmem>>, vector<16xf32>,
      %get3A_556 = arith.index_cast %scan3A_79 : i32 to index
      %get3A_557 = arith.constant 624 : index
      %get3A_558 = tpu.vector_load %arg10[%get3A_556, %get3A_557] {strides = array<i32>} : memref<64x768xf32, #tpu.memory_space<vmem>>, vector<16xf32>,
      %mul3A_559 = arith.mulf %gather3A_84, %get3A_558 : vector<16xf32>
      %get3A_560 = arith.index_cast %scan3A_79 : i32 to index
      %get3A_561 = arith.constant 624 : index
      %get3A_562 = tpu.vector_load %arg11[%get3A_560, %get3A_561] {strides = array<i32>} : memref<64x768xf32, #tpu.memory_space<vmem>>, vector<16xf32>,
      %mul3A_563 = arith.mulf %gather3A_88, %get3A_562 : vector<16xf32>
      %add3A_564 = arith.addf %mul3A_559, %mul3A_563 : vector<16xf32>
      %swap3A_565 = arith.index_cast %scan3A_79 : i32 to index
      %swap3A_566 = arith.constant 624 : index
      %swap3A_567 = tpu.vector_load %arg10[%swap3A_565, %swap3A_566] {strides = array<i32>} : memref<64x768xf32, #tpu.memory_space<vmem>>, vector<16xf32>,
      tpu.vector_store %arg10[%swap3A_565, %swap3A_566], %add3A_564 {strides = array<i32>} : memref<64x768xf32, #tpu.memory_space<vmem>>, vector<16xf32>,
      %get3A_568 = arith.index_cast %scan3A_79 : i32 to index
      %get3A_569 = arith.constant 640 : index
      %get3A_570 = tpu.vector_load %arg10[%get3A_568, %get3A_569] {strides = array<i32>} : memref<64x768xf32, #tpu.memory_space<vmem>>, vector<16xf32>,
      %mul3A_571 = arith.mulf %gather3A_84, %get3A_570 : vector<16xf32>
      %get3A_572 = arith.index_cast %scan3A_79 : i32 to index
      %get3A_573 = arith.constant 640 : index
      %get3A_574 = tpu.vector_load %arg11[%get3A_572, %get3A_573] {strides = array<i32>} : memref<64x768xf32, #tpu.memory_space<vmem>>, vector<16xf32>,
      %mul3A_575 = arith.mulf %gather3A_88, %get3A_574 : vector<16xf32>
      %add3A_576 = arith.addf %mul3A_571, %mul3A_575 : vector<16xf32>
      %swap3A_577 = arith.index_cast %scan3A_79 : i32 to index
      %swap3A_578 = arith.constant 640 : index
      %swap3A_579 = tpu.vector_load %arg10[%swap3A_577, %swap3A_578] {strides = array<i32>} : memref<64x768xf32, #tpu.memory_space<vmem>>, vector<16xf32>,
      tpu.vector_store %arg10[%swap3A_577, %swap3A_578], %add3A_576 {strides = array<i32>} : memref<64x768xf32, #tpu.memory_space<vmem>>, vector<16xf32>,
      %get3A_580 = arith.index_cast %scan3A_79 : i32 to index
      %get3A_581 = arith.constant 656 : index
      %get3A_582 = tpu.vector_load %arg10[%get3A_580, %get3A_581] {strides = array<i32>} : memref<64x768xf32, #tpu.memory_space<vmem>>, vector<16xf32>,
      %mul3A_583 = arith.mulf %gather3A_84, %get3A_582 : vector<16xf32>
      %get3A_584 = arith.index_cast %scan3A_79 : i32 to index
      %get3A_585 = arith.constant 656 : index
      %get3A_586 = tpu.vector_load %arg11[%get3A_584, %get3A_585] {strides = array<i32>} : memref<64x768xf32, #tpu.memory_space<vmem>>, vector<16xf32>,
      %mul3A_587 = arith.mulf %gather3A_88, %get3A_586 : vector<16xf32>
      %add3A_588 = arith.addf %mul3A_583, %mul3A_587 : vector<16xf32>
      %swap3A_589 = arith.index_cast %scan3A_79 : i32 to index
      %swap3A_590 = arith.constant 656 : index
      %swap3A_591 = tpu.vector_load %arg10[%swap3A_589, %swap3A_590] {strides = array<i32>} : memref<64x768xf32, #tpu.memory_space<vmem>>, vector<16xf32>,
      tpu.vector_store %arg10[%swap3A_589, %swap3A_590], %add3A_588 {strides = array<i32>} : memref<64x768xf32, #tpu.memory_space<vmem>>, vector<16xf32>,
      %get3A_592 = arith.index_cast %scan3A_79 : i32 to index
      %get3A_593 = arith.constant 672 : index
      %get3A_594 = tpu.vector_load %arg10[%get3A_592, %get3A_593] {strides = array<i32>} : memref<64x768xf32, #tpu.memory_space<vmem>>, vector<16xf32>,
      %mul3A_595 = arith.mulf %gather3A_84, %get3A_594 : vector<16xf32>
      %get3A_596 = arith.index_cast %scan3A_79 : i32 to index
      %get3A_597 = arith.constant 672 : index
      %get3A_598 = tpu.vector_load %arg11[%get3A_596, %get3A_597] {strides = array<i32>} : memref<64x768xf32, #tpu.memory_space<vmem>>, vector<16xf32>,
      %mul3A_599 = arith.mulf %gather3A_88, %get3A_598 : vector<16xf32>
      %add3A_600 = arith.addf %mul3A_595, %mul3A_599 : vector<16xf32>
      %swap3A_601 = arith.index_cast %scan3A_79 : i32 to index
      %swap3A_602 = arith.constant 672 : index
      %swap3A_603 = tpu.vector_load %arg10[%swap3A_601, %swap3A_602] {strides = array<i32>} : memref<64x768xf32, #tpu.memory_space<vmem>>, vector<16xf32>,
      tpu.vector_store %arg10[%swap3A_601, %swap3A_602], %add3A_600 {strides = array<i32>} : memref<64x768xf32, #tpu.memory_space<vmem>>, vector<16xf32>,
      %get3A_604 = arith.index_cast %scan3A_79 : i32 to index
      %get3A_605 = arith.constant 688 : index
      %get3A_606 = tpu.vector_load %arg10[%get3A_604, %get3A_605] {strides = array<i32>} : memref<64x768xf32, #tpu.memory_space<vmem>>, vector<16xf32>,
      %mul3A_607 = arith.mulf %gather3A_84, %get3A_606 : vector<16xf32>
      %get3A_608 = arith.index_cast %scan3A_79 : i32 to index
      %get3A_609 = arith.constant 688 : index
      %get3A_610 = tpu.vector_load %arg11[%get3A_608, %get3A_609] {strides = array<i32>} : memref<64x768xf32, #tpu.memory_space<vmem>>, vector<16xf32>,
      %mul3A_611 = arith.mulf %gather3A_88, %get3A_610 : vector<16xf32>
      %add3A_612 = arith.addf %mul3A_607, %mul3A_611 : vector<16xf32>
      %swap3A_613 = arith.index_cast %scan3A_79 : i32 to index
      %swap3A_614 = arith.constant 688 : index
      %swap3A_615 = tpu.vector_load %arg10[%swap3A_613, %swap3A_614] {strides = array<i32>} : memref<64x768xf32, #tpu.memory_space<vmem>>, vector<16xf32>,
      tpu.vector_store %arg10[%swap3A_613, %swap3A_614], %add3A_612 {strides = array<i32>} : memref<64x768xf32, #tpu.memory_space<vmem>>, vector<16xf32>,
      %get3A_616 = arith.index_cast %scan3A_79 : i32 to index
      %get3A_617 = arith.constant 704 : index
      %get3A_618 = tpu.vector_load %arg10[%get3A_616, %get3A_617] {strides = array<i32>} : memref<64x768xf32, #tpu.memory_space<vmem>>, vector<16xf32>,
      %mul3A_619 = arith.mulf %gather3A_84, %get3A_618 : vector<16xf32>
      %get3A_620 = arith.index_cast %scan3A_79 : i32 to index
      %get3A_621 = arith.constant 704 : index
      %get3A_622 = tpu.vector_load %arg11[%get3A_620, %get3A_621] {strides = array<i32>} : memref<64x768xf32, #tpu.memory_space<vmem>>, vector<16xf32>,
      %mul3A_623 = arith.mulf %gather3A_88, %get3A_622 : vector<16xf32>
      %add3A_624 = arith.addf %mul3A_619, %mul3A_623 : vector<16xf32>
      %swap3A_625 = arith.index_cast %scan3A_79 : i32 to index
      %swap3A_626 = arith.constant 704 : index
      %swap3A_627 = tpu.vector_load %arg10[%swap3A_625, %swap3A_626] {strides = array<i32>} : memref<64x768xf32, #tpu.memory_space<vmem>>, vector<16xf32>,
      tpu.vector_store %arg10[%swap3A_625, %swap3A_626], %add3A_624 {strides = array<i32>} : memref<64x768xf32, #tpu.memory_space<vmem>>, vector<16xf32>,
      %get3A_628 = arith.index_cast %scan3A_79 : i32 to index
      %get3A_629 = arith.constant 720 : index
      %get3A_630 = tpu.vector_load %arg10[%get3A_628, %get3A_629] {strides = array<i32>} : memref<64x768xf32, #tpu.memory_space<vmem>>, vector<16xf32>,
      %mul3A_631 = arith.mulf %gather3A_84, %get3A_630 : vector<16xf32>
      %get3A_632 = arith.index_cast %scan3A_79 : i32 to index
      %get3A_633 = arith.constant 720 : index
      %get3A_634 = tpu.vector_load %arg11[%get3A_632, %get3A_633] {strides = array<i32>} : memref<64x768xf32, #tpu.memory_space<vmem>>, vector<16xf32>,
      %mul3A_635 = arith.mulf %gather3A_88, %get3A_634 : vector<16xf32>
      %add3A_636 = arith.addf %mul3A_631, %mul3A_635 : vector<16xf32>
      %swap3A_637 = arith.index_cast %scan3A_79 : i32 to index
      %swap3A_638 = arith.constant 720 : index
      %swap3A_639 = tpu.vector_load %arg10[%swap3A_637, %swap3A_638] {strides = array<i32>} : memref<64x768xf32, #tpu.memory_space<vmem>>, vector<16xf32>,
      tpu.vector_store %arg10[%swap3A_637, %swap3A_638], %add3A_636 {strides = array<i32>} : memref<64x768xf32, #tpu.memory_space<vmem>>, vector<16xf32>,
      %get3A_640 = arith.index_cast %scan3A_79 : i32 to index
      %get3A_641 = arith.constant 736 : index
      %get3A_642 = tpu.vector_load %arg10[%get3A_640, %get3A_641] {strides = array<i32>} : memref<64x768xf32, #tpu.memory_space<vmem>>, vector<16xf32>,
      %mul3A_643 = arith.mulf %gather3A_84, %get3A_642 : vector<16xf32>
      %get3A_644 = arith.index_cast %scan3A_79 : i32 to index
      %get3A_645 = arith.constant 736 : index
      %get3A_646 = tpu.vector_load %arg11[%get3A_644, %get3A_645] {strides = array<i32>} : memref<64x768xf32, #tpu.memory_space<vmem>>, vector<16xf32>,
      %mul3A_647 = arith.mulf %gather3A_88, %get3A_646 : vector<16xf32>
      %add3A_648 = arith.addf %mul3A_643, %mul3A_647 : vector<16xf32>
      %swap3A_649 = arith.index_cast %scan3A_79 : i32 to index
      %swap3A_650 = arith.constant 736 : index
      %swap3A_651 = tpu.vector_load %arg10[%swap3A_649, %swap3A_650] {strides = array<i32>} : memref<64x768xf32, #tpu.memory_space<vmem>>, vector<16xf32>,
      tpu.vector_store %arg10[%swap3A_649, %swap3A_650], %add3A_648 {strides = array<i32>} : memref<64x768xf32, #tpu.memory_space<vmem>>, vector<16xf32>,
      %get3A_652 = arith.index_cast %scan3A_79 : i32 to index
      %get3A_653 = arith.constant 752 : index
      %get3A_654 = tpu.vector_load %arg10[%get3A_652, %get3A_653] {strides = array<i32>} : memref<64x768xf32, #tpu.memory_space<vmem>>, vector<16xf32>,
      %mul3A_655 = arith.mulf %gather3A_84, %get3A_654 : vector<16xf32>
      %get3A_656 = arith.index_cast %scan3A_79 : i32 to index
      %get3A_657 = arith.constant 752 : index
      %get3A_658 = tpu.vector_load %arg11[%get3A_656, %get3A_657] {strides = array<i32>} : memref<64x768xf32, #tpu.memory_space<vmem>>, vector<16xf32>,
      %mul3A_659 = arith.mulf %gather3A_88, %get3A_658 : vector<16xf32>
      %add3A_660 = arith.addf %mul3A_655, %mul3A_659 : vector<16xf32>
      %swap3A_661 = arith.index_cast %scan3A_79 : i32 to index
      %swap3A_662 = arith.constant 752 : index
      %swap3A_663 = tpu.vector_load %arg10[%swap3A_661, %swap3A_662] {strides = array<i32>} : memref<64x768xf32, #tpu.memory_space<vmem>>, vector<16xf32>,
      tpu.vector_store %arg10[%swap3A_661, %swap3A_662], %add3A_660 {strides = array<i32>} : memref<64x768xf32, #tpu.memory_space<vmem>>, vector<16xf32>,
      %scan3A_664 = arith.constant 0 : i32
      scf.yield %scan3A_664 : i32
    }
    %scan3A_76 = arith.constant 64 : i32
    %mul3A_77 = arith.constant 64 : i32
    %mul3A_78 = arith.muli %add3A, %mul3A_77 : i32
    "tpu.region"() ({
      %run_scoped3A = tpu.sem_alloc : memref<!tpu.dma_semaphore, #tpu.memory_space<semaphore_mem>>
      %dma_start3A_79 = arith.constant 0 : i32
      %dma_start3A_80 = tpu.memref_slice %arg5[%mul3A_78, %dma_start3A_79] : memref<2048x768xf32, #tpu.memory_space<hbm>> -> memref<64x768xf32, #tpu.memory_space<hbm>>
      %dma_start3A_81 = arith.constant 0 : i32
      %dma_start3A_82 = tpu.memref_slice %arg5[%mul3A_78, %dma_start3A_81] : memref<2048x768xf32, #tpu.memory_space<hbm>> -> memref<64x768xf32, #tpu.memory_space<hbm>>
      tpu.enqueue_dma source(%arg10 : memref<64x768xf32, #tpu.memory_space<vmem>>) target(%dma_start3A_82 : memref<64x768xf32, #tpu.memory_space<hbm>>) target_semaphore(%run_scoped3A : memref<!tpu.dma_semaphore, #tpu.memory_space<semaphore_mem>>)
      %dma_wait3A_83 = arith.constant 0 : i32
      %dma_wait3A_84 = tpu.memref_slice %arg5[%mul3A_78, %dma_wait3A_83] : memref<2048x768xf32, #tpu.memory_space<hbm>> -> memref<64x768xf32, #tpu.memory_space<hbm>>
      %dma_wait3A_85 = arith.constant 0 : i32
      %dma_wait3A_86 = tpu.memref_slice %arg5[%mul3A_78, %dma_wait3A_85] : memref<2048x768xf32, #tpu.memory_space<hbm>> -> memref<64x768xf32, #tpu.memory_space<hbm>>
      tpu.wait_dma2 semaphore(%run_scoped3A : memref<!tpu.dma_semaphore, #tpu.memory_space<semaphore_mem>>) src(%arg10 : memref<64x768xf32, #tpu.memory_space<vmem>>) dst(%dma_wait3A_86 : memref<64x768xf32, #tpu.memory_space<hbm>>)
      tpu.yield
    }) : () -> ()
    return
  }
}

#map = affine_map<(d0, d1) -> (0, 0)>
module attributes {stable_mosaic.version = 14 : i64} {
  func.func @rowscatter_kernel(%arg0: i32, %arg1: i32, %arg2: memref<2048x768xf32, #tpu.memory_space<hbm>>, %arg3: memref<2048x2xi32, #tpu.memory_space<hbm>>, %arg4: memref<12288x768xf32, #tpu.memory_space<hbm>>, %arg5: memref<64x2xi32, #tpu.memory_space<vmem>>, %arg6: memref<64xi32, #tpu.memory_space<vmem>>, %arg7: memref<64xi32, #tpu.memory_space<vmem>>, %arg8: memref<64x768xf32, #tpu.memory_space<vmem>>, %arg9: memref<!tpu.dma_semaphore, #tpu.memory_space<semaphore_mem>>, %arg10: memref<!tpu.dma_semaphore, #tpu.memory_space<semaphore_mem>>) attributes {dimension_semantics = [#tpu.dimension_semantics<core_parallel>, #tpu.dimension_semantics<subcore_parallel>], iteration_bounds = array<i64: 2, 16>, scalar_prefetch = 0 : i64, scratch_operands = 6 : i64, tpu.core_type = #tpu.core_type<sc_vector_subcore>, window_params = [{transform_indices = #map}, {transform_indices = #map}, {transform_indices = #map}]} {
    %mul3A = arith.constant 2 : i32
    %mul3A_0 = arith.muli %arg1, %mul3A : i32
    %add3A = arith.addi %mul3A_0, %arg0 : i32
    %mul3A_1 = arith.constant 64 : i32
    %mul3A_2 = arith.muli %add3A, %mul3A_1 : i32
    %dma_start3A = arith.constant 0 : i32
    %dma_start3A_3 = tpu.memref_slice %arg2[%mul3A_2, %dma_start3A] : memref<2048x768xf32, #tpu.memory_space<hbm>> -> memref<64x768xf32, #tpu.memory_space<hbm>>
    %dma_start3A_4 = arith.constant 0 : i32
    %dma_start3A_5 = tpu.memref_slice %arg2[%mul3A_2, %dma_start3A_4] : memref<2048x768xf32, #tpu.memory_space<hbm>> -> memref<64x768xf32, #tpu.memory_space<hbm>>
    tpu.enqueue_dma source(%dma_start3A_5 : memref<64x768xf32, #tpu.memory_space<hbm>>) target(%arg8 : memref<64x768xf32, #tpu.memory_space<vmem>>) target_semaphore(%arg10 : memref<!tpu.dma_semaphore, #tpu.memory_space<semaphore_mem>>)
    %mul3A_6 = arith.constant 64 : i32
    %mul3A_7 = arith.muli %add3A, %mul3A_6 : i32
    "tpu.region"() ({
      %run_scoped3A = tpu.sem_alloc : memref<!tpu.dma_semaphore, #tpu.memory_space<semaphore_mem>>
      %dma_start3A_79 = arith.constant 0 : i32
      %dma_start3A_80 = tpu.memref_slice %arg3[%mul3A_7, %dma_start3A_79] : memref<2048x2xi32, #tpu.memory_space<hbm>> -> memref<64x2xi32, #tpu.memory_space<hbm>>
      %dma_start3A_81 = arith.constant 0 : i32
      %dma_start3A_82 = tpu.memref_slice %arg3[%mul3A_7, %dma_start3A_81] : memref<2048x2xi32, #tpu.memory_space<hbm>> -> memref<64x2xi32, #tpu.memory_space<hbm>>
      tpu.enqueue_dma source(%dma_start3A_82 : memref<64x2xi32, #tpu.memory_space<hbm>>) target(%arg5 : memref<64x2xi32, #tpu.memory_space<vmem>>) target_semaphore(%run_scoped3A : memref<!tpu.dma_semaphore, #tpu.memory_space<semaphore_mem>>)
      %dma_wait3A_83 = arith.constant 0 : i32
      %dma_wait3A_84 = tpu.memref_slice %arg3[%mul3A_7, %dma_wait3A_83] : memref<2048x2xi32, #tpu.memory_space<hbm>> -> memref<64x2xi32, #tpu.memory_space<hbm>>
      %dma_wait3A_85 = arith.constant 0 : i32
      %dma_wait3A_86 = tpu.memref_slice %arg3[%mul3A_7, %dma_wait3A_85] : memref<2048x2xi32, #tpu.memory_space<hbm>> -> memref<64x2xi32, #tpu.memory_space<hbm>>
      tpu.wait_dma2 semaphore(%run_scoped3A : memref<!tpu.dma_semaphore, #tpu.memory_space<semaphore_mem>>) src(%dma_wait3A_86 : memref<64x2xi32, #tpu.memory_space<hbm>>) dst(%arg5 : memref<64x2xi32, #tpu.memory_space<vmem>>)
      tpu.yield
    }) : () -> ()
    %iota3A = tpu.iota {dimensions = array<i32: 0>} : vector<16xi32>
    %add3A_8 = arith.constant 0 : i32
    %add3A_9 = vector.broadcast %add3A_8 : i32 to vector<16xi32>
    %add3A_10 = arith.addi %add3A_9, %iota3A : vector<16xi32>
    %broadcast_in_dim3A = arith.constant 0 : i32
    %broadcast_in_dim3A_11 = vector.broadcast %broadcast_in_dim3A : i32 to vector<16xi32>
    %gather3A = tpu.vector_load_idx %arg5[%add3A_10, %broadcast_in_dim3A_11] : memref<64x2xi32, #tpu.memory_space<vmem>>[vector<16xi32>, vector<16xi32>], vector<16xi32>,
    %swap3A = arith.constant 0 : index
    %swap3A_12 = tpu.vector_load %arg6[%swap3A] {strides = array<i32>} : memref<64xi32, #tpu.memory_space<vmem>>, vector<16xi32>,
    tpu.vector_store %arg6[%swap3A], %gather3A {strides = array<i32>} : memref<64xi32, #tpu.memory_space<vmem>>, vector<16xi32>,
    %add3A_13 = arith.constant 1 : i32
    %add3A_14 = vector.broadcast %add3A_13 : i32 to vector<16xi32>
    %add3A_15 = arith.addi %broadcast_in_dim3A_11, %add3A_14 : vector<16xi32>
    %gather3A_16 = tpu.vector_load_idx %arg5[%add3A_10, %add3A_15] : memref<64x2xi32, #tpu.memory_space<vmem>>[vector<16xi32>, vector<16xi32>], vector<16xi32>,
    %swap3A_17 = arith.constant 0 : index
    %swap3A_18 = tpu.vector_load %arg7[%swap3A_17] {strides = array<i32>} : memref<64xi32, #tpu.memory_space<vmem>>, vector<16xi32>,
    tpu.vector_store %arg7[%swap3A_17], %gather3A_16 {strides = array<i32>} : memref<64xi32, #tpu.memory_space<vmem>>, vector<16xi32>,
    %iota3A_19 = tpu.iota {dimensions = array<i32: 0>} : vector<16xi32>
    %add3A_20 = arith.constant 16 : i32
    %add3A_21 = vector.broadcast %add3A_20 : i32 to vector<16xi32>
    %add3A_22 = arith.addi %add3A_21, %iota3A_19 : vector<16xi32>
    %broadcast_in_dim3A_23 = arith.constant 0 : i32
    %broadcast_in_dim3A_24 = vector.broadcast %broadcast_in_dim3A_23 : i32 to vector<16xi32>
    %gather3A_25 = tpu.vector_load_idx %arg5[%add3A_22, %broadcast_in_dim3A_24] : memref<64x2xi32, #tpu.memory_space<vmem>>[vector<16xi32>, vector<16xi32>], vector<16xi32>,
    %swap3A_26 = arith.constant 16 : index
    %swap3A_27 = tpu.vector_load %arg6[%swap3A_26] {strides = array<i32>} : memref<64xi32, #tpu.memory_space<vmem>>, vector<16xi32>,
    tpu.vector_store %arg6[%swap3A_26], %gather3A_25 {strides = array<i32>} : memref<64xi32, #tpu.memory_space<vmem>>, vector<16xi32>,
    %add3A_28 = arith.constant 1 : i32
    %add3A_29 = vector.broadcast %add3A_28 : i32 to vector<16xi32>
    %add3A_30 = arith.addi %broadcast_in_dim3A_24, %add3A_29 : vector<16xi32>
    %gather3A_31 = tpu.vector_load_idx %arg5[%add3A_22, %add3A_30] : memref<64x2xi32, #tpu.memory_space<vmem>>[vector<16xi32>, vector<16xi32>], vector<16xi32>,
    %swap3A_32 = arith.constant 16 : index
    %swap3A_33 = tpu.vector_load %arg7[%swap3A_32] {strides = array<i32>} : memref<64xi32, #tpu.memory_space<vmem>>, vector<16xi32>,
    tpu.vector_store %arg7[%swap3A_32], %gather3A_31 {strides = array<i32>} : memref<64xi32, #tpu.memory_space<vmem>>, vector<16xi32>,
    %iota3A_34 = tpu.iota {dimensions = array<i32: 0>} : vector<16xi32>
    %add3A_35 = arith.constant 32 : i32
    %add3A_36 = vector.broadcast %add3A_35 : i32 to vector<16xi32>
    %add3A_37 = arith.addi %add3A_36, %iota3A_34 : vector<16xi32>
    %broadcast_in_dim3A_38 = arith.constant 0 : i32
    %broadcast_in_dim3A_39 = vector.broadcast %broadcast_in_dim3A_38 : i32 to vector<16xi32>
    %gather3A_40 = tpu.vector_load_idx %arg5[%add3A_37, %broadcast_in_dim3A_39] : memref<64x2xi32, #tpu.memory_space<vmem>>[vector<16xi32>, vector<16xi32>], vector<16xi32>,
    %swap3A_41 = arith.constant 32 : index
    %swap3A_42 = tpu.vector_load %arg6[%swap3A_41] {strides = array<i32>} : memref<64xi32, #tpu.memory_space<vmem>>, vector<16xi32>,
    tpu.vector_store %arg6[%swap3A_41], %gather3A_40 {strides = array<i32>} : memref<64xi32, #tpu.memory_space<vmem>>, vector<16xi32>,
    %add3A_43 = arith.constant 1 : i32
    %add3A_44 = vector.broadcast %add3A_43 : i32 to vector<16xi32>
    %add3A_45 = arith.addi %broadcast_in_dim3A_39, %add3A_44 : vector<16xi32>
    %gather3A_46 = tpu.vector_load_idx %arg5[%add3A_37, %add3A_45] : memref<64x2xi32, #tpu.memory_space<vmem>>[vector<16xi32>, vector<16xi32>], vector<16xi32>,
    %swap3A_47 = arith.constant 32 : index
    %swap3A_48 = tpu.vector_load %arg7[%swap3A_47] {strides = array<i32>} : memref<64xi32, #tpu.memory_space<vmem>>, vector<16xi32>,
    tpu.vector_store %arg7[%swap3A_47], %gather3A_46 {strides = array<i32>} : memref<64xi32, #tpu.memory_space<vmem>>, vector<16xi32>,
    %iota3A_49 = tpu.iota {dimensions = array<i32: 0>} : vector<16xi32>
    %add3A_50 = arith.constant 48 : i32
    %add3A_51 = vector.broadcast %add3A_50 : i32 to vector<16xi32>
    %add3A_52 = arith.addi %add3A_51, %iota3A_49 : vector<16xi32>
    %broadcast_in_dim3A_53 = arith.constant 0 : i32
    %broadcast_in_dim3A_54 = vector.broadcast %broadcast_in_dim3A_53 : i32 to vector<16xi32>
    %gather3A_55 = tpu.vector_load_idx %arg5[%add3A_52, %broadcast_in_dim3A_54] : memref<64x2xi32, #tpu.memory_space<vmem>>[vector<16xi32>, vector<16xi32>], vector<16xi32>,
    %swap3A_56 = arith.constant 48 : index
    %swap3A_57 = tpu.vector_load %arg6[%swap3A_56] {strides = array<i32>} : memref<64xi32, #tpu.memory_space<vmem>>, vector<16xi32>,
    tpu.vector_store %arg6[%swap3A_56], %gather3A_55 {strides = array<i32>} : memref<64xi32, #tpu.memory_space<vmem>>, vector<16xi32>,
    %add3A_58 = arith.constant 1 : i32
    %add3A_59 = vector.broadcast %add3A_58 : i32 to vector<16xi32>
    %add3A_60 = arith.addi %broadcast_in_dim3A_54, %add3A_59 : vector<16xi32>
    %gather3A_61 = tpu.vector_load_idx %arg5[%add3A_52, %add3A_60] : memref<64x2xi32, #tpu.memory_space<vmem>>[vector<16xi32>, vector<16xi32>], vector<16xi32>,
    %swap3A_62 = arith.constant 48 : index
    %swap3A_63 = tpu.vector_load %arg7[%swap3A_62] {strides = array<i32>} : memref<64xi32, #tpu.memory_space<vmem>>, vector<16xi32>,
    tpu.vector_store %arg7[%swap3A_62], %gather3A_61 {strides = array<i32>} : memref<64xi32, #tpu.memory_space<vmem>>, vector<16xi32>,
    %dma_wait3A = arith.constant 0 : i32
    %dma_wait3A_64 = tpu.memref_slice %arg2[%mul3A_2, %dma_wait3A] : memref<2048x768xf32, #tpu.memory_space<hbm>> -> memref<64x768xf32, #tpu.memory_space<hbm>>
    %dma_wait3A_65 = arith.constant 0 : i32
    %dma_wait3A_66 = tpu.memref_slice %arg2[%mul3A_2, %dma_wait3A_65] : memref<2048x768xf32, #tpu.memory_space<hbm>> -> memref<64x768xf32, #tpu.memory_space<hbm>>
    tpu.wait_dma2 semaphore(%arg10 : memref<!tpu.dma_semaphore, #tpu.memory_space<semaphore_mem>>) src(%dma_wait3A_66 : memref<64x768xf32, #tpu.memory_space<hbm>>) dst(%arg8 : memref<64x768xf32, #tpu.memory_space<vmem>>)
    %dma_start3A_67 = arith.constant 0 : i32
    %dma_start3A_68 = arith.constant 0 : i32
    %dma_start3A_69 = tpu.memref_slice %arg4[%dma_start3A_67, %dma_start3A_68] : memref<12288x768xf32, #tpu.memory_space<hbm>> -> memref<12288x768xf32, #tpu.memory_space<hbm>>
    tpu.enqueue_indirect_dma source(%arg8 : memref<64x768xf32, #tpu.memory_space<vmem>>) target(%dma_start3A_69 : memref<12288x768xf32, #tpu.memory_space<hbm>>) offsets(%arg6 : memref<64xi32, #tpu.memory_space<vmem>>) semaphore(%arg9 : memref<!tpu.dma_semaphore, #tpu.memory_space<semaphore_mem>>)
    %dma_start3A_70 = arith.constant 0 : i32
    %dma_start3A_71 = arith.constant 0 : i32
    %dma_start3A_72 = tpu.memref_slice %arg4[%dma_start3A_70, %dma_start3A_71] : memref<12288x768xf32, #tpu.memory_space<hbm>> -> memref<12288x768xf32, #tpu.memory_space<hbm>>
    tpu.enqueue_indirect_dma source(%arg8 : memref<64x768xf32, #tpu.memory_space<vmem>>) target(%dma_start3A_72 : memref<12288x768xf32, #tpu.memory_space<hbm>>) offsets(%arg7 : memref<64xi32, #tpu.memory_space<vmem>>) semaphore(%arg10 : memref<!tpu.dma_semaphore, #tpu.memory_space<semaphore_mem>>)
    %dma_wait3A_73 = arith.constant 0 : i32
    %dma_wait3A_74 = arith.constant 0 : i32
    %dma_wait3A_75 = tpu.memref_slice %arg4[%dma_wait3A_73, %dma_wait3A_74] : memref<12288x768xf32, #tpu.memory_space<hbm>> -> memref<12288x768xf32, #tpu.memory_space<hbm>>
    tpu.wait_indirect_dma semaphore(%arg9 : memref<!tpu.dma_semaphore, #tpu.memory_space<semaphore_mem>>) src(%arg8 : memref<64x768xf32, #tpu.memory_space<vmem>>) dst(%dma_wait3A_75 : memref<12288x768xf32, #tpu.memory_space<hbm>>)
    %dma_wait3A_76 = arith.constant 0 : i32
    %dma_wait3A_77 = arith.constant 0 : i32
    %dma_wait3A_78 = tpu.memref_slice %arg4[%dma_wait3A_76, %dma_wait3A_77] : memref<12288x768xf32, #tpu.memory_space<hbm>> -> memref<12288x768xf32, #tpu.memory_space<hbm>>
    tpu.wait_indirect_dma semaphore(%arg10 : memref<!tpu.dma_semaphore, #tpu.memory_space<semaphore_mem>>) src(%arg8 : memref<64x768xf32, #tpu.memory_space<vmem>>) dst(%dma_wait3A_78 : memref<12288x768xf32, #tpu.memory_space<hbm>>)
    return
  }
}

module attributes {stable_mosaic.version = 14 : i64} {
  func.func @_gating_dispatch_body(%arg0: i32, %arg1: memref<2048x768xf32, #tpu.memory_space<vmem>>, %arg2: memref<128x768xf32, #tpu.memory_space<vmem>>, %arg3: memref<1x128xf32, #tpu.memory_space<vmem>>, %arg4: memref<2048x2xf32, #tpu.memory_space<vmem>>, %arg5: memref<2048x2xi32, #tpu.memory_space<vmem>>, %arg6: memref<1x128xf32, #tpu.memory_space<vmem>>, %arg7: memref<128x3xi32, #tpu.memory_space<vmem>>, %arg8: memref<2048x128xf32, #tpu.memory_space<vmem>>, %arg9: memref<2048x128xf32, #tpu.memory_space<vmem>>, %arg10: memref<2048x1xf32, #tpu.memory_space<vmem>>, %arg11: memref<2048x1xf32, #tpu.memory_space<vmem>>) attributes {dimension_semantics = [#tpu.dimension_semantics<arbitrary>], iteration_bounds = array<i64: 1>, scalar_prefetch = 0 : i64, scratch_operands = 4 : i64, tpu.core_type = #tpu.core_type<tc>, window_params = [{pipeline_mode = #tpu.pipeline_mode<synchronous>, transform_indices = @transform_0, window_bounds = array<i64: 2048, 768>}, {pipeline_mode = #tpu.pipeline_mode<synchronous>, transform_indices = @transform_1, window_bounds = array<i64: 128, 768>}, {pipeline_mode = #tpu.pipeline_mode<synchronous>, transform_indices = @transform_2, window_bounds = array<i64: 1, 128>}, {pipeline_mode = #tpu.pipeline_mode<synchronous>, transform_indices = @transform_3, window_bounds = array<i64: 2048, 2>}, {pipeline_mode = #tpu.pipeline_mode<synchronous>, transform_indices = @transform_4, window_bounds = array<i64: 2048, 2>}, {pipeline_mode = #tpu.pipeline_mode<synchronous>, transform_indices = @transform_5, window_bounds = array<i64: 1, 128>}, {pipeline_mode = #tpu.pipeline_mode<synchronous>, transform_indices = @transform_6, window_bounds = array<i64: 128, 3>}]} {
    %get3A = arith.constant 0 : index
    %get3A_0 = arith.constant 0 : index
    %get3A_1 = vector.load %arg2[%get3A, %get3A_0] : memref<128x768xf32, #tpu.memory_space<vmem>>, vector<128x768xf32>
    %get3A_2 = arith.constant 0 : index
    %get3A_3 = arith.constant 0 : index
    %get3A_4 = vector.load %arg3[%get3A_2, %get3A_3] : memref<1x128xf32, #tpu.memory_space<vmem>>, vector<1x128xf32>
    %iota3A = tpu.iota {dimensions = array<i32: 1>} : vector<256x128xi32>
    %convert_element_type3A = arith.sitofp %iota3A : vector<256x128xi32> to vector<256x128xf32>
    %iota3A_5 = tpu.iota {dimensions = array<i32: 0>} : vector<256x256xi32>
    %iota3A_6 = tpu.iota {dimensions = array<i32: 1>} : vector<256x256xi32>
    %lt3A = arith.cmpi slt, %iota3A_6, %iota3A_5 : vector<256x256xi32>
    %convert_element_type3A_7 = arith.extui %lt3A : vector<256x256xi1> to vector<256x256xi32>
    %convert_element_type3A_8 = arith.sitofp %convert_element_type3A_7 : vector<256x256xi32> to vector<256x256xf32>
    %broadcast_in_dim3A = arith.constant 0.000000e+00 : f32
    %broadcast_in_dim3A_9 = vector.broadcast %broadcast_in_dim3A : f32 to vector<1x128xf32>
    %scan3A = arith.constant 0 : i32
    %scan3A_10 = arith.constant 8 : i32
    %scan3A_11 = arith.addi %scan3A, %scan3A_10 : i32
    %scan3A_12 = arith.constant 1 : i32
    %scan3A_13:2 = scf.for %scan3A_93 = %scan3A to %scan3A_11 step %scan3A_12 iter_args(%scan3A_94 = %broadcast_in_dim3A_9, %scan3A_95 = %broadcast_in_dim3A_9) -> (vector<1x128xf32>, vector<1x128xf32>)  : i32 {
      %mul3A_96 = arith.constant 256 : i32
      %mul3A_97 = arith.muli %scan3A_93, %mul3A_96 : i32
      %get3A_98 = arith.index_cast %mul3A_97 : i32 to index
      %get3A_99 = arith.constant 0 : index
      %get3A_100 = vector.load %arg1[%get3A_98, %get3A_99] : memref<2048x768xf32, #tpu.memory_space<vmem>>, vector<256x768xf32>
      %dot_general3A_101 = arith.constant dense<0.000000e+00> : vector<256x128xf32>
      %dot_general3A_102 = tpu.matmul %get3A_100, %get3A_1, %dot_general3A_101 {dimension_numbers = #tpu.dot_dimension_numbers<[1], [1], [0], [0], [0, 0, 1, 0], [], []>, transpose_lhs_hint = false} : vector<256x768xf32>, vector<128x768xf32>, vector<256x128xf32> -> vector<256x128xf32>
      %add3A_103 = vector.broadcast %get3A_4 : vector<1x128xf32> to vector<256x128xf32>
      %add3A_104 = arith.addf %dot_general3A_102, %add3A_103 : vector<256x128xf32>
      %reduce_max3A = arith.constant dense<0xFF800000> : vector<256xf32>
      %reduce_max3A_105 = vector.multi_reduction <maximumf>, %add3A_104, %reduce_max3A [1] : vector<256x128xf32> to vector<256xf32>
      %broadcast_in_dim3A_106 = vector.shape_cast %reduce_max3A_105 : vector<256xf32> to vector<256x1xf32>
      %eq3A = vector.broadcast %broadcast_in_dim3A_106 : vector<256x1xf32> to vector<256x128xf32>
      %eq3A_107 = arith.cmpf oeq, %add3A_104, %eq3A : vector<256x128xf32>
      %jit3A_108 = arith.constant 1.000000e+09 : f32
      %broadcast_in_dim3A_109 = vector.broadcast %jit3A_108 : f32 to vector<256x128xf32>
      %select_n3A_110 = arith.select %eq3A_107, %convert_element_type3A, %broadcast_in_dim3A_109 : vector<256x128xi1>, vector<256x128xf32>
      %reduce_min3A = arith.constant dense<0x7F800000> : vector<256xf32>
      %reduce_min3A_111 = vector.multi_reduction <minimumf>, %select_n3A_110, %reduce_min3A [1] : vector<256x128xf32> to vector<256xf32>
      %broadcast_in_dim3A_112 = vector.shape_cast %reduce_min3A_111 : vector<256xf32> to vector<256x1xf32>
      %eq3A_113 = vector.broadcast %broadcast_in_dim3A_112 : vector<256x1xf32> to vector<256x128xf32>
      %eq3A_114 = arith.cmpf oeq, %convert_element_type3A, %eq3A_113 : vector<256x128xf32>
      %convert_element_type3A_115 = arith.extui %eq3A_114 : vector<256x128xi1> to vector<256x128xi32>
      %convert_element_type3A_116 = arith.sitofp %convert_element_type3A_115 : vector<256x128xi32> to vector<256x128xf32>
      %gt3A = arith.constant 0.000000e+00 : f32
      %gt3A_117 = vector.broadcast %gt3A : f32 to vector<256x128xf32>
      %gt3A_118 = arith.cmpf ogt, %convert_element_type3A_116, %gt3A_117 : vector<256x128xf32>
      %jit3A_119 = arith.constant -3.000000e+38 : f32
      %broadcast_in_dim3A_120 = vector.broadcast %jit3A_119 : f32 to vector<256x128xf32>
      %select_n3A_121 = arith.select %gt3A_118, %broadcast_in_dim3A_120, %add3A_104 : vector<256x128xi1>, vector<256x128xf32>
      %reduce_max3A_122 = arith.constant dense<0xFF800000> : vector<256xf32>
      %reduce_max3A_123 = vector.multi_reduction <maximumf>, %select_n3A_121, %reduce_max3A_122 [1] : vector<256x128xf32> to vector<256xf32>
      %broadcast_in_dim3A_124 = vector.shape_cast %reduce_max3A_123 : vector<256xf32> to vector<256x1xf32>
      %eq3A_125 = vector.broadcast %broadcast_in_dim3A_124 : vector<256x1xf32> to vector<256x128xf32>
      %eq3A_126 = arith.cmpf oeq, %select_n3A_121, %eq3A_125 : vector<256x128xf32>
      %jit3A_127 = arith.constant 1.000000e+09 : f32
      %broadcast_in_dim3A_128 = vector.broadcast %jit3A_127 : f32 to vector<256x128xf32>
      %select_n3A_129 = arith.select %eq3A_126, %convert_element_type3A, %broadcast_in_dim3A_128 : vector<256x128xi1>, vector<256x128xf32>
      %reduce_min3A_130 = arith.constant dense<0x7F800000> : vector<256xf32>
      %reduce_min3A_131 = vector.multi_reduction <minimumf>, %select_n3A_129, %reduce_min3A_130 [1] : vector<256x128xf32> to vector<256xf32>
      %broadcast_in_dim3A_132 = vector.shape_cast %reduce_min3A_131 : vector<256xf32> to vector<256x1xf32>
      %eq3A_133 = vector.broadcast %broadcast_in_dim3A_132 : vector<256x1xf32> to vector<256x128xf32>
      %eq3A_134 = arith.cmpf oeq, %convert_element_type3A, %eq3A_133 : vector<256x128xf32>
      %convert_element_type3A_135 = arith.extui %eq3A_134 : vector<256x128xi1> to vector<256x128xi32>
      %convert_element_type3A_136 = arith.sitofp %convert_element_type3A_135 : vector<256x128xi32> to vector<256x128xf32>
      %sub3A_137 = arith.subf %broadcast_in_dim3A_124, %broadcast_in_dim3A_106 : vector<256x1xf32>
      %exp3A = math.exp %sub3A_137 : vector<256x1xf32>
      %add3A_138 = arith.constant 1.000000e+00 : f32
      %add3A_139 = vector.broadcast %add3A_138 : f32 to vector<256x1xf32>
      %add3A_140 = arith.addf %add3A_139, %exp3A : vector<256x1xf32>
      %div3A = arith.constant 1.000000e+00 : f32
      %div3A_141 = vector.broadcast %div3A : f32 to vector<256x1xf32>
      %div3A_142 = arith.divf %div3A_141, %add3A_140 : vector<256x1xf32>
      %sub3A_143 = arith.constant 1.000000e+00 : f32
      %sub3A_144 = vector.broadcast %sub3A_143 : f32 to vector<256x1xf32>
      %sub3A_145 = arith.subf %sub3A_144, %div3A_142 : vector<256x1xf32>
      %dot_general3A_146 = arith.constant dense<0.000000e+00> : vector<256x128xf32>
      %dot_general3A_147 = tpu.matmul %convert_element_type3A_8, %convert_element_type3A_116, %dot_general3A_146 {dimension_numbers = #tpu.dot_dimension_numbers<[1], [0], [0], [1], [0, 0, 1, 1], [], []>, transpose_lhs_hint = false} : vector<256x256xf32>, vector<256x128xf32>, vector<256x128xf32> -> vector<256x128xf32>
      %dot_general3A_148 = arith.constant dense<0.000000e+00> : vector<256x128xf32>
      %dot_general3A_149 = tpu.matmul %convert_element_type3A_8, %convert_element_type3A_136, %dot_general3A_148 {dimension_numbers = #tpu.dot_dimension_numbers<[1], [0], [0], [1], [0, 0, 1, 1], [], []>, transpose_lhs_hint = false} : vector<256x256xf32>, vector<256x128xf32>, vector<256x128xf32> -> vector<256x128xf32>
      %reduce_sum3A_150 = arith.constant dense<0.000000e+00> : vector<128xf32>
      %reduce_sum3A_151 = vector.multi_reduction <add>, %convert_element_type3A_116, %reduce_sum3A_150 [0] : vector<256x128xf32> to vector<128xf32>
      %broadcast_in_dim3A_152 = vector.shape_cast %reduce_sum3A_151 : vector<128xf32> to vector<1x128xf32>
      %reduce_sum3A_153 = arith.constant dense<0.000000e+00> : vector<128xf32>
      %reduce_sum3A_154 = vector.multi_reduction <add>, %convert_element_type3A_136, %reduce_sum3A_153 [0] : vector<256x128xf32> to vector<128xf32>
      %broadcast_in_dim3A_155 = vector.shape_cast %reduce_sum3A_154 : vector<128xf32> to vector<1x128xf32>
      %add3A_156 = vector.broadcast %scan3A_94 : vector<1x128xf32> to vector<256x128xf32>
      %add3A_157 = arith.addf %dot_general3A_147, %add3A_156 : vector<256x128xf32>
      %swap3A_158 = arith.index_cast %mul3A_97 : i32 to index
      %swap3A_159 = arith.constant 0 : index
      %swap3A_160 = vector.load %arg8[%swap3A_158, %swap3A_159] : memref<2048x128xf32, #tpu.memory_space<vmem>>, vector<256x128xf32>
      tpu.vector_store %arg8[%swap3A_158, %swap3A_159], %add3A_157 {strides = array<i32>} : memref<2048x128xf32, #tpu.memory_space<vmem>>, vector<256x128xf32>,
      %add3A_161 = vector.broadcast %scan3A_94 : vector<1x128xf32> to vector<256x128xf32>
      %add3A_162 = arith.addf %dot_general3A_149, %add3A_161 : vector<256x128xf32>
      %add3A_163 = vector.broadcast %broadcast_in_dim3A_152 : vector<1x128xf32> to vector<256x128xf32>
      %add3A_164 = arith.addf %add3A_162, %add3A_163 : vector<256x128xf32>
      %swap3A_165 = arith.index_cast %mul3A_97 : i32 to index
      %swap3A_166 = arith.constant 0 : index
      %swap3A_167 = vector.load %arg9[%swap3A_165, %swap3A_166] : memref<2048x128xf32, #tpu.memory_space<vmem>>, vector<256x128xf32>
      tpu.vector_store %arg9[%swap3A_165, %swap3A_166], %add3A_164 {strides = array<i32>} : memref<2048x128xf32, #tpu.memory_space<vmem>>, vector<256x128xf32>,
      %swap3A_168 = arith.index_cast %mul3A_97 : i32 to index
      %swap3A_169 = arith.constant 0 : index
      %swap3A_170 = vector.load %arg10[%swap3A_168, %swap3A_169] : memref<2048x1xf32, #tpu.memory_space<vmem>>, vector<256x1xf32>
      tpu.vector_store %arg10[%swap3A_168, %swap3A_169], %broadcast_in_dim3A_112 {strides = array<i32>} : memref<2048x1xf32, #tpu.memory_space<vmem>>, vector<256x1xf32>,
      %swap3A_171 = arith.index_cast %mul3A_97 : i32 to index
      %swap3A_172 = arith.constant 0 : index
      %swap3A_173 = vector.load %arg11[%swap3A_171, %swap3A_172] : memref<2048x1xf32, #tpu.memory_space<vmem>>, vector<256x1xf32>
      tpu.vector_store %arg11[%swap3A_171, %swap3A_172], %broadcast_in_dim3A_132 {strides = array<i32>} : memref<2048x1xf32, #tpu.memory_space<vmem>>, vector<256x1xf32>,
      %swap3A_174 = arith.index_cast %mul3A_97 : i32 to index
      %swap3A_175 = arith.constant 0 : index
      %swap3A_176 = vector.load %arg4[%swap3A_174, %swap3A_175] : memref<2048x2xf32, #tpu.memory_space<vmem>>, vector<256x1xf32>
      tpu.vector_store %arg4[%swap3A_174, %swap3A_175], %div3A_142 {strides = array<i32>} : memref<2048x2xf32, #tpu.memory_space<vmem>>, vector<256x1xf32>,
      %swap3A_177 = arith.index_cast %mul3A_97 : i32 to index
      %swap3A_178 = arith.constant 1 : index
      %swap3A_179 = vector.load %arg4[%swap3A_177, %swap3A_178] : memref<2048x2xf32, #tpu.memory_space<vmem>>, vector<256x1xf32>
      tpu.vector_store %arg4[%swap3A_177, %swap3A_178], %sub3A_145 {strides = array<i32>} : memref<2048x2xf32, #tpu.memory_space<vmem>>, vector<256x1xf32>,
      %mul3A_180 = vector.broadcast %div3A_142 : vector<256x1xf32> to vector<256x128xf32>
      %mul3A_181 = arith.mulf %mul3A_180, %convert_element_type3A_116 : vector<256x128xf32>
      %mul3A_182 = vector.broadcast %sub3A_145 : vector<256x1xf32> to vector<256x128xf32>
      %mul3A_183 = arith.mulf %mul3A_182, %convert_element_type3A_136 : vector<256x128xf32>
      %add3A_184 = arith.addf %mul3A_181, %mul3A_183 : vector<256x128xf32>
      %reduce_sum3A_185 = arith.constant dense<0.000000e+00> : vector<128xf32>
      %reduce_sum3A_186 = vector.multi_reduction <add>, %add3A_184, %reduce_sum3A_185 [0] : vector<256x128xf32> to vector<128xf32>
      %broadcast_in_dim3A_187 = vector.shape_cast %reduce_sum3A_186 : vector<128xf32> to vector<1x128xf32>
      %add3A_188 = arith.addf %scan3A_95, %broadcast_in_dim3A_187 : vector<1x128xf32>
      %add3A_189 = arith.addf %scan3A_94, %broadcast_in_dim3A_152 : vector<1x128xf32>
      %add3A_190 = arith.addf %add3A_189, %broadcast_in_dim3A_155 : vector<1x128xf32>
      scf.yield %add3A_190, %add3A_188 : vector<1x128xf32>, vector<1x128xf32>
    }
    %scan3A_14 = arith.constant 8 : i32
    %swap3A = arith.constant 0 : index
    %swap3A_15 = arith.constant 0 : index
    %swap3A_16 = vector.load %arg6[%swap3A, %swap3A_15] : memref<1x128xf32, #tpu.memory_space<vmem>>, vector<1x128xf32>
    tpu.vector_store %arg6[%swap3A, %swap3A_15], %scan3A_13#1 {strides = array<i32>} : memref<1x128xf32, #tpu.memory_space<vmem>>, vector<1x128xf32>,
    %add3A = arith.constant 5.110000e+02 : f32
    %add3A_17 = vector.broadcast %add3A : f32 to vector<1x128xf32>
    %add3A_18 = arith.addf %scan3A_13#0, %add3A_17 : vector<1x128xf32>
    %mul3A = arith.constant 0.001953125 : f32
    %mul3A_19 = vector.broadcast %mul3A : f32 to vector<1x128xf32>
    %mul3A_20 = arith.mulf %add3A_18, %mul3A_19 : vector<1x128xf32>
    %floor3A = math.floor %mul3A_20 : vector<1x128xf32>
    %iota3A_21 = tpu.iota {dimensions = array<i32: 0>} : vector<128x128xi32>
    %iota3A_22 = tpu.iota {dimensions = array<i32: 1>} : vector<128x128xi32>
    %lt3A_23 = arith.cmpi slt, %iota3A_21, %iota3A_22 : vector<128x128xi32>
    %convert_element_type3A_24 = arith.extui %lt3A_23 : vector<128x128xi1> to vector<128x128xi32>
    %convert_element_type3A_25 = arith.sitofp %convert_element_type3A_24 : vector<128x128xi32> to vector<128x128xf32>
    %dot_general3A = arith.constant dense<0.000000e+00> : vector<1x128xf32>
    %dot_general3A_26 = tpu.matmul %floor3A, %convert_element_type3A_25, %dot_general3A {dimension_numbers = #tpu.dot_dimension_numbers<[1], [0], [0], [1], [0, 0, 1, 1], [], []>, transpose_lhs_hint = false} : vector<1x128xf32>, vector<128x128xf32>, vector<1x128xf32> -> vector<1x128xf32>
    %mul3A_27 = arith.constant 5.120000e+02 : f32
    %mul3A_28 = vector.broadcast %mul3A_27 : f32 to vector<1x128xf32>
    %mul3A_29 = arith.mulf %dot_general3A_26, %mul3A_28 : vector<1x128xf32>
    %iota3A_30 = tpu.iota {dimensions = array<i32: 1>} : vector<1x128xi32>
    %lt3A_31 = arith.constant 16 : i32
    %lt3A_32 = vector.broadcast %lt3A_31 : i32 to vector<1x128xi32>
    %lt3A_33 = arith.cmpi slt, %iota3A_30, %lt3A_32 : vector<1x128xi32>
    %convert_element_type3A_34 = arith.extui %lt3A_33 : vector<1x128xi1> to vector<1x128xi32>
    %convert_element_type3A_35 = arith.sitofp %convert_element_type3A_34 : vector<1x128xi32> to vector<1x128xf32>
    %mul3A_36 = arith.mulf %floor3A, %convert_element_type3A_35 : vector<1x128xf32>
    %reduce_sum3A = arith.constant dense<0.000000e+00> : vector<1xf32>
    %reduce_sum3A_37 = vector.multi_reduction <add>, %mul3A_36, %reduce_sum3A [1] : vector<1x128xf32> to vector<1xf32>
    %broadcast_in_dim3A_38 = vector.shape_cast %reduce_sum3A_37 : vector<1xf32> to vector<1x1xf32>
    %broadcast_in_dim3A_39 = arith.constant 1.000000e+00 : f32
    %broadcast_in_dim3A_40 = vector.broadcast %broadcast_in_dim3A_39 : f32 to vector<128x1xf32>
    %dot_general3A_41 = arith.constant dense<0.000000e+00> : vector<128x128xf32>
    %dot_general3A_42 = tpu.matmul %broadcast_in_dim3A_40, %dot_general3A_26, %dot_general3A_41 {dimension_numbers = #tpu.dot_dimension_numbers<[1], [0], [0], [1], [0, 0, 1, 1], [], []>, transpose_lhs_hint = false} : vector<128x1xf32>, vector<1x128xf32>, vector<128x128xf32> -> vector<128x128xf32>
    %iota3A_43 = tpu.iota {dimensions = array<i32: 0>} : vector<128x1xi32>
    %convert_element_type3A_44 = arith.sitofp %iota3A_43 : vector<128x1xi32> to vector<128x1xf32>
    %iota3A_45 = tpu.iota {dimensions = array<i32: 0>} : vector<128x128xi32>
    %convert_element_type3A_46 = arith.sitofp %iota3A_45 : vector<128x128xi32> to vector<128x128xf32>
    %iota3A_47 = tpu.iota {dimensions = array<i32: 1>} : vector<128x128xi32>
    %le3A = arith.cmpf ole, %dot_general3A_42, %convert_element_type3A_46 : vector<128x128xf32>
    %lt3A_48 = arith.constant 16 : i32
    %lt3A_49 = vector.broadcast %lt3A_48 : i32 to vector<128x128xi32>
    %lt3A_50 = arith.cmpi slt, %iota3A_47, %lt3A_49 : vector<128x128xi32>
    %and3A = arith.andi %le3A, %lt3A_50 : vector<128x128xi1>
    %jit3A = arith.constant 1.000000e+00 : f32
    %jit3A_51 = arith.constant 0.000000e+00 : f32
    %broadcast_in_dim3A_52 = vector.broadcast %jit3A : f32 to vector<128x128xf32>
    %broadcast_in_dim3A_53 = vector.broadcast %jit3A_51 : f32 to vector<128x128xf32>
    %select_n3A = arith.select %and3A, %broadcast_in_dim3A_52, %broadcast_in_dim3A_53 : vector<128x128xi1>, vector<128x128xf32>
    %reduce_sum3A_54 = arith.constant dense<0.000000e+00> : vector<128xf32>
    %reduce_sum3A_55 = vector.multi_reduction <add>, %select_n3A, %reduce_sum3A_54 [1] : vector<128x128xf32> to vector<128xf32>
    %broadcast_in_dim3A_56 = vector.shape_cast %reduce_sum3A_55 : vector<128xf32> to vector<128x1xf32>
    %sub3A = arith.constant 1.000000e+00 : f32
    %sub3A_57 = vector.broadcast %sub3A : f32 to vector<128x1xf32>
    %sub3A_58 = arith.subf %broadcast_in_dim3A_56, %sub3A_57 : vector<128x1xf32>
    %jit3A_59 = arith.constant 0.000000e+00 : f32
    %jit3A_60 = arith.constant 1.500000e+01 : f32
    %max3A = vector.broadcast %jit3A_59 : f32 to vector<128x1xf32>
    %max3A_61 = arith.maximumf %max3A, %sub3A_58 : vector<128x1xf32>
    %min3A = vector.broadcast %jit3A_60 : f32 to vector<128x1xf32>
    %min3A_62 = arith.minimumf %min3A, %max3A_61 : vector<128x1xf32>
    %convert_element_type3A_63 = arith.fptosi %min3A_62 : vector<128x1xf32> to vector<128x1xi32>
    %swap3A_64 = arith.constant 0 : index
    %swap3A_65 = arith.constant 0 : index
    %swap3A_66 = vector.load %arg7[%swap3A_64, %swap3A_65] : memref<128x3xi32, #tpu.memory_space<vmem>>, vector<128x1xi32>
    tpu.vector_store %arg7[%swap3A_64, %swap3A_65], %convert_element_type3A_63 {strides = array<i32>} : memref<128x3xi32, #tpu.memory_space<vmem>>, vector<128x1xi32>,
    %mul3A_67 = arith.constant 0.000000e+00 : f32
    %mul3A_68 = vector.broadcast %mul3A_67 : f32 to vector<128x1xf32>
    %mul3A_69 = arith.mulf %broadcast_in_dim3A_40, %mul3A_68 : vector<128x1xf32>
    %add3A_70 = vector.broadcast %broadcast_in_dim3A_38 : vector<1x1xf32> to vector<128x1xf32>
    %add3A_71 = arith.addf %mul3A_69, %add3A_70 : vector<128x1xf32>
    %reduce_sum3A_72 = arith.constant dense<0.000000e+00> : vector<128xf32>
    %reduce_sum3A_73 = vector.multi_reduction <add>, %add3A_71, %reduce_sum3A_72 [1] : vector<128x1xf32> to vector<128xf32>
    %broadcast_in_dim3A_74 = vector.shape_cast %reduce_sum3A_73 : vector<128xf32> to vector<128x1xf32>
    %sub3A_75 = arith.constant 1.000000e+00 : f32
    %sub3A_76 = vector.broadcast %sub3A_75 : f32 to vector<128x1xf32>
    %sub3A_77 = arith.subf %broadcast_in_dim3A_74, %sub3A_76 : vector<128x1xf32>
    %min3A_78 = arith.minimumf %convert_element_type3A_44, %sub3A_77 : vector<128x1xf32>
    %convert_element_type3A_79 = arith.fptosi %min3A_78 : vector<128x1xf32> to vector<128x1xi32>
    %swap3A_80 = arith.constant 0 : index
    %swap3A_81 = arith.constant 1 : index
    %swap3A_82 = vector.load %arg7[%swap3A_80, %swap3A_81] : memref<128x3xi32, #tpu.memory_space<vmem>>, vector<128x1xi32>
    tpu.vector_store %arg7[%swap3A_80, %swap3A_81], %convert_element_type3A_79 {strides = array<i32>} : memref<128x3xi32, #tpu.memory_space<vmem>>, vector<128x1xi32>,
    %lt3A_83 = arith.cmpf olt, %convert_element_type3A_44, %broadcast_in_dim3A_74 : vector<128x1xf32>
    %convert_element_type3A_84 = arith.extui %lt3A_83 : vector<128x1xi1> to vector<128x1xi32>
    %swap3A_85 = arith.constant 0 : index
    %swap3A_86 = arith.constant 2 : index
    %swap3A_87 = vector.load %arg7[%swap3A_85, %swap3A_86] : memref<128x3xi32, #tpu.memory_space<vmem>>, vector<128x1xi32>
    tpu.vector_store %arg7[%swap3A_85, %swap3A_86], %convert_element_type3A_84 {strides = array<i32>} : memref<128x3xi32, #tpu.memory_space<vmem>>, vector<128x1xi32>,
    %scan3A_88 = arith.constant 0 : i32
    %scan3A_89 = arith.constant 8 : i32
    %scan3A_90 = arith.addi %scan3A_88, %scan3A_89 : i32
    %scan3A_91 = arith.constant 1 : i32
    scf.for %scan3A_93 = %scan3A_88 to %scan3A_90 step %scan3A_91  : i32 {
      %mul3A_94 = arith.constant 256 : i32
      %mul3A_95 = arith.muli %scan3A_93, %mul3A_94 : i32
      %get3A_96 = arith.index_cast %mul3A_95 : i32 to index
      %get3A_97 = arith.constant 0 : index
      %get3A_98 = vector.load %arg10[%get3A_96, %get3A_97] : memref<2048x1xf32, #tpu.memory_space<vmem>>, vector<256x1xf32>
      %eq3A = vector.broadcast %get3A_98 : vector<256x1xf32> to vector<256x128xf32>
      %eq3A_99 = arith.cmpf oeq, %convert_element_type3A, %eq3A : vector<256x128xf32>
      %convert_element_type3A_100 = arith.extui %eq3A_99 : vector<256x128xi1> to vector<256x128xi32>
      %convert_element_type3A_101 = arith.sitofp %convert_element_type3A_100 : vector<256x128xi32> to vector<256x128xf32>
      %get3A_102 = arith.index_cast %mul3A_95 : i32 to index
      %get3A_103 = arith.constant 0 : index
      %get3A_104 = vector.load %arg11[%get3A_102, %get3A_103] : memref<2048x1xf32, #tpu.memory_space<vmem>>, vector<256x1xf32>
      %eq3A_105 = vector.broadcast %get3A_104 : vector<256x1xf32> to vector<256x128xf32>
      %eq3A_106 = arith.cmpf oeq, %convert_element_type3A, %eq3A_105 : vector<256x128xf32>
      %convert_element_type3A_107 = arith.extui %eq3A_106 : vector<256x128xi1> to vector<256x128xi32>
      %convert_element_type3A_108 = arith.sitofp %convert_element_type3A_107 : vector<256x128xi32> to vector<256x128xf32>
      %get3A_109 = arith.index_cast %mul3A_95 : i32 to index
      %get3A_110 = arith.constant 0 : index
      %get3A_111 = vector.load %arg8[%get3A_109, %get3A_110] : memref<2048x128xf32, #tpu.memory_space<vmem>>, vector<256x128xf32>
      %add3A_112 = vector.broadcast %mul3A_29 : vector<1x128xf32> to vector<256x128xf32>
      %add3A_113 = arith.addf %get3A_111, %add3A_112 : vector<256x128xf32>
      %mul3A_114 = arith.mulf %convert_element_type3A_101, %add3A_113 : vector<256x128xf32>
      %reduce_sum3A_115 = arith.constant dense<0.000000e+00> : vector<256xf32>
      %reduce_sum3A_116 = vector.multi_reduction <add>, %mul3A_114, %reduce_sum3A_115 [1] : vector<256x128xf32> to vector<256xf32>
      %broadcast_in_dim3A_117 = vector.shape_cast %reduce_sum3A_116 : vector<256xf32> to vector<256x1xf32>
      %get3A_118 = arith.index_cast %mul3A_95 : i32 to index
      %get3A_119 = arith.constant 0 : index
      %get3A_120 = vector.load %arg9[%get3A_118, %get3A_119] : memref<2048x128xf32, #tpu.memory_space<vmem>>, vector<256x128xf32>
      %add3A_121 = vector.broadcast %mul3A_29 : vector<1x128xf32> to vector<256x128xf32>
      %add3A_122 = arith.addf %get3A_120, %add3A_121 : vector<256x128xf32>
      %mul3A_123 = arith.mulf %convert_element_type3A_108, %add3A_122 : vector<256x128xf32>
      %reduce_sum3A_124 = arith.constant dense<0.000000e+00> : vector<256xf32>
      %reduce_sum3A_125 = vector.multi_reduction <add>, %mul3A_123, %reduce_sum3A_124 [1] : vector<256x128xf32> to vector<256xf32>
      %broadcast_in_dim3A_126 = vector.shape_cast %reduce_sum3A_125 : vector<256xf32> to vector<256x1xf32>
      %convert_element_type3A_127 = arith.fptosi %broadcast_in_dim3A_117 : vector<256x1xf32> to vector<256x1xi32>
      %swap3A_128 = arith.index_cast %mul3A_95 : i32 to index
      %swap3A_129 = arith.constant 0 : index
      %swap3A_130 = vector.load %arg5[%swap3A_128, %swap3A_129] : memref<2048x2xi32, #tpu.memory_space<vmem>>, vector<256x1xi32>
      tpu.vector_store %arg5[%swap3A_128, %swap3A_129], %convert_element_type3A_127 {strides = array<i32>} : memref<2048x2xi32, #tpu.memory_space<vmem>>, vector<256x1xi32>,
      %convert_element_type3A_131 = arith.fptosi %broadcast_in_dim3A_126 : vector<256x1xf32> to vector<256x1xi32>
      %swap3A_132 = arith.index_cast %mul3A_95 : i32 to index
      %swap3A_133 = arith.constant 1 : index
      %swap3A_134 = vector.load %arg5[%swap3A_132, %swap3A_133] : memref<2048x2xi32, #tpu.memory_space<vmem>>, vector<256x1xi32>
      tpu.vector_store %arg5[%swap3A_132, %swap3A_133], %convert_element_type3A_131 {strides = array<i32>} : memref<2048x2xi32, #tpu.memory_space<vmem>>, vector<256x1xi32>,
    }
    %scan3A_92 = arith.constant 8 : i32
    return
  }
  func.func @transform_0(%arg0: i32) -> (i32, i32) {
    %c0_i32 = arith.constant 0 : i32
    %c0_i32_0 = arith.constant 0 : i32
    %c0_i32_1 = arith.constant 0 : i32
    return %c0_i32, %c0_i32_0 : i32, i32
  }
  func.func @transform_1(%arg0: i32) -> (i32, i32) {
    %c0_i32 = arith.constant 0 : i32
    %c0_i32_0 = arith.constant 0 : i32
    %c0_i32_1 = arith.constant 0 : i32
    return %c0_i32, %c0_i32_0 : i32, i32
  }
  func.func @transform_2(%arg0: i32) -> (i32, i32) {
    %c0_i32 = arith.constant 0 : i32
    %c0_i32_0 = arith.constant 0 : i32
    %c0_i32_1 = arith.constant 0 : i32
    return %c0_i32, %c0_i32_0 : i32, i32
  }
  func.func @transform_3(%arg0: i32) -> (i32, i32) {
    %c0_i32 = arith.constant 0 : i32
    %c0_i32_0 = arith.constant 0 : i32
    %c0_i32_1 = arith.constant 0 : i32
    return %c0_i32, %c0_i32_0 : i32, i32
  }
  func.func @transform_4(%arg0: i32) -> (i32, i32) {
    %c0_i32 = arith.constant 0 : i32
    %c0_i32_0 = arith.constant 0 : i32
    %c0_i32_1 = arith.constant 0 : i32
    return %c0_i32, %c0_i32_0 : i32, i32
  }
  func.func @transform_5(%arg0: i32) -> (i32, i32) {
    %c0_i32 = arith.constant 0 : i32
    %c0_i32_0 = arith.constant 0 : i32
    %c0_i32_1 = arith.constant 0 : i32
    return %c0_i32, %c0_i32_0 : i32, i32
  }
  func.func @transform_6(%arg0: i32) -> (i32, i32) {
    %c0_i32 = arith.constant 0 : i32
    %c0_i32_0 = arith.constant 0 : i32
    %c0_i32_1 = arith.constant 0 : i32
    return %c0_i32, %c0_i32_0 : i32, i32
  }
}

module attributes {stable_mosaic.version = 14 : i64} {
  func.func @_ffn_body(%arg0: i32, %arg1: memref<24x3xi32, #tpu.memory_space<smem>>, %arg2: memref<512x768xf32, #tpu.memory_space<vmem>>, %arg3: memref<1x512x768xf32, #tpu.memory_space<vmem>>, %arg4: memref<1x1x512xf32, #tpu.memory_space<vmem>>, %arg5: memref<1x768x512xf32, #tpu.memory_space<vmem>>, %arg6: memref<1x1x768xf32, #tpu.memory_space<vmem>>, %arg7: memref<512x768xf32, #tpu.memory_space<vmem>>) attributes {dimension_semantics = [#tpu.dimension_semantics<arbitrary>], iteration_bounds = array<i64: 24>, scalar_prefetch = 1 : i64, scratch_operands = 0 : i64, tpu.core_type = #tpu.core_type<tc>, window_params = [{transform_indices = @transform_0, window_bounds = array<i64: 512, 768>}, {transform_indices = @transform_1, window_bounds = array<i64: 1, 512, 768>}, {transform_indices = @transform_2, window_bounds = array<i64: 1, 1, 512>}, {transform_indices = @transform_3, window_bounds = array<i64: 1, 768, 512>}, {transform_indices = @transform_4, window_bounds = array<i64: 1, 1, 768>}, {transform_indices = @transform_5, window_bounds = array<i64: 512, 768>}]} {
    %get3A = arith.index_cast %arg0 : i32 to index
    %get3A_0 = arith.constant 2 : index
    %get3A_1 = memref.load %arg1[%get3A, %get3A_0] : memref<24x3xi32, #tpu.memory_space<smem>>
    %eq3A = arith.constant 1 : i32
    %eq3A_2 = arith.cmpi eq, %get3A_1, %eq3A : i32
    %convert_element_type3A = arith.extui %eq3A_2 : i1 to i32
    %cond3A = arith.constant 0 : i32
    %cond3A_3 = arith.cmpi ne, %convert_element_type3A, %cond3A : i32
    scf.if %cond3A_3 {
      %get3A_4 = arith.constant 0 : index
      %get3A_5 = arith.constant 0 : index
      %get3A_6 = vector.load %arg2[%get3A_4, %get3A_5] : memref<512x768xf32, #tpu.memory_space<vmem>>, vector<512x768xf32>
      %convert_element_type3A_7 = arith.truncf %get3A_6 : vector<512x768xf32> to vector<512x768xbf16>
      %get3A_8 = arith.constant 0 : index
      %get3A_9 = arith.constant 0 : index
      %get3A_10 = arith.constant 0 : index
      %get3A_11 = vector.load %arg3[%get3A_8, %get3A_9, %get3A_10] : memref<1x512x768xf32, #tpu.memory_space<vmem>>, vector<1x512x768xf32>
      %get3A_12 = vector.shape_cast %get3A_11 : vector<1x512x768xf32> to vector<512x768xf32>
      %convert_element_type3A_13 = arith.truncf %get3A_12 : vector<512x768xf32> to vector<512x768xbf16>
      %dot_general3A = arith.constant dense<0.000000e+00> : vector<512x512xf32>
      %dot_general3A_14 = tpu.matmul %convert_element_type3A_7, %convert_element_type3A_13, %dot_general3A {dimension_numbers = #tpu.dot_dimension_numbers<[1], [1], [0], [0], [0, 0, 1, 0], [], []>, transpose_lhs_hint = false} : vector<512x768xbf16>, vector<512x768xbf16>, vector<512x512xf32> -> vector<512x512xf32>
      %get3A_15 = arith.constant 0 : index
      %get3A_16 = arith.constant 0 : index
      %get3A_17 = arith.constant 0 : index
      %get3A_18 = vector.load %arg4[%get3A_15, %get3A_16, %get3A_17] : memref<1x1x512xf32, #tpu.memory_space<vmem>>, vector<1x1x512xf32>
      %get3A_19 = vector.shape_cast %get3A_18 : vector<1x1x512xf32> to vector<1x512xf32>
      %add3A = vector.broadcast %get3A_19 : vector<1x512xf32> to vector<512x512xf32>
      %add3A_20 = arith.addf %dot_general3A_14, %add3A : vector<512x512xf32>
      %convert_element_type3A_21 = arith.truncf %add3A_20 : vector<512x512xf32> to vector<512x512xbf16>
      %get3A_22 = arith.constant 0 : index
      %get3A_23 = arith.constant 0 : index
      %get3A_24 = arith.constant 0 : index
      %get3A_25 = vector.load %arg5[%get3A_22, %get3A_23, %get3A_24] : memref<1x768x512xf32, #tpu.memory_space<vmem>>, vector<1x768x512xf32>
      %get3A_26 = vector.shape_cast %get3A_25 : vector<1x768x512xf32> to vector<768x512xf32>
      %convert_element_type3A_27 = arith.truncf %get3A_26 : vector<768x512xf32> to vector<768x512xbf16>
      %dot_general3A_28 = arith.constant dense<0.000000e+00> : vector<512x768xf32>
      %dot_general3A_29 = tpu.matmul %convert_element_type3A_21, %convert_element_type3A_27, %dot_general3A_28 {dimension_numbers = #tpu.dot_dimension_numbers<[1], [1], [0], [0], [0, 0, 1, 0], [], []>, transpose_lhs_hint = false} : vector<512x512xbf16>, vector<768x512xbf16>, vector<512x768xf32> -> vector<512x768xf32>
      %get3A_30 = arith.constant 0 : index
      %get3A_31 = arith.constant 0 : index
      %get3A_32 = arith.constant 0 : index
      %get3A_33 = vector.load %arg6[%get3A_30, %get3A_31, %get3A_32] : memref<1x1x768xf32, #tpu.memory_space<vmem>>, vector<1x1x768xf32>
      %get3A_34 = vector.shape_cast %get3A_33 : vector<1x1x768xf32> to vector<1x768xf32>
      %add3A_35 = vector.broadcast %get3A_34 : vector<1x768xf32> to vector<512x768xf32>
      %add3A_36 = arith.addf %dot_general3A_29, %add3A_35 : vector<512x768xf32>
      %swap3A = arith.constant 0 : index
      %swap3A_37 = arith.constant 0 : index
      %swap3A_38 = vector.load %arg7[%swap3A, %swap3A_37] : memref<512x768xf32, #tpu.memory_space<vmem>>, vector<512x768xf32>
      tpu.vector_store %arg7[%swap3A, %swap3A_37], %add3A_36 {strides = array<i32>} : memref<512x768xf32, #tpu.memory_space<vmem>>, vector<512x768xf32>,
    } else {
    }
    return
  }
  func.func @transform_0(%arg0: i32, %arg1: memref<24x3xi32, #tpu.memory_space<smem>>) -> (i32, i32) {
    %get3A = arith.index_cast %arg0 : i32 to index
    %get3A_0 = arith.constant 1 : index
    %get3A_1 = memref.load %arg1[%get3A, %get3A_0] : memref<24x3xi32, #tpu.memory_space<smem>>
    %c0_i32 = arith.constant 0 : i32
    %c0_i32_2 = arith.constant 0 : i32
    return %get3A_1, %c0_i32 : i32, i32
  }
  func.func @transform_1(%arg0: i32, %arg1: memref<24x3xi32, #tpu.memory_space<smem>>) -> (i32, i32, i32) {
    %get3A = arith.index_cast %arg0 : i32 to index
    %get3A_0 = arith.constant 0 : index
    %get3A_1 = memref.load %arg1[%get3A, %get3A_0] : memref<24x3xi32, #tpu.memory_space<smem>>
    %c0_i32 = arith.constant 0 : i32
    %c0_i32_2 = arith.constant 0 : i32
    %c0_i32_3 = arith.constant 0 : i32
    return %get3A_1, %c0_i32, %c0_i32_2 : i32, i32, i32
  }
  func.func @transform_2(%arg0: i32, %arg1: memref<24x3xi32, #tpu.memory_space<smem>>) -> (i32, i32, i32) {
    %get3A = arith.index_cast %arg0 : i32 to index
    %get3A_0 = arith.constant 0 : index
    %get3A_1 = memref.load %arg1[%get3A, %get3A_0] : memref<24x3xi32, #tpu.memory_space<smem>>
    %c0_i32 = arith.constant 0 : i32
    %c0_i32_2 = arith.constant 0 : i32
    %c0_i32_3 = arith.constant 0 : i32
    return %get3A_1, %c0_i32, %c0_i32_2 : i32, i32, i32
  }
  func.func @transform_3(%arg0: i32, %arg1: memref<24x3xi32, #tpu.memory_space<smem>>) -> (i32, i32, i32) {
    %get3A = arith.index_cast %arg0 : i32 to index
    %get3A_0 = arith.constant 0 : index
    %get3A_1 = memref.load %arg1[%get3A, %get3A_0] : memref<24x3xi32, #tpu.memory_space<smem>>
    %c0_i32 = arith.constant 0 : i32
    %c0_i32_2 = arith.constant 0 : i32
    %c0_i32_3 = arith.constant 0 : i32
    return %get3A_1, %c0_i32, %c0_i32_2 : i32, i32, i32
  }
  func.func @transform_4(%arg0: i32, %arg1: memref<24x3xi32, #tpu.memory_space<smem>>) -> (i32, i32, i32) {
    %get3A = arith.index_cast %arg0 : i32 to index
    %get3A_0 = arith.constant 0 : index
    %get3A_1 = memref.load %arg1[%get3A, %get3A_0] : memref<24x3xi32, #tpu.memory_space<smem>>
    %c0_i32 = arith.constant 0 : i32
    %c0_i32_2 = arith.constant 0 : i32
    %c0_i32_3 = arith.constant 0 : i32
    return %get3A_1, %c0_i32, %c0_i32_2 : i32, i32, i32
  }
  func.func @transform_5(%arg0: i32, %arg1: memref<24x3xi32, #tpu.memory_space<smem>>) -> (i32, i32) {
    %c0_i32 = arith.constant 0 : i32
    %c0_i32_0 = arith.constant 0 : i32
    return %arg0, %c0_i32 : i32, i32
  }
}

</mosaic_0001>

<sc_bundles>
// kernel: kernel.6.cloned.1.call-start
scs
__scs_entry_jumppad:
0x0: {  	(pc) =	sbr.rel $0x88, $3  }
0x1: {  	(tag) =	ssettag $0x0;
	lr =	simm.s32 $0x1  }
0x2: {  	[smem:$0x3F9A] =	sst lr;
	_ =	strace $0xD0000000  }
0x3: {  	_ = 	snop  }
0x4: {  	_ = 	snop  }
0x5: {  	_ = 	snop  }
0x6: {  	_ = 	snop  }
0x7: {  	_ = 	snop  }
__scs_overlays_trampoline_lowered:
0x8: {  	[smem:$0x3FA9] =	sst s0  }
0x9: {  	[smem:$0x3FAA] =	sst s1  }
0xa: {  	[smem:$0x3FAB] =	sst s2  }
0xb: {  	[smem:$0x3FAC] =	sst s3  }
0xc: {  	[smem:$0x3FAD] =	sst s4  }
0xd: {  	[smem:$0x3FAE] =	sst s5  }
0xe: {  	[smem:$0x3FAF] =	sst s6  }
0xf: {  	[smem:$0x3FB0] =	sst s7  }
0x10: {  	[smem:$0x3FB1] =	sst s8  }
0x11: {  	[smem:$0x3FB2] =	sst s9;
	s0 =	simm.s32 @!p0 $0x0  }
0x12: {  	s1 =	sld [smem:$0x3F98];
	s0 =	simm.s32 @p0 $0x1  }
0x13: {  	[smem:$0x3FB3] =	sst s0;
	s0 =	simm.s32 @!p1 $0x0  }
0x14: {  	s2 =	sld [smem:$0x3F97];
	s0 =	simm.s32 @p1 $0x1  }
0x15: {  	[smem:$0x3FB4] =	sst s0;
	s0 =	simm.s32 @!p2 $0x0  }
0x16: {  	s3 =	sld [smem:$0x3FDB];
	s0 =	simm.s32 @p2 $0x1  }
0x17: {  	s4 =	simm.s32 $0x1BF5;
	[smem:$0x3FB6] =	sst s0  }
0x18: {  	s0 =	sld [smem:$0x3F99];
	_ =	swait.ge [sflag:s4], $0x0  }
0x19: {  	s7 =	sld [smem:$0x3F9A]  }
0x1a: {  	s8 =	sadd.s32 $0xFFFFE003, lr  }
0x1b: {  	s9 =	sadd.s32 $0xFFFFFEF7, lr;
	s5 =	simm.s32 $0xFFFFFFFF;
	p2 =	slt.u32 s8, $0xFFFFF086  }
0x1c: {  	p1 =	slt.u32 s9, $0xF7A;
	s5 =	simm.s32 @!p2 $0x0  }
0x1d: {  	s5 =	simm.s32 @p1 $0x1;
	p0 =	seq.s32 s7, s2  }
0x1e: {  	s7 =	smul.u32 @!p0 $0xF7A, s2;
	p2 =	seq.s32 @!p0 s5, $0x0  }
0x1f: {  	s9 =	smul.u32 $0xF7A, s1;
	s8 =	simm.s32 @!p0 $0x1BF5;
	p2 =	por !p2, p0  }
0x20: {  	[sflag:s8] =	ssyncset.s32 @!p0 $0xFFFFF086;
	s6 =	sadd.s32 @!p0 s3, s7;
	s7 =	simm.s32 @!p0 $0x108  }
0x21: {  	s3 =	sadd.s32 s3, s9;
	s6 =	sadd.s32 @!p0 $0x88, s6;
	s7 =	simm.s32 @p2 $0x1082  }
0x22: {  	[simem:s7], [sflag:s8] =	dma.local @!p0 [hbm:s6], $0xF7A  }
0x23: {  	s9 =	sor.u32 $0xD0000000, s2;
	s6 =	simm.s32 $0x108;
	_ =	swait.ge @!p0 [sflag:s8], $0x0  }
0x24: {  	s3 =	sadd.s32 $0x88, s3;
	s6 =	simm.s32 @!p1 $0x1082;
	[sflag:s4] =	ssyncset.s32 $0xFFFFF086  }
0x25: {  	[simem:s6], [sflag:s4] =	dma.local [hbm:s3], $0xF7A  }
0x26: {  	[smem:$0x3F9A] =	sst s1;
	(tag) =	ssettag s2;
	_ =	strace s9  }
0x27: {  	s1 =	sld [smem:$0x3FAA]  }
0x28: {  	s2 =	sld [smem:$0x3FAB]  }
0x29: {  	s4 =	sld [smem:$0x3FAD]  }
0x2a: {  	p0 =	seq.s32 s5, $0x0;
	s5 =	sld [smem:$0x3FAE]  }
0x2b: {  	s6 =	sld [smem:$0x3FAF]  }
0x2c: {  	s7 =	sld [smem:$0x3FB0]  }
0x2d: {  	s3 =	simm.s32 $0x108;
	s8 =	sld [smem:$0x3FB1]  }
0x2e: {  	s3 =	simm.s32 @!p0 $0x1082;
	s9 =	sld [smem:$0x3FB2]  }
0x2f: {  	lr =	sadd.s32 s0, s3;
	s0 =	sld [smem:$0x3FA9]  }
0x30: {  	s3 =	sld [smem:$0x3FAC]  }
0x31: {  	[smem:$0x3FB5] =	sst s10  }
0x32: {  	s10 =	sld [smem:$0x3FB3];
	_ =	sdelay $0x3  }
0x33: {  	p0 =	seq.s32 s10, $0x1;
	s10 =	sld [smem:$0x3FB5];
	_ =	sdelay $0x3  }
0x34: {  	[smem:$0x3FB5] =	sst s10  }
0x35: {  	s10 =	sld [smem:$0x3FB4];
	_ =	sdelay $0x3  }
0x36: {  	p1 =	seq.s32 s10, $0x1;
	s10 =	sld [smem:$0x3FB5];
	_ =	sdelay $0x3  }
0x37: {  	[smem:$0x3FB5] =	sst s10  }
0x38: {  	s10 =	sld [smem:$0x3FB6]  }
0x39: {  	_ = 	snop;
	(pc) =	sbr.ind lr, $3  }
0x3a: {  	_ = 	snop  }
0x3b: {  	_ = 	snop  }
0x3c: {  	p2 =	seq.s32 s10, $0x1;
	s10 =	sld [smem:$0x3FB5]  }
0x3d: {  	_ =	shalt  }
0x3e: {  	_ =	shalt  }
0x3f: {  	_ =	shalt  }
0x40: {  	_ =	shalt  }
0x41: {  	_ =	shalt  }
0x42: {  	_ =	shalt  }
0x43: {  	_ =	shalt  }
0x44: {  	_ =	shalt  }
0x45: {  	_ =	shalt  }
0x46: {  	_ =	shalt  }
0x47: {  	_ =	shalt  }
0x48: {  	_ =	shalt  }
0x49: {  	_ =	shalt  }
0x4a: {  	_ =	shalt  }
0x4b: {  	_ =	shalt  }
0x4c: {  	_ =	shalt  }
0x4d: {  	_ =	shalt  }
0x4e: {  	_ =	shalt  }
0x4f: {  	_ =	shalt  }
0x50: {  	_ =	shalt  }
0x51: {  	_ =	shalt  }
0x52: {  	_ =	shalt  }
0x53: {  	_ =	shalt  }
0x54: {  	_ =	shalt  }
0x55: {  	_ =	shalt  }
0x56: {  	_ =	shalt  }
0x57: {  	_ =	shalt  }
0x58: {  	_ =	shalt  }
0x59: {  	_ =	shalt  }
0x5a: {  	_ =	shalt  }
0x5b: {  	_ =	shalt  }
0x5c: {  	_ =	shalt  }
0x5d: {  	_ =	shalt  }
0x5e: {  	_ =	shalt  }
0x5f: {  	_ =	shalt  }
0x60: {  	_ =	shalt  }
0x61: {  	_ =	shalt  }
0x62: {  	_ =	shalt  }
0x63: {  	_ =	shalt  }
0x64: {  	_ =	shalt  }
0x65: {  	_ =	shalt  }
0x66: {  	_ =	shalt  }
0x67: {  	_ =	shalt  }
0x68: {  	_ =	shalt  }
0x69: {  	_ =	shalt  }
0x6a: {  	_ =	shalt  }
0x6b: {  	_ =	shalt  }
0x6c: {  	_ =	shalt  }
0x6d: {  	_ =	shalt  }
0x6e: {  	_ =	shalt  }
0x6f: {  	_ =	shalt  }
0x70: {  	_ =	shalt  }
0x71: {  	_ =	shalt  }
0x72: {  	_ =	shalt  }
0x73: {  	_ =	shalt  }
0x74: {  	_ =	shalt  }
0x75: {  	_ =	shalt  }
0x76: {  	_ =	shalt  }
0x77: {  	_ =	shalt  }
0x78: {  	_ =	shalt  }
0x79: {  	_ =	shalt  }
0x7a: {  	_ =	shalt  }
0x7b: {  	_ =	shalt  }
0x7c: {  	_ =	shalt  }
0x7d: {  	_ =	shalt  }
0x7e: {  	_ =	shalt  }
0x7f: {  	_ =	shalt  }
0x80: {  	_ =	shalt  }
0x81: {  	_ =	shalt  }
0x82: {  	_ =	shalt  }
0x83: {  	_ =	shalt  }
0x84: {  	_ =	shalt  }
0x85: {  	_ =	shalt  }
0x86: {  	_ =	shalt  }
0x87: {  	_ =	shalt  }
.Lfunc_end0:
.L_simem_size_0:
called_computation_lowered:
.L_overlay_start_0:
0x88: {  	s2 =	sld [smem:$0x3FD9]  }
0x89: {  	s3 =	sld [smem:$0x3FFE];
	_ =	sdelay $0x1  }
0x8a: {  	s1 =	srdreg.scid  }
0x8b: {  	s0 =	sand.u32 $0x1, s1  }
0x8c: {  	s17 =	sshll.u32 s0, $0xA;
	s2 =	sadd.s32 s3, s2  }
0x8d: {  	s2 =	sadd.s32 s2, s17  }
0x8e: {  	[smem:$0x3FC1] =	sst s2  }
0x8f: {  	_ = 	snop  }
0x90: {  	s2 =	sld [smem:$0x3FC9];
	(tm) =	ssettm $0x1  }
0x91: {  	s18 =	sld [smem:$0x3FFB];
	_ =	sdelay $0x3  }
0x92: {  	_ =	strace s18  }
0x93: {  	s3 =	sld [smem:$0x3FFC];
	_ =	sdelay $0x3  }
0x94: {  	_ =	strace s3  }
0x95: {  	s3 =	sld [smem:$0x3FFD];
	_ =	sdelay $0x3  }
0x96: {  	_ =	strace s3  }
0x97: {  	_ =	strace $0x8FFFFFFF  }
0x98: {  	s19 =	sld [smem:$0x3FDB];
	_ =	sdelay $0x1  }
0x99: {  	s4 =	simm.s32 $_scs_section_size  }
0x9a: {  	s5 =	simm.s32 $_size__tile_overlayer_lowered;
	s6 =	simm.s32 $_tile_overlayer_lowered  }
0x9b: {  	s22 =	simm.s32 $0x1BFF;
	s21 =	sshll.u32 s6, $0x1;
	s3 =	sadd.s32 s4, s19  }
0x9c: {  	s7 =	simm.s32 $0x0;
	s20 =	sshll.u32 s5, $0x1;
	s5 =	sadd.s32 s21, s3  }
0x9d: {  	[timem:s7], [sflag:s22] =	dma.local [hbm:s5], s20  }
0x9e: {  	_ =	swait.ge [sflag:s22], s20  }
0x9f: {  	s4 =	ssub.s32 $0x0, s20;
	[sflag:s22] =	ssyncset.done $0x0  }
0xa0: {  	[sflag:s22] =	ssyncadd.s32 s4;
	_ =	sdelay $0x1  }
0xa1: {  	s23 =	simm.s32 $0x1B8B  }
0xa2: {  	_ =	swait.ge [sflag:s23], $0x1  }
0xa3: {  	[sflag:s23] =	ssyncset.done $0x0  }
0xa4: {  	s25 =	simm.s32 $0x1B8E;
	s24 =	sld [smem:$0x3FFE];
	[sflag:s23] =	ssyncadd.s32 $0xFFFFFFFF  }
0xa5: {  	s26 =	simm.s32 $execute0_lowered;
	[smem:$0x3FD2] =	sst s25  }
0xa6: {  	s5 =	sshll.u32 s26, $0x1;
	_ =	strace $0x80000046;
	[dreg:$0x1] =	wrdreg $0xFFFFFFFF  }
0xa7: {  	s28 =	simm.s32 $_size_execute0_lowered;
	s3 =	sadd.s32 s3, s5;
	[dreg:$0x0] =	wrdreg $0x0  }
0xa8: {  	s5 =	sshll.u32 s28, $0x1;
	[dreg:$0x2] =	wrdreg s3  }
0xa9: {  	[dreg:$0x3] =	wrdreg s5  }
0xaa: {  	[dreg:$0x4] =	wrdreg $0xC0  }
0xab: {  	_ =	task [dreg:s7], $0x5FFFF  }
0xac: {  	[dreg:$0x1] =	wrdreg $0xFFFFFFFF  }
0xad: {  	[dreg:$0x0] =	wrdreg $0x60  }
0xae: {  	[dreg:$0x2] =	wrdreg s2  }
0xaf: {  	[dreg:$0x3] =	wrdreg s24  }
0xb0: {  	[dreg:$0x4] =	wrdreg $0x9  }
0xb1: {  	_ =	task.clear_ibuf [dreg:s7], $0x5FFFF;
	_ =	strace $0x90000046  }
0xb2: {  	s29 =	simm.s32 $0x9;
	_ =	strace $0x80000048  }
0xb3: {  	_ =	swait.ge [sflag:s29], $0x1  }
0xb4: {  	[sflag:s29] =	ssyncadd.s32 $0xFFFFFFFF  }
0xb5: {  	_ =	strace $0x90000048  }
0xb6: {  	_ =	sfence  }
0xb7: {  	s30 =	sld [smem:$0x0];
	_ =	sdelay $0x2  }
0xb8: {  	s31 =	sshll.u32 s1, $0xD;
	s1 =	sshrl.u32 s1, $0x2  }
0xb9: {  	s3 =	sand.u32 $0x4000, s31;
	s1 =	sadd.s32 s1, s30  }
0xba: {  	s0 =	sor.u32 s3, s0;
	s1 =	sshll.u32 s1, $0x11  }
0xbb: {  	s0 =	sor.u32 s1, s0  }
0xbc: {  	s0 =	sadd.s32 $0x8F2B, s0  }
0xbd: {  	[sflag:s0] =	ssyncadd.remote.s32 $0x1  }
0xbe: {  	_ =	sfence.sel $0xFFFF  }
0xbf: {  	[dreg:$0x0] =	wrdreg $0xFFFFFFFF;
	(pc) =	sbr.abs _section_cstart, $3  }
0xc0: {  	[dreg:$0x1] =	wrdreg $0xFFFFFFFF  }
0xc1: {  	_ =	task.clear_ibuf [dreg:s7], $0x2FFFF;
	_ =	strace $0x9FFFFFFF  }
0xc2: {  	(tm) =	ssettm $0x7FFFFFFF  }
0xc3: {  	_ =	shalt  }
tec
execute0_lowered:
.L_overlay_start_1:
0x0: {  	(tag) =	ssettag $0x1  }
0x1: {  	s0 =	srdreg.scid;
	s1 =	rddreg [dreg:$0x0]  }
0x2: {  	s2 =	stileid.u32;
	s5 =	rddreg [dreg:$0x1]  }
0x3: {  	s9 =	simm.s32 $0x2;
	s10 =	simm.s32 $0x1;
	s8 =	simm.s32 $0x2100  }
0x4: {  	s13 =	simm.s32 $0x3900;
	s14 =	simm.s32 $0x4100;
	s15 =	simm.s32 $0x4900  }
0x5: {  	s16 =	simm.s32 $0x5100;
	s17 =	simm.s32 $0x5900;
	s18 =	simm.s32 $0x6100  }
0x6: {  	s19 =	simm.s32 $0x6900;
	s20 =	simm.s32 $0x7100;
	s21 =	simm.s32 $0x7900  }
0x7: {  	s22 =	simm.s32 $0x8100;
	s23 =	simm.s32 $0x8900;
	s24 =	simm.s32 $0x9100  }
0x8: {  	s28 =	simm.s32 $0xA900;
	s29 =	simm.s32 $0xB100;
	s30 =	simm.s32 $0xB900  }
0x9: {  	s31 =	simm.s32 $0xC100;
	s7 =	simm.s32 $0xD900;
	s0 =	sand.u32 $0x1, s0  }
0xa: {  	s2 =	sshll.u32 s2, $0x7;
	s3 =	sshll.u32 s0, $0x6;
	s0 =	ssub.s32 $0x2, s0  }
0xb: {  	s3 =	sor.u32 s3, s2;
	s2 =	simm.s32 $0x0;
	s25 =	sshrl.u32 s0, $0x1  }
0xc: {  	v10 =	vlaneseq.u32;
	s4 =	sshrl.u32 s3, $0x3;
	[smem:$0x7FF] =	sst s2;
	s3 =	sshll.u32 s3, $0x4  }
0xd: {  	v0 =	vmul.u32 $0x80, v10;
	s0 =	ssub.s32 s0, s25;
	s25 =	simm.s32 $0x9900;
	s4 =	smul.u32 $0x300, s4  }
0xe: {  	vm0 =	vmmov $0xffff;
	v9 =	vshrl.u32 v10, $0x3;
	v8 =	vand.u32 $0x7, v10;
	_ =	strace $0x80000047;
	s3 =	sadd.s32 s3, s5;
	s6 =	smax.u32 s0, $0x1  }
0xf: {  	v10 =	vor.u32 $0x8, v10;
	v9 =	vmul.u32 $0x8, v9;
	v1 =	vor.u32 $0x1, v0;
	s26 =	sadd.s32 $0x1000, s3;
	s3 =	sadd.s32 $0x11000, s5;
	s1 =	sadd.s32 s1, s4  }
0x10: {  	v2 =	vor.u32 $0x800, v0;
	v3 =	vor.u32 $0x801, v0;
	v4 =	vor.u32 $0x1000, v0;
	[dreg:$0x4] =	wrdreg s26;
	s4 =	sadd.s32 $0x11100, s5;
	s5 =	sadd.s32 $0x11200, s5  }
0x11: {  	v5 =	vor.u32 $0x1001, v0;
	v6 =	vor.u32 $0x1800, v0;
	v7 =	vor.u32 $0x1801, v0;
	s26 =	simm.s32 $0xA100;
	[dreg:$0x3] =	wrdreg s1;
	s1 =	simm.s32 $0xC900  }
.LBB2_1:
0x12: {  	s11 =	rddreg [dreg:$0x3]  }
0x13: {  	[tilespmem:s8], [sflag:$0x2] =	stream.linear.gather [hbm4b:s11+s2], $0xC000, $0x38;
	[tilespmem:$0xE100] =	vst v63  }
0x14: {  	s12 =	rddreg [dreg:$0x4];
	s0 =	simm.s32 $0x3  }
0x15: {  	[tilespmem:s2], [sflag:$0x3] =	stream.linear.gather [hbm4b:s12+s2], $0x2000, $0x38;
	[tilespmem:$0xE100] =	vst v63  }
0x16: {  	_ =	swait.ge [sflag:s0], $0x2000  }
0x17: {  	[sflag:s0] =	ssyncset.done $0x0  }
0x18: {  	[sflag:s0] =	ssyncadd.s32 $0xFFFFE000  }
0x19: {  	v11 =	vld.idx.msk [tilespmem:v0+s2+$0x0], $0xffff;
	_ =	sdelay $0x4  }
0x1a: {  	[tilespmem:$0x2000] =	vst v11  }
0x1b: {  	v11 =	vld.idx.msk [tilespmem:v1+s2+$0x0], $0xffff;
	_ =	sdelay $0x4  }
0x1c: {  	[tilespmem:$0x2080] =	vst v11  }
0x1d: {  	v11 =	vld.idx.msk [tilespmem:v2+s2+$0x0], $0xffff;
	_ =	sdelay $0x4  }
0x1e: {  	[tilespmem:$0x2010] =	vst v11  }
0x1f: {  	v11 =	vld.idx.msk [tilespmem:v3+s2+$0x0], $0xffff;
	_ =	sdelay $0x4  }
0x20: {  	[tilespmem:$0x2090] =	vst v11  }
0x21: {  	v11 =	vld.idx.msk [tilespmem:v4+s2+$0x0], $0xffff;
	_ =	sdelay $0x4  }
0x22: {  	[tilespmem:$0x2020] =	vst v11  }
0x23: {  	v11 =	vld.idx.msk [tilespmem:v5+s2+$0x0], $0xffff;
	_ =	sdelay $0x4  }
0x24: {  	[tilespmem:$0x20A0] =	vst v11  }
0x25: {  	v11 =	vld.idx.msk [tilespmem:v6+s2+$0x0], $0xffff;
	_ =	sdelay $0x4  }
0x26: {  	[tilespmem:$0x2030] =	vst v11  }
0x27: {  	v11 =	vld.idx.msk [tilespmem:v7+s2+$0x0], $0xffff;
	_ =	sdelay $0x4  }
0x28: {  	[tilespmem:$0x20B0] =	vst v11  }
0x29: {  	_ =	swait.ge [sflag:s9], $0xC000  }
0x2a: {  	[sflag:s9] =	ssyncset.done $0x0  }
0x2b: {  	[sflag:s9] =	ssyncadd.s32 $0xFFFF4000  }
0x2c: {  	v11 =	vld [tilespmem:$0x2000];
	_ =	sdelay $0x4  }
0x2d: {  	v12 =	vshrl.u32 v11, $0x3  }
0x2e: {  	v12 =	vmul.u32 $0x30, v12  }
0x2f: {  	v11 =	vand.u32 $0x7, v11  }
0x30: {  	v11 =	vor.u32 v11, v12  }
0x31: {  	v12 =	vperm.xlane v11, v8;
	_ =	sdelay $0x1  }
0x32: {  	v12 =	vadd.s32 v9, v12;
	_ =	sdelay $0x3  }
0x33: {  	v11 =	vperm.xlane v11, v10  }
0x34: {  	[hbm4b:s3+s2] =	stream.indirect_vreg.scatter [tilespmem:s8], [sflag:$0x1], $0x80, v12, vm0, $0xb8;
	[tilespmem:$0xE100] =	vst v63  }
0x35: {  	s11 =	simm.s32 $0x2900;
	v11 =	vadd.s32 v9, v11  }
0x36: {  	[hbm4b:s4+s2] =	stream.indirect_vreg.scatter [tilespmem:s11], [sflag:$0x1], $0x80, v12, vm0, $0xb8;
	[tilespmem:$0xE100] =	vst v63  }
0x37: {  	s12 =	simm.s32 $0x3100  }
0x38: {  	[hbm4b:s5+s2] =	stream.indirect_vreg.scatter [tilespmem:s12], [sflag:$0x1], $0x80, v12, vm0, $0xb8;
	[tilespmem:$0xE100] =	vst v63  }
0x39: {  	_ = 	snop  }
0x3a: {  	[hbm4b:s3+s2] =	stream.indirect_vreg.scatter [tilespmem:s13], [sflag:$0x1], $0x80, v11, vm0, $0xb8;
	[tilespmem:$0xE100] =	vst v63  }
0x3b: {  	_ = 	snop  }
0x3c: {  	[hbm4b:s4+s2] =	stream.indirect_vreg.scatter [tilespmem:s14], [sflag:$0x1], $0x80, v11, vm0, $0xb8;
	[tilespmem:$0xE100] =	vst v63  }
0x3d: {  	_ = 	snop  }
0x3e: {  	[hbm4b:s5+s2] =	stream.indirect_vreg.scatter [tilespmem:s15], [sflag:$0x1], $0x80, v11, vm0, $0xb8;
	[tilespmem:$0xE100] =	vst v63  }
0x3f: {  	v11 =	vld [tilespmem:$0x2010];
	_ =	sdelay $0x4  }
0x40: {  	v57 =	vshrl.u32 v11, $0x3  }
0x41: {  	v12 =	vmul.u32 $0x30, v57  }
0x42: {  	v11 =	vand.u32 $0x7, v11  }
0x43: {  	v11 =	vor.u32 v11, v12  }
0x44: {  	v12 =	vperm.xlane v11, v8;
	_ =	sdelay $0x1  }
0x45: {  	v12 =	vadd.s32 v9, v12;
	_ =	sdelay $0x3  }
0x46: {  	v11 =	vperm.xlane v11, v10  }
0x47: {  	[hbm4b:s3+s2] =	stream.indirect_vreg.scatter [tilespmem:s16], [sflag:$0x1], $0x80, v12, vm0, $0xb8;
	[tilespmem:$0xE100] =	vst v63  }
0x48: {  	v11 =	vadd.s32 v9, v11  }
0x49: {  	[hbm4b:s4+s2] =	stream.indirect_vreg.scatter [tilespmem:s17], [sflag:$0x1], $0x80, v12, vm0, $0xb8;
	[tilespmem:$0xE100] =	vst v63  }
0x4a: {  	_ = 	snop  }
0x4b: {  	[hbm4b:s5+s2] =	stream.indirect_vreg.scatter [tilespmem:s18], [sflag:$0x1], $0x80, v12, vm0, $0xb8;
	[tilespmem:$0xE100] =	vst v63  }
0x4c: {  	_ = 	snop  }
0x4d: {  	[hbm4b:s3+s2] =	stream.indirect_vreg.scatter [tilespmem:s19], [sflag:$0x1], $0x80, v11, vm0, $0xb8;
	[tilespmem:$0xE100] =	vst v63  }
0x4e: {  	_ = 	snop  }
0x4f: {  	[hbm4b:s4+s2] =	stream.indirect_vreg.scatter [tilespmem:s20], [sflag:$0x1], $0x80, v11, vm0, $0xb8;
	[tilespmem:$0xE100] =	vst v63  }
0x50: {  	_ = 	snop  }
0x51: {  	[hbm4b:s5+s2] =	stream.indirect_vreg.scatter [tilespmem:s21], [sflag:$0x1], $0x80, v11, vm0, $0xb8;
	[tilespmem:$0xE100] =	vst v63  }
0x52: {  	v11 =	vld [tilespmem:$0x2020];
	_ =	sdelay $0x4  }
0x53: {  	v58 =	vshrl.u32 v11, $0x3  }
0x54: {  	v12 =	vmul.u32 $0x30, v58  }
0x55: {  	v11 =	vand.u32 $0x7, v11  }
0x56: {  	v11 =	vor.u32 v11, v12  }
0x57: {  	v12 =	vperm.xlane v11, v8;
	_ =	sdelay $0x1  }
0x58: {  	v12 =	vadd.s32 v9, v12;
	_ =	sdelay $0x3  }
0x59: {  	v11 =	vperm.xlane v11, v10  }
0x5a: {  	[hbm4b:s3+s2] =	stream.indirect_vreg.scatter [tilespmem:s22], [sflag:$0x1], $0x80, v12, vm0, $0xb8;
	[tilespmem:$0xE100] =	vst v63  }
0x5b: {  	v11 =	vadd.s32 v9, v11  }
0x5c: {  	[hbm4b:s4+s2] =	stream.indirect_vreg.scatter [tilespmem:s23], [sflag:$0x1], $0x80, v12, vm0, $0xb8;
	[tilespmem:$0xE100] =	vst v63  }
0x5d: {  	_ = 	snop  }
0x5e: {  	[hbm4b:s5+s2] =	stream.indirect_vreg.scatter [tilespmem:s24], [sflag:$0x1], $0x80, v12, vm0, $0xb8;
	[tilespmem:$0xE100] =	vst v63  }
0x5f: {  	_ = 	snop  }
0x60: {  	[hbm4b:s3+s2] =	stream.indirect_vreg.scatter [tilespmem:s25], [sflag:$0x1], $0x80, v11, vm0, $0xb8;
	[tilespmem:$0xE100] =	vst v63  }
0x61: {  	_ = 	snop  }
0x62: {  	[hbm4b:s4+s2] =	stream.indirect_vreg.scatter [tilespmem:s26], [sflag:$0x1], $0x80, v11, vm0, $0xb8;
	[tilespmem:$0xE100] =	vst v63  }
0x63: {  	_ = 	snop  }
0x64: {  	[hbm4b:s5+s2] =	stream.indirect_vreg.scatter [tilespmem:s28], [sflag:$0x1], $0x80, v11, vm0, $0xb8;
	[tilespmem:$0xE100] =	vst v63  }
0x65: {  	v11 =	vld [tilespmem:$0x2030];
	_ =	sdelay $0x4  }
0x66: {  	v59 =	vshrl.u32 v11, $0x3  }
0x67: {  	v12 =	vmul.u32 $0x30, v59  }
0x68: {  	v11 =	vand.u32 $0x7, v11  }
0x69: {  	v11 =	vor.u32 v11, v12  }
0x6a: {  	v12 =	vperm.xlane v11, v8;
	_ =	sdelay $0x1  }
0x6b: {  	v12 =	vadd.s32 v9, v12;
	_ =	sdelay $0x3  }
0x6c: {  	v11 =	vperm.xlane v11, v10  }
0x6d: {  	[hbm4b:s3+s2] =	stream.indirect_vreg.scatter [tilespmem:s29], [sflag:$0x1], $0x80, v12, vm0, $0xb8;
	[tilespmem:$0xE100] =	vst v63  }
0x6e: {  	v11 =	vadd.s32 v9, v11  }
0x6f: {  	[hbm4b:s4+s2] =	stream.indirect_vreg.scatter [tilespmem:s30], [sflag:$0x1], $0x80, v12, vm0, $0xb8;
	[tilespmem:$0xE100] =	vst v63  }
0x70: {  	_ = 	snop  }
0x71: {  	[hbm4b:s5+s2] =	stream.indirect_vreg.scatter [tilespmem:s31], [sflag:$0x1], $0x80, v12, vm0, $0xb8;
	[tilespmem:$0xE100] =	vst v63  }
0x72: {  	_ = 	snop  }
0x73: {  	[hbm4b:s3+s2] =	stream.indirect_vreg.scatter [tilespmem:s1], [sflag:$0x1], $0x80, v11, vm0, $0xb8;
	[tilespmem:$0xE100] =	vst v63  }
0x74: {  	s0 =	simm.s32 $0xD100  }
0x75: {  	[hbm4b:s4+s2] =	stream.indirect_vreg.scatter [tilespmem:s0], [sflag:$0x1], $0x80, v11, vm0, $0xb8;
	[tilespmem:$0xE100] =	vst v63  }
0x76: {  	_ = 	snop  }
0x77: {  	[hbm4b:s5+s2] =	stream.indirect_vreg.scatter [tilespmem:s7], [sflag:$0x1], $0x80, v11, vm0, $0xb8;
	[tilespmem:$0xE100] =	vst v63  }
0x78: {  	v11 =	vld [tilespmem:$0x2080];
	_ =	sdelay $0x4  }
0x79: {  	v60 =	vshrl.u32 v11, $0x3  }
0x7a: {  	v12 =	vmul.u32 $0x30, v60  }
0x7b: {  	v11 =	vand.u32 $0x7, v11  }
0x7c: {  	v11 =	vor.u32 v11, v12  }
0x7d: {  	v12 =	vperm.xlane v11, v8;
	_ =	sdelay $0x1  }
0x7e: {  	v12 =	vadd.s32 v9, v12;
	_ =	sdelay $0x3  }
0x7f: {  	v11 =	vperm.xlane v11, v10  }
0x80: {  	[hbm4b:s3+s2] =	stream.indirect_vreg.scatter [tilespmem:s8], [sflag:$0x2], $0x80, v12, vm0, $0xb8;
	[tilespmem:$0xE100] =	vst v63  }
0x81: {  	v11 =	vadd.s32 v9, v11  }
0x82: {  	[hbm4b:s4+s2] =	stream.indirect_vreg.scatter [tilespmem:s11], [sflag:$0x2], $0x80, v12, vm0, $0xb8;
	[tilespmem:$0xE100] =	vst v63  }
0x83: {  	_ = 	snop  }
0x84: {  	[hbm4b:s5+s2] =	stream.indirect_vreg.scatter [tilespmem:s12], [sflag:$0x2], $0x80, v12, vm0, $0xb8;
	[tilespmem:$0xE100] =	vst v63  }
0x85: {  	_ = 	snop  }
0x86: {  	[hbm4b:s3+s2] =	stream.indirect_vreg.scatter [tilespmem:s13], [sflag:$0x2], $0x80, v11, vm0, $0xb8;
	[tilespmem:$0xE100] =	vst v63  }
0x87: {  	_ = 	snop  }
0x88: {  	[hbm4b:s4+s2] =	stream.indirect_vreg.scatter [tilespmem:s14], [sflag:$0x2], $0x80, v11, vm0, $0xb8;
	[tilespmem:$0xE100] =	vst v63  }
0x89: {  	_ = 	snop  }
0x8a: {  	[hbm4b:s5+s2] =	stream.indirect_vreg.scatter [tilespmem:s15], [sflag:$0x2], $0x80, v11, vm0, $0xb8;
	[tilespmem:$0xE100] =	vst v63  }
0x8b: {  	v11 =	vld [tilespmem:$0x2090];
	_ =	sdelay $0x4  }
0x8c: {  	v61 =	vshrl.u32 v11, $0x3  }
0x8d: {  	v12 =	vmul.u32 $0x30, v61  }
0x8e: {  	v11 =	vand.u32 $0x7, v11  }
0x8f: {  	v11 =	vor.u32 v11, v12  }
0x90: {  	v12 =	vperm.xlane v11, v8;
	_ =	sdelay $0x1  }
0x91: {  	v12 =	vadd.s32 v9, v12;
	_ =	sdelay $0x3  }
0x92: {  	v11 =	vperm.xlane v11, v10  }
0x93: {  	[hbm4b:s3+s2] =	stream.indirect_vreg.scatter [tilespmem:s16], [sflag:$0x2], $0x80, v12, vm0, $0xb8;
	[tilespmem:$0xE100] =	vst v63  }
0x94: {  	v11 =	vadd.s32 v9, v11  }
0x95: {  	[hbm4b:s4+s2] =	stream.indirect_vreg.scatter [tilespmem:s17], [sflag:$0x2], $0x80, v12, vm0, $0xb8;
	[tilespmem:$0xE100] =	vst v63  }
0x96: {  	_ = 	snop  }
0x97: {  	[hbm4b:s5+s2] =	stream.indirect_vreg.scatter [tilespmem:s18], [sflag:$0x2], $0x80, v12, vm0, $0xb8;
	[tilespmem:$0xE100] =	vst v63  }
0x98: {  	_ = 	snop  }
0x99: {  	[hbm4b:s3+s2] =	stream.indirect_vreg.scatter [tilespmem:s19], [sflag:$0x2], $0x80, v11, vm0, $0xb8;
	[tilespmem:$0xE100] =	vst v63  }
0x9a: {  	_ = 	snop  }
0x9b: {  	[hbm4b:s4+s2] =	stream.indirect_vreg.scatter [tilespmem:s20], [sflag:$0x2], $0x80, v11, vm0, $0xb8;
	[tilespmem:$0xE100] =	vst v63  }
0x9c: {  	_ = 	snop  }
0x9d: {  	[hbm4b:s5+s2] =	stream.indirect_vreg.scatter [tilespmem:s21], [sflag:$0x2], $0x80, v11, vm0, $0xb8;
	[tilespmem:$0xE100] =	vst v63  }
0x9e: {  	v11 =	vld [tilespmem:$0x20A0];
	_ =	sdelay $0x4  }
0x9f: {  	v62 =	vshrl.u32 v11, $0x3  }
0xa0: {  	v12 =	vmul.u32 $0x30, v62  }
0xa1: {  	v11 =	vand.u32 $0x7, v11  }
0xa2: {  	v11 =	vor.u32 v11, v12  }
0xa3: {  	v12 =	vperm.xlane v11, v8;
	_ =	sdelay $0x1  }
0xa4: {  	v12 =	vadd.s32 v9, v12;
	_ =	sdelay $0x3  }
0xa5: {  	v11 =	vperm.xlane v11, v10  }
0xa6: {  	[hbm4b:s3+s2] =	stream.indirect_vreg.scatter [tilespmem:s22], [sflag:$0x2], $0x80, v12, vm0, $0xb8;
	[tilespmem:$0xE100] =	vst v63  }
0xa7: {  	v11 =	vadd.s32 v9, v11  }
0xa8: {  	[hbm4b:s4+s2] =	stream.indirect_vreg.scatter [tilespmem:s23], [sflag:$0x2], $0x80, v12, vm0, $0xb8;
	[tilespmem:$0xE100] =	vst v63  }
0xa9: {  	_ = 	snop  }
0xaa: {  	[hbm4b:s5+s2] =	stream.indirect_vreg.scatter [tilespmem:s24], [sflag:$0x2], $0x80, v12, vm0, $0xb8;
	[tilespmem:$0xE100] =	vst v63  }
0xab: {  	_ = 	snop  }
0xac: {  	[hbm4b:s3+s2] =	stream.indirect_vreg.scatter [tilespmem:s25], [sflag:$0x2], $0x80, v11, vm0, $0xb8;
	[tilespmem:$0xE100] =	vst v63  }
0xad: {  	_ = 	snop  }
0xae: {  	[hbm4b:s4+s2] =	stream.indirect_vreg.scatter [tilespmem:s26], [sflag:$0x2], $0x80, v11, vm0, $0xb8;
	[tilespmem:$0xE100] =	vst v63  }
0xaf: {  	_ = 	snop  }
0xb0: {  	[hbm4b:s5+s2] =	stream.indirect_vreg.scatter [tilespmem:s28], [sflag:$0x2], $0x80, v11, vm0, $0xb8;
	[tilespmem:$0xE100] =	vst v63  }
0xb1: {  	v11 =	vld [tilespmem:$0x20B0];
	_ =	sdelay $0x4  }
0xb2: {  	v63 =	vshrl.u32 v11, $0x3  }
0xb3: {  	v12 =	vmul.u32 $0x30, v63  }
0xb4: {  	v11 =	vand.u32 $0x7, v11  }
0xb5: {  	v11 =	vor.u32 v11, v12  }
0xb6: {  	v12 =	vperm.xlane v11, v8;
	_ =	sdelay $0x1  }
0xb7: {  	v12 =	vadd.s32 v9, v12;
	_ =	sdelay $0x3  }
0xb8: {  	v11 =	vperm.xlane v11, v10  }
0xb9: {  	[hbm4b:s3+s2] =	stream.indirect_vreg.scatter [tilespmem:s29], [sflag:$0x2], $0x80, v12, vm0, $0xb8;
	[tilespmem:$0xE100] =	vst v63  }
0xba: {  	v11 =	vadd.s32 v9, v11  }
0xbb: {  	[hbm4b:s4+s2] =	stream.indirect_vreg.scatter [tilespmem:s30], [sflag:$0x2], $0x80, v12, vm0, $0xb8;
	[tilespmem:$0xE100] =	vst v63  }
0xbc: {  	_ = 	snop  }
0xbd: {  	[hbm4b:s5+s2] =	stream.indirect_vreg.scatter [tilespmem:s31], [sflag:$0x2], $0x80, v12, vm0, $0xb8;
	[tilespmem:$0xE100] =	vst v63  }
0xbe: {  	_ = 	snop  }
0xbf: {  	[hbm4b:s3+s2] =	stream.indirect_vreg.scatter [tilespmem:s1], [sflag:$0x2], $0x80, v11, vm0, $0xb8;
	[tilespmem:$0xE100] =	vst v63  }
0xc0: {  	_ = 	snop  }
0xc1: {  	[hbm4b:s4+s2] =	stream.indirect_vreg.scatter [tilespmem:s0], [sflag:$0x2], $0x80, v11, vm0, $0xb8;
	[tilespmem:$0xE100] =	vst v63  }
0xc2: {  	_ = 	snop  }
0xc3: {  	[hbm4b:s5+s2] =	stream.indirect_vreg.scatter [tilespmem:s7], [sflag:$0x2], $0x80, v11, vm0, $0xb8;
	[tilespmem:$0xE100] =	vst v63  }
0xc4: {  	p0 =	sne.s32 s6, $0x1;
	_ =	swait.ge [sflag:s10], $0xC000  }
.Ltmp0:
0xc5: {  	[sflag:s10] =	ssyncset.done $0x0;
	(pc) =	sbr.rel @p0 .LBB2_1-.Ltmp0, $4  }
0xc6: {  	[sflag:s10] =	ssyncadd.s32 $0xFFFF4000  }
0xc7: {  	_ =	swait.ge [sflag:s9], $0xC000  }
0xc8: {  	[sflag:s9] =	ssyncset.done $0x0  }
0xc9: {  	s6 =	sadd.s32 $0xFFFFFFFF, s6;
	[sflag:s9] =	ssyncadd.s32 $0xFFFF4000  }
0xca: {  	_ =	sfence.sel $0x180000  }
0xcb: {  	[bflag:$0x0] =	sbarrier.arrive $0xFFFF  }
0xcc: {  	_ =	strace $0x90000047  }
0xcd: {  	s0 =	stileid.u32;
	[bflag:$0x2] =	sbarrier.arrive $0xFFFF  }
0xce: {  	p0 =	sne.s32 s0, $0x0;
	s0 =	rddreg [dreg:$0x2]  }
0xcf: {  	s0 =	sadd.s32 @!p0 $0x100000, s0  }
0xd0: {  	[sflag:s0] =	ssyncadd.tile.s32 @!p0 $0x1;
	_ =	shalt  }
.Lfunc_end2:
_tile_overlayer_lowered:
.L_overlay_start_2:
0xd1: {  	(tag) =	ssettag $0x2  }
0xd2: {  	s0 =	rddreg [dreg:$0x0];
	s2 =	stileid.u32  }
0xd3: {  	s1 =	rddreg [dreg:$0x1];
	p0 =	sne.s32 s2, $0x0  }
0xd4: {  	s3 =	rddreg [dreg:$0x2];
	[bflag:$0x3] =	sbarrier.arrive $0xFFFF;
	s2 =	simm.s32 @!p0 $0x1C03  }
0xd5: {  	[timem:s3], [sflag:s2] =	dma.local @!p0 [hbm:s0], s1  }
0xd6: {  	s0 =	simm.s32 @!p0 $0x3  }
0xd7: {  	_ =	swait.ge @!p0 [sflag:s0], s1  }
0xd8: {  	s1 =	ssub.s32 @!p0 $0x0, s1;
	[sflag:s0] =	ssyncset.done @!p0 $0x0  }
0xd9: {  	[sflag:s0] =	ssyncadd.s32 @!p0 s1  }
0xda: {  	[bflag:$0x3] =	sbarrier.arrive $0xFFFF  }
0xdb: {  	_ =	shalt  }

// kernel: kernel.9.cloned.1.call-start
scs
__scs_entry_jumppad:
0x0: {  	(pc) =	sbr.rel $0x88, $3  }
0x1: {  	(tag) =	ssettag $0x0;
	lr =	simm.s32 $0x1  }
0x2: {  	[smem:$0x3F9A] =	sst lr;
	_ =	strace $0xD0000000  }
0x3: {  	_ = 	snop  }
0x4: {  	_ = 	snop  }
0x5: {  	_ = 	snop  }
0x6: {  	_ = 	snop  }
0x7: {  	_ = 	snop  }
__scs_overlays_trampoline_lowered:
0x8: {  	[smem:$0x3FA9] =	sst s0  }
0x9: {  	[smem:$0x3FAA] =	sst s1  }
0xa: {  	[smem:$0x3FAB] =	sst s2  }
0xb: {  	[smem:$0x3FAC] =	sst s3  }
0xc: {  	[smem:$0x3FAD] =	sst s4  }
0xd: {  	[smem:$0x3FAE] =	sst s5  }
0xe: {  	[smem:$0x3FAF] =	sst s6  }
0xf: {  	[smem:$0x3FB0] =	sst s7  }
0x10: {  	[smem:$0x3FB1] =	sst s8  }
0x11: {  	[smem:$0x3FB2] =	sst s9;
	s0 =	simm.s32 @!p0 $0x0  }
0x12: {  	s1 =	sld [smem:$0x3F98];
	s0 =	simm.s32 @p0 $0x1  }
0x13: {  	[smem:$0x3FB3] =	sst s0;
	s0 =	simm.s32 @!p1 $0x0  }
0x14: {  	s2 =	sld [smem:$0x3F97];
	s0 =	simm.s32 @p1 $0x1  }
0x15: {  	[smem:$0x3FB4] =	sst s0;
	s0 =	simm.s32 @!p2 $0x0  }
0x16: {  	s3 =	sld [smem:$0x3FDB];
	s0 =	simm.s32 @p2 $0x1  }
0x17: {  	s4 =	simm.s32 $0x1BF5;
	[smem:$0x3FB6] =	sst s0  }
0x18: {  	s0 =	sld [smem:$0x3F99];
	_ =	swait.ge [sflag:s4], $0x0  }
0x19: {  	s7 =	sld [smem:$0x3F9A]  }
0x1a: {  	s8 =	sadd.s32 $0xFFFFE003, lr  }
0x1b: {  	s9 =	sadd.s32 $0xFFFFFEF7, lr;
	s5 =	simm.s32 $0xFFFFFFFF;
	p2 =	slt.u32 s8, $0xFFFFF086  }
0x1c: {  	p1 =	slt.u32 s9, $0xF7A;
	s5 =	simm.s32 @!p2 $0x0  }
0x1d: {  	s5 =	simm.s32 @p1 $0x1;
	p0 =	seq.s32 s7, s2  }
0x1e: {  	s7 =	smul.u32 @!p0 $0xF7A, s2;
	p2 =	seq.s32 @!p0 s5, $0x0  }
0x1f: {  	s9 =	smul.u32 $0xF7A, s1;
	s8 =	simm.s32 @!p0 $0x1BF5;
	p2 =	por !p2, p0  }
0x20: {  	[sflag:s8] =	ssyncset.s32 @!p0 $0xFFFFF086;
	s6 =	sadd.s32 @!p0 s3, s7;
	s7 =	simm.s32 @!p0 $0x108  }
0x21: {  	s3 =	sadd.s32 s3, s9;
	s6 =	sadd.s32 @!p0 $0x88, s6;
	s7 =	simm.s32 @p2 $0x1082  }
0x22: {  	[simem:s7], [sflag:s8] =	dma.local @!p0 [hbm:s6], $0xF7A  }
0x23: {  	s9 =	sor.u32 $0xD0000000, s2;
	s6 =	simm.s32 $0x108;
	_ =	swait.ge @!p0 [sflag:s8], $0x0  }
0x24: {  	s3 =	sadd.s32 $0x88, s3;
	s6 =	simm.s32 @!p1 $0x1082;
	[sflag:s4] =	ssyncset.s32 $0xFFFFF086  }
0x25: {  	[simem:s6], [sflag:s4] =	dma.local [hbm:s3], $0xF7A  }
0x26: {  	[smem:$0x3F9A] =	sst s1;
	(tag) =	ssettag s2;
	_ =	strace s9  }
0x27: {  	s1 =	sld [smem:$0x3FAA]  }
0x28: {  	s2 =	sld [smem:$0x3FAB]  }
0x29: {  	s4 =	sld [smem:$0x3FAD]  }
0x2a: {  	p0 =	seq.s32 s5, $0x0;
	s5 =	sld [smem:$0x3FAE]  }
0x2b: {  	s6 =	sld [smem:$0x3FAF]  }
0x2c: {  	s7 =	sld [smem:$0x3FB0]  }
0x2d: {  	s3 =	simm.s32 $0x108;
	s8 =	sld [smem:$0x3FB1]  }
0x2e: {  	s3 =	simm.s32 @!p0 $0x1082;
	s9 =	sld [smem:$0x3FB2]  }
0x2f: {  	lr =	sadd.s32 s0, s3;
	s0 =	sld [smem:$0x3FA9]  }
0x30: {  	s3 =	sld [smem:$0x3FAC]  }
0x31: {  	[smem:$0x3FB5] =	sst s10  }
0x32: {  	s10 =	sld [smem:$0x3FB3];
	_ =	sdelay $0x3  }
0x33: {  	p0 =	seq.s32 s10, $0x1;
	s10 =	sld [smem:$0x3FB5];
	_ =	sdelay $0x3  }
0x34: {  	[smem:$0x3FB5] =	sst s10  }
0x35: {  	s10 =	sld [smem:$0x3FB4];
	_ =	sdelay $0x3  }
0x36: {  	p1 =	seq.s32 s10, $0x1;
	s10 =	sld [smem:$0x3FB5];
	_ =	sdelay $0x3  }
0x37: {  	[smem:$0x3FB5] =	sst s10  }
0x38: {  	s10 =	sld [smem:$0x3FB6]  }
0x39: {  	_ = 	snop;
	(pc) =	sbr.ind lr, $3  }
0x3a: {  	_ = 	snop  }
0x3b: {  	_ = 	snop  }
0x3c: {  	p2 =	seq.s32 s10, $0x1;
	s10 =	sld [smem:$0x3FB5]  }
0x3d: {  	_ =	shalt  }
0x3e: {  	_ =	shalt  }
0x3f: {  	_ =	shalt  }
0x40: {  	_ =	shalt  }
0x41: {  	_ =	shalt  }
0x42: {  	_ =	shalt  }
0x43: {  	_ =	shalt  }
0x44: {  	_ =	shalt  }
0x45: {  	_ =	shalt  }
0x46: {  	_ =	shalt  }
0x47: {  	_ =	shalt  }
0x48: {  	_ =	shalt  }
0x49: {  	_ =	shalt  }
0x4a: {  	_ =	shalt  }
0x4b: {  	_ =	shalt  }
0x4c: {  	_ =	shalt  }
0x4d: {  	_ =	shalt  }
0x4e: {  	_ =	shalt  }
0x4f: {  	_ =	shalt  }
0x50: {  	_ =	shalt  }
0x51: {  	_ =	shalt  }
0x52: {  	_ =	shalt  }
0x53: {  	_ =	shalt  }
0x54: {  	_ =	shalt  }
0x55: {  	_ =	shalt  }
0x56: {  	_ =	shalt  }
0x57: {  	_ =	shalt  }
0x58: {  	_ =	shalt  }
0x59: {  	_ =	shalt  }
0x5a: {  	_ =	shalt  }
0x5b: {  	_ =	shalt  }
0x5c: {  	_ =	shalt  }
0x5d: {  	_ =	shalt  }
0x5e: {  	_ =	shalt  }
0x5f: {  	_ =	shalt  }
0x60: {  	_ =	shalt  }
0x61: {  	_ =	shalt  }
0x62: {  	_ =	shalt  }
0x63: {  	_ =	shalt  }
0x64: {  	_ =	shalt  }
0x65: {  	_ =	shalt  }
0x66: {  	_ =	shalt  }
0x67: {  	_ =	shalt  }
0x68: {  	_ =	shalt  }
0x69: {  	_ =	shalt  }
0x6a: {  	_ =	shalt  }
0x6b: {  	_ =	shalt  }
0x6c: {  	_ =	shalt  }
0x6d: {  	_ =	shalt  }
0x6e: {  	_ =	shalt  }
0x6f: {  	_ =	shalt  }
0x70: {  	_ =	shalt  }
0x71: {  	_ =	shalt  }
0x72: {  	_ =	shalt  }
0x73: {  	_ =	shalt  }
0x74: {  	_ =	shalt  }
0x75: {  	_ =	shalt  }
0x76: {  	_ =	shalt  }
0x77: {  	_ =	shalt  }
0x78: {  	_ =	shalt  }
0x79: {  	_ =	shalt  }
0x7a: {  	_ =	shalt  }
0x7b: {  	_ =	shalt  }
0x7c: {  	_ =	shalt  }
0x7d: {  	_ =	shalt  }
0x7e: {  	_ =	shalt  }
0x7f: {  	_ =	shalt  }
0x80: {  	_ =	shalt  }
0x81: {  	_ =	shalt  }
0x82: {  	_ =	shalt  }
0x83: {  	_ =	shalt  }
0x84: {  	_ =	shalt  }
0x85: {  	_ =	shalt  }
0x86: {  	_ =	shalt  }
0x87: {  	_ =	shalt  }
.Lfunc_end0:
.L_simem_size_0:
called_computation.1_lowered:
.L_overlay_start_0:
0x88: {  	s2 =	sld [smem:$0x3FD9]  }
0x89: {  	s3 =	sld [smem:$0x3FFE];
	_ =	sdelay $0x1  }
0x8a: {  	s1 =	srdreg.scid  }
0x8b: {  	s0 =	sand.u32 $0x1, s1  }
0x8c: {  	s14 =	sshll.u32 s0, $0xA;
	s2 =	sadd.s32 s3, s2  }
0x8d: {  	s2 =	sadd.s32 s2, s14  }
0x8e: {  	[smem:$0x3FC1] =	sst s2  }
0x8f: {  	_ = 	snop  }
0x90: {  	s2 =	sld [smem:$0x3FD0];
	_ =	sdelay $0x2  }
0x91: {  	s15 =	simm.s32 $0xA;
	s4 =	simm.s32 $0x10  }
0x92: {  	[smem:s4], [sflag:s15] =	dma.local [hbm:s2], $0x1  }
0x93: {  	_ =	swait.eq [sflag:s15], $0x1  }
0x94: {  	[sflag:s15] =	ssyncset.done $0x0  }
0x95: {  	[sflag:s15] =	ssyncadd.s32 $0xFFFFFFFF  }
0x96: {  	s16 =	sld [smem:$0x10];
	(tm) =	ssettm $0x1  }
0x97: {  	s17 =	sld [smem:$0x3FFB];
	_ =	sdelay $0x3  }
0x98: {  	_ =	strace s17  }
0x99: {  	s3 =	sld [smem:$0x3FFC];
	_ =	sdelay $0x3  }
0x9a: {  	_ =	strace s3  }
0x9b: {  	s3 =	sld [smem:$0x3FFD];
	_ =	sdelay $0x3  }
0x9c: {  	_ =	strace s3  }
0x9d: {  	_ =	strace $0x8FFFFFFF  }
0x9e: {  	s18 =	sld [smem:$0x3FDB];
	_ =	sdelay $0x1  }
0x9f: {  	s19 =	simm.s32 $_scs_section_size  }
0xa0: {  	s5 =	simm.s32 $_size__tile_overlayer_lowered;
	s6 =	simm.s32 $_tile_overlayer_lowered  }
0xa1: {  	s22 =	simm.s32 $0x1BFF;
	s21 =	sshll.u32 s6, $0x1;
	s3 =	sadd.s32 s19, s18  }
0xa2: {  	s7 =	simm.s32 $0x0;
	s20 =	sshll.u32 s5, $0x1;
	s5 =	sadd.s32 s21, s3  }
0xa3: {  	[timem:s7], [sflag:s22] =	dma.local [hbm:s5], s20  }
0xa4: {  	_ =	swait.ge [sflag:s22], s20  }
0xa5: {  	s4 =	ssub.s32 $0x0, s20;
	[sflag:s22] =	ssyncset.done $0x0  }
0xa6: {  	[sflag:s22] =	ssyncadd.s32 s4;
	_ =	sdelay $0x1  }
0xa7: {  	s23 =	simm.s32 $0x1B8B  }
0xa8: {  	_ =	swait.ge [sflag:s23], $0x1  }
0xa9: {  	[sflag:s23] =	ssyncset.done $0x0  }
0xaa: {  	s25 =	simm.s32 $0x1B8E;
	s24 =	sld [smem:$0x3FFE];
	[sflag:s23] =	ssyncadd.s32 $0xFFFFFFFF  }
0xab: {  	s26 =	simm.s32 $execute0_lowered;
	[smem:$0x3FD2] =	sst s25  }
0xac: {  	s5 =	sshll.u32 s26, $0x1;
	_ =	strace $0x80000049;
	[dreg:$0x1] =	wrdreg $0xFFFFFFFF  }
0xad: {  	s28 =	simm.s32 $_size_execute0_lowered;
	s3 =	sadd.s32 s3, s5;
	[dreg:$0x0] =	wrdreg $0x0  }
0xae: {  	s5 =	sshll.u32 s28, $0x1;
	[dreg:$0x2] =	wrdreg s3  }
0xaf: {  	[dreg:$0x3] =	wrdreg s5  }
0xb0: {  	[dreg:$0x4] =	wrdreg $0xC0  }
0xb1: {  	_ =	task [dreg:s7], $0x5FFFF  }
0xb2: {  	[dreg:$0x1] =	wrdreg $0xFFFFFFFF  }
0xb3: {  	[dreg:$0x0] =	wrdreg $0x60  }
0xb4: {  	[dreg:$0x2] =	wrdreg s24  }
0xb5: {  	[dreg:$0x3] =	wrdreg s16  }
0xb6: {  	[dreg:$0x4] =	wrdreg $0x9  }
0xb7: {  	_ =	task.clear_ibuf [dreg:s7], $0x5FFFF;
	_ =	strace $0x90000049  }
0xb8: {  	s29 =	simm.s32 $0x9;
	_ =	strace $0x8000004B  }
0xb9: {  	_ =	swait.ge [sflag:s29], $0x1  }
0xba: {  	[sflag:s29] =	ssyncadd.s32 $0xFFFFFFFF  }
0xbb: {  	_ =	strace $0x9000004B  }
0xbc: {  	_ =	sfence  }
0xbd: {  	s30 =	sld [smem:$0x0];
	_ =	sdelay $0x2  }
0xbe: {  	s31 =	sshll.u32 s1, $0xD;
	s1 =	sshrl.u32 s1, $0x2  }
0xbf: {  	s3 =	sand.u32 $0x4000, s31;
	s1 =	sadd.s32 s1, s30  }
0xc0: {  	s0 =	sor.u32 s3, s0;
	s1 =	sshll.u32 s1, $0x11  }
0xc1: {  	s0 =	sor.u32 s1, s0  }
0xc2: {  	s0 =	sadd.s32 $0x8F2B, s0  }
0xc3: {  	[sflag:s0] =	ssyncadd.remote.s32 $0x1  }
0xc4: {  	_ =	sfence.sel $0xFFFF  }
0xc5: {  	[dreg:$0x0] =	wrdreg $0xFFFFFFFF;
	(pc) =	sbr.abs _section_cstart, $3  }
0xc6: {  	[dreg:$0x1] =	wrdreg $0xFFFFFFFF  }
0xc7: {  	_ =	task.clear_ibuf [dreg:s7], $0x2FFFF;
	_ =	strace $0x9FFFFFFF  }
0xc8: {  	(tm) =	ssettm $0x7FFFFFFF  }
0xc9: {  	_ =	shalt  }
tec
execute0_lowered:
.L_overlay_start_1:
0x0: {  	(tag) =	ssettag $0x1  }
0x1: {  	s0 =	rddreg [dreg:$0x0]  }
0x2: {  	s1 =	rddreg [dreg:$0x1]  }
0x3: {  	s2 =	srdreg.scid;
	s4 =	stileid.u32  }
0x4: {  	s10 =	simm.s32 $0x3;
	s11 =	simm.s32 $0x4100;
	s28 =	simm.s32 $0x16900  }
0x5: {  	s29 =	simm.s32 $0x17100;
	s30 =	simm.s32 $0x17900;
	s31 =	simm.s32 $0x18100  }
0x6: {  	s12 =	simm.s32 $0x19900;
	s13 =	simm.s32 $0x1A100;
	s14 =	simm.s32 $0x1A900  }
0x7: {  	v10 =	vlaneseq.u32;
	s15 =	simm.s32 $0x1B100;
	s16 =	simm.s32 $0x1B900;
	s17 =	simm.s32 $0x2000  }
0x8: {  	s18 =	simm.s32 $0x1;
	s19 =	simm.s32 $0x2;
	s20 =	simm.s32 $0x0;
	v0 =	vmul.u32 $0x80, v10  }
0x9: {  	s3 =	sand.u32 $0x1, s2;
	s2 =	simm.s32 $0x0;
	s4 =	sshll.u32 s4, $0x7  }
0xa: {  	s5 =	sshll.u32 s3, $0x6;
	[smem:$0x7FF] =	sst s2;
	s26 =	ssub.s32 $0x2, s3;
	v1 =	vor.u32 $0x1, v0  }
0xb: {  	s3 =	sadd.s32 $0x131000, s0;
	s4 =	sor.u32 s5, s4;
	_ =	strace $0x8000004A;
	[tilespmem:$0x1FFA0] =	vst v1;
	v1 =	vor.u32 $0x800, v0  }
0xc: {  	s6 =	sshrl.u32 s26, $0x1;
	s5 =	sshll.u32 s4, $0x4;
	s4 =	sshrl.u32 s4, $0x3;
	[tilespmem:$0x1FFB0] =	vst v1;
	v1 =	vor.u32 $0x801, v0  }
0xd: {  	s9 =	ssub.s32 s26, s6;
	s6 =	sadd.s32 $0x131200, s0;
	s26 =	simm.s32 $0x16100;
	[tilespmem:$0x1FFC0] =	vst v1;
	v1 =	vor.u32 $0x1000, v0  }
0xe: {  	vm0 =	vmmov $0xffff;
	s7 =	sadd.s32 s5, s0;
	s8 =	smul.u32 $0x300, s4;
	s5 =	sadd.s32 $0x131100, s0;
	[tilespmem:$0x1FFD0] =	vst v1;
	v1 =	vor.u32 $0x1001, v0  }
0xf: {  	v9 =	vshrl.u32 v10, $0x3;
	v8 =	vand.u32 $0x7, v10;
	s9 =	smax.u32 s9, $0x1;
	s0 =	simm.s32 $0x18900;
	s4 =	sadd.s32 $0x1000, s7;
	[tilespmem:$0x1FFE0] =	vst v1;
	v1 =	vor.u32 $0x1800, v0  }
0x10: {  	v10 =	vor.u32 $0x8, v10;
	v9 =	vmul.u32 $0x8, v9;
	v7 =	vor.u32 $0x1801, v0;
	s7 =	sadd.s32 $0x9000, s7;
	s8 =	sadd.s32 s1, s8;
	s1 =	simm.s32 $0x19100;
	[tilespmem:$0x1FFF0] =	vst v1  }
.LBB2_1:
0x11: {  	[tilespmem:s2], [sflag:$0x3] =	stream.linear.gather [hbm4b:s4+s2], $0x2000, $0x38;
	[tilespmem:$0x1C100] =	vst v63  }
0x12: {  	_ =	swait.ge [sflag:s10], $0x2000  }
0x13: {  	[sflag:s10] =	ssyncset.done $0x0;
	v1 =	vld [tilespmem:$0x1FFA0]  }
0x14: {  	[sflag:s10] =	ssyncadd.s32 $0xFFFFE000  }
0x15: {  	v11 =	vld.idx.msk [tilespmem:v0+s2+$0x0], $0xffff;
	_ =	sdelay $0x4  }
0x16: {  	[tilespmem:$0x4000] =	vst v11  }
0x17: {  	v11 =	vld.idx.msk [tilespmem:v1+s2+$0x0], $0xffff  }
0x18: {  	v1 =	vld [tilespmem:$0x1FFB0];
	_ =	sdelay $0x6  }
0x19: {  	[tilespmem:$0x4080] =	vst v11  }
0x1a: {  	v11 =	vld.idx.msk [tilespmem:v1+s2+$0x0], $0xffff  }
0x1b: {  	v1 =	vld [tilespmem:$0x1FFC0];
	_ =	sdelay $0x6  }
0x1c: {  	[tilespmem:$0x4010] =	vst v11  }
0x1d: {  	v11 =	vld.idx.msk [tilespmem:v1+s2+$0x0], $0xffff  }
0x1e: {  	v1 =	vld [tilespmem:$0x1FFD0];
	_ =	sdelay $0x6  }
0x1f: {  	[tilespmem:$0x4090] =	vst v11  }
0x20: {  	v11 =	vld.idx.msk [tilespmem:v1+s2+$0x0], $0xffff  }
0x21: {  	v1 =	vld [tilespmem:$0x1FFE0];
	_ =	sdelay $0x6  }
0x22: {  	[tilespmem:$0x4020] =	vst v11  }
0x23: {  	v11 =	vld.idx.msk [tilespmem:v1+s2+$0x0], $0xffff  }
0x24: {  	v1 =	vld [tilespmem:$0x1FFF0];
	_ =	sdelay $0x3  }
0x25: {  	v12 =	vld [tilespmem:$0x4000];
	_ =	sdelay $0x2  }
0x26: {  	[tilespmem:$0x40A0] =	vst v11  }
0x27: {  	v11 =	vld.idx.msk [tilespmem:v1+s2+$0x0], $0xffff  }
0x28: {  	v13 =	vshrl.u32 v12, $0x3  }
0x29: {  	v13 =	vmul.u32 $0x30, v13  }
0x2a: {  	v12 =	vand.u32 $0x7, v12  }
0x2b: {  	v12 =	vor.u32 v12, v13  }
0x2c: {  	[tilespmem:$0x4030] =	vst v11;
	v11 =	vperm.xlane v12, v8  }
0x2d: {  	v13 =	vld.idx.msk [tilespmem:v7+s2+$0x0], $0xffff  }
0x2e: {  	v11 =	vadd.s32 v9, v11;
	_ =	sdelay $0x3  }
0x2f: {  	v12 =	vperm.xlane v12, v10;
	[tilespmem:$0x40B0] =	vst v13  }
0x30: {  	[tilespmem:s11], [sflag:$0x1] =	stream.indirect_vreg.gather [hbm4b:s3+s2], $0x80, v11, vm0, $0xb8;
	[tilespmem:$0x1C100] =	vst v63  }
0x31: {  	s21 =	simm.s32 $0x4900;
	v12 =	vadd.s32 v9, v12  }
0x32: {  	[tilespmem:s21], [sflag:$0x1] =	stream.indirect_vreg.gather [hbm4b:s5+s2], $0x80, v11, vm0, $0xb8;
	[tilespmem:$0x1C100] =	vst v63  }
0x33: {  	s23 =	simm.s32 $0x5100  }
0x34: {  	[tilespmem:s23], [sflag:$0x1] =	stream.indirect_vreg.gather [hbm4b:s6+s2], $0x80, v11, vm0, $0xb8;
	[tilespmem:$0x1C100] =	vst v63  }
0x35: {  	s24 =	simm.s32 $0x5900  }
0x36: {  	[tilespmem:s24], [sflag:$0x1] =	stream.indirect_vreg.gather [hbm4b:s3+s2], $0x80, v12, vm0, $0xb8;
	[tilespmem:$0x1C100] =	vst v63  }
0x37: {  	s25 =	simm.s32 $0x6100  }
0x38: {  	[tilespmem:s25], [sflag:$0x1] =	stream.indirect_vreg.gather [hbm4b:s5+s2], $0x80, v12, vm0, $0xb8;
	[tilespmem:$0x1C100] =	vst v63  }
0x39: {  	s22 =	simm.s32 $0x6900  }
0x3a: {  	[tilespmem:s22], [sflag:$0x1] =	stream.indirect_vreg.gather [hbm4b:s6+s2], $0x80, v12, vm0, $0xb8;
	[tilespmem:$0x1C100] =	vst v63  }
0x3b: {  	v11 =	vld [tilespmem:$0x4010];
	_ =	sdelay $0x4  }
0x3c: {  	v12 =	vshrl.u32 v11, $0x3  }
0x3d: {  	v12 =	vmul.u32 $0x30, v12  }
0x3e: {  	v11 =	vand.u32 $0x7, v11  }
0x3f: {  	v11 =	vor.u32 v11, v12  }
0x40: {  	v12 =	vperm.xlane v11, v8;
	_ =	sdelay $0x1  }
0x41: {  	v12 =	vadd.s32 v9, v12;
	_ =	sdelay $0x3  }
0x42: {  	s23 =	simm.s32 $0x7100;
	v11 =	vperm.xlane v11, v10  }
0x43: {  	[tilespmem:s23], [sflag:$0x1] =	stream.indirect_vreg.gather [hbm4b:s3+s2], $0x80, v12, vm0, $0xb8;
	[tilespmem:$0x1C100] =	vst v63  }
0x44: {  	s24 =	simm.s32 $0x7900;
	v11 =	vadd.s32 v9, v11  }
0x45: {  	[tilespmem:s24], [sflag:$0x1] =	stream.indirect_vreg.gather [hbm4b:s5+s2], $0x80, v12, vm0, $0xb8;
	[tilespmem:$0x1C100] =	vst v63  }
0x46: {  	s25 =	simm.s32 $0x8100  }
0x47: {  	[tilespmem:s25], [sflag:$0x1] =	stream.indirect_vreg.gather [hbm4b:s6+s2], $0x80, v12, vm0, $0xb8;
	[tilespmem:$0x1C100] =	vst v63  }
0x48: {  	s22 =	simm.s32 $0x8900  }
0x49: {  	[tilespmem:s22], [sflag:$0x1] =	stream.indirect_vreg.gather [hbm4b:s3+s2], $0x80, v11, vm0, $0xb8;
	[tilespmem:$0x1C100] =	vst v63  }
0x4a: {  	s23 =	simm.s32 $0x9100  }
0x4b: {  	[tilespmem:s23], [sflag:$0x1] =	stream.indirect_vreg.gather [hbm4b:s5+s2], $0x80, v11, vm0, $0xb8;
	[tilespmem:$0x1C100] =	vst v63  }
0x4c: {  	s24 =	simm.s32 $0x9900  }
0x4d: {  	[tilespmem:s24], [sflag:$0x1] =	stream.indirect_vreg.gather [hbm4b:s6+s2], $0x80, v11, vm0, $0xb8;
	[tilespmem:$0x1C100] =	vst v63  }
0x4e: {  	v11 =	vld [tilespmem:$0x4020];
	_ =	sdelay $0x4  }
0x4f: {  	v12 =	vshrl.u32 v11, $0x3  }
0x50: {  	v12 =	vmul.u32 $0x30, v12  }
0x51: {  	v11 =	vand.u32 $0x7, v11  }
0x52: {  	v11 =	vor.u32 v11, v12  }
0x53: {  	v12 =	vperm.xlane v11, v8;
	_ =	sdelay $0x1  }
0x54: {  	v12 =	vadd.s32 v9, v12;
	_ =	sdelay $0x3  }
0x55: {  	s25 =	simm.s32 $0xA100;
	v11 =	vperm.xlane v11, v10  }
0x56: {  	[tilespmem:s25], [sflag:$0x1] =	stream.indirect_vreg.gather [hbm4b:s3+s2], $0x80, v12, vm0, $0xb8;
	[tilespmem:$0x1C100] =	vst v63  }
0x57: {  	s22 =	simm.s32 $0xA900;
	v11 =	vadd.s32 v9, v11  }
0x58: {  	[tilespmem:s22], [sflag:$0x1] =	stream.indirect_vreg.gather [hbm4b:s5+s2], $0x80, v12, vm0, $0xb8;
	[tilespmem:$0x1C100] =	vst v63  }
0x59: {  	s23 =	simm.s32 $0xB100  }
0x5a: {  	[tilespmem:s23], [sflag:$0x1] =	stream.indirect_vreg.gather [hbm4b:s6+s2], $0x80, v12, vm0, $0xb8;
	[tilespmem:$0x1C100] =	vst v63  }
0x5b: {  	s24 =	simm.s32 $0xB900  }
0x5c: {  	[tilespmem:s24], [sflag:$0x1] =	stream.indirect_vreg.gather [hbm4b:s3+s2], $0x80, v11, vm0, $0xb8;
	[tilespmem:$0x1C100] =	vst v63  }
0x5d: {  	s25 =	simm.s32 $0xC100  }
0x5e: {  	[tilespmem:s25], [sflag:$0x1] =	stream.indirect_vreg.gather [hbm4b:s5+s2], $0x80, v11, vm0, $0xb8;
	[tilespmem:$0x1C100] =	vst v63  }
0x5f: {  	s22 =	simm.s32 $0xC900  }
0x60: {  	[tilespmem:s22], [sflag:$0x1] =	stream.indirect_vreg.gather [hbm4b:s6+s2], $0x80, v11, vm0, $0xb8;
	[tilespmem:$0x1C100] =	vst v63  }
0x61: {  	v11 =	vld [tilespmem:$0x4030];
	_ =	sdelay $0x4  }
0x62: {  	v12 =	vshrl.u32 v11, $0x3  }
0x63: {  	v12 =	vmul.u32 $0x30, v12  }
0x64: {  	v11 =	vand.u32 $0x7, v11  }
0x65: {  	v11 =	vor.u32 v11, v12  }
0x66: {  	v12 =	vperm.xlane v11, v8;
	_ =	sdelay $0x1  }
0x67: {  	v12 =	vadd.s32 v9, v12;
	_ =	sdelay $0x3  }
0x68: {  	s23 =	simm.s32 $0xD100;
	v11 =	vperm.xlane v11, v10  }
0x69: {  	[tilespmem:s23], [sflag:$0x1] =	stream.indirect_vreg.gather [hbm4b:s3+s2], $0x80, v12, vm0, $0xb8;
	[tilespmem:$0x1C100] =	vst v63  }
0x6a: {  	s24 =	simm.s32 $0xD900;
	v11 =	vadd.s32 v9, v11  }
0x6b: {  	[tilespmem:s24], [sflag:$0x1] =	stream.indirect_vreg.gather [hbm4b:s5+s2], $0x80, v12, vm0, $0xb8;
	[tilespmem:$0x1C100] =	vst v63  }
0x6c: {  	s25 =	simm.s32 $0xE100  }
0x6d: {  	[tilespmem:s25], [sflag:$0x1] =	stream.indirect_vreg.gather [hbm4b:s6+s2], $0x80, v12, vm0, $0xb8;
	[tilespmem:$0x1C100] =	vst v63  }
0x6e: {  	s22 =	simm.s32 $0xE900  }
0x6f: {  	[tilespmem:s22], [sflag:$0x1] =	stream.indirect_vreg.gather [hbm4b:s3+s2], $0x80, v11, vm0, $0xb8;
	[tilespmem:$0x1C100] =	vst v63  }
0x70: {  	s23 =	simm.s32 $0xF100  }
0x71: {  	[tilespmem:s23], [sflag:$0x1] =	stream.indirect_vreg.gather [hbm4b:s5+s2], $0x80, v11, vm0, $0xb8;
	[tilespmem:$0x1C100] =	vst v63  }
0x72: {  	s24 =	simm.s32 $0xF900  }
0x73: {  	[tilespmem:s24], [sflag:$0x1] =	stream.indirect_vreg.gather [hbm4b:s6+s2], $0x80, v11, vm0, $0xb8;
	[tilespmem:$0x1C100] =	vst v63  }
0x74: {  	v11 =	vld [tilespmem:$0x4080];
	_ =	sdelay $0x4  }
0x75: {  	v12 =	vshrl.u32 v11, $0x3  }
0x76: {  	v12 =	vmul.u32 $0x30, v12  }
0x77: {  	v11 =	vand.u32 $0x7, v11  }
0x78: {  	v11 =	vor.u32 v11, v12  }
0x79: {  	v12 =	vperm.xlane v11, v8;
	_ =	sdelay $0x1  }
0x7a: {  	v12 =	vadd.s32 v9, v12;
	_ =	sdelay $0x3  }
0x7b: {  	s25 =	simm.s32 $0x10100;
	v11 =	vperm.xlane v11, v10  }
0x7c: {  	[tilespmem:s25], [sflag:$0x2] =	stream.indirect_vreg.gather [hbm4b:s3+s2], $0x80, v12, vm0, $0xb8;
	[tilespmem:$0x1C100] =	vst v63  }
0x7d: {  	s22 =	simm.s32 $0x10900;
	v11 =	vadd.s32 v9, v11  }
0x7e: {  	[tilespmem:s22], [sflag:$0x2] =	stream.indirect_vreg.gather [hbm4b:s5+s2], $0x80, v12, vm0, $0xb8;
	[tilespmem:$0x1C100] =	vst v63  }
0x7f: {  	s23 =	simm.s32 $0x11100  }
0x80: {  	[tilespmem:s23], [sflag:$0x2] =	stream.indirect_vreg.gather [hbm4b:s6+s2], $0x80, v12, vm0, $0xb8;
	[tilespmem:$0x1C100] =	vst v63  }
0x81: {  	s24 =	simm.s32 $0x11900  }
0x82: {  	[tilespmem:s24], [sflag:$0x2] =	stream.indirect_vreg.gather [hbm4b:s3+s2], $0x80, v11, vm0, $0xb8;
	[tilespmem:$0x1C100] =	vst v63  }
0x83: {  	s25 =	simm.s32 $0x12100  }
0x84: {  	[tilespmem:s25], [sflag:$0x2] =	stream.indirect_vreg.gather [hbm4b:s5+s2], $0x80, v11, vm0, $0xb8;
	[tilespmem:$0x1C100] =	vst v63  }
0x85: {  	s22 =	simm.s32 $0x12900  }
0x86: {  	[tilespmem:s22], [sflag:$0x2] =	stream.indirect_vreg.gather [hbm4b:s6+s2], $0x80, v11, vm0, $0xb8;
	[tilespmem:$0x1C100] =	vst v63  }
0x87: {  	v11 =	vld [tilespmem:$0x4090];
	_ =	sdelay $0x4  }
0x88: {  	v12 =	vshrl.u32 v11, $0x3  }
0x89: {  	v12 =	vmul.u32 $0x30, v12  }
0x8a: {  	v11 =	vand.u32 $0x7, v11  }
0x8b: {  	v11 =	vor.u32 v11, v12  }
0x8c: {  	v12 =	vperm.xlane v11, v8;
	_ =	sdelay $0x1  }
0x8d: {  	v12 =	vadd.s32 v9, v12;
	_ =	sdelay $0x3  }
0x8e: {  	s23 =	simm.s32 $0x13100;
	v11 =	vperm.xlane v11, v10  }
0x8f: {  	[tilespmem:s23], [sflag:$0x2] =	stream.indirect_vreg.gather [hbm4b:s3+s2], $0x80, v12, vm0, $0xb8;
	[tilespmem:$0x1C100] =	vst v63  }
0x90: {  	s24 =	simm.s32 $0x13900;
	v11 =	vadd.s32 v9, v11  }
0x91: {  	[tilespmem:s24], [sflag:$0x2] =	stream.indirect_vreg.gather [hbm4b:s5+s2], $0x80, v12, vm0, $0xb8;
	[tilespmem:$0x1C100] =	vst v63  }
0x92: {  	s25 =	simm.s32 $0x14100  }
0x93: {  	[tilespmem:s25], [sflag:$0x2] =	stream.indirect_vreg.gather [hbm4b:s6+s2], $0x80, v12, vm0, $0xb8;
	[tilespmem:$0x1C100] =	vst v63  }
0x94: {  	s22 =	simm.s32 $0x14900  }
0x95: {  	[tilespmem:s22], [sflag:$0x2] =	stream.indirect_vreg.gather [hbm4b:s3+s2], $0x80, v11, vm0, $0xb8;
	[tilespmem:$0x1C100] =	vst v63  }
0x96: {  	s23 =	simm.s32 $0x15100  }
0x97: {  	[tilespmem:s23], [sflag:$0x2] =	stream.indirect_vreg.gather [hbm4b:s5+s2], $0x80, v11, vm0, $0xb8;
	[tilespmem:$0x1C100] =	vst v63  }
0x98: {  	s24 =	simm.s32 $0x15900  }
0x99: {  	[tilespmem:s24], [sflag:$0x2] =	stream.indirect_vreg.gather [hbm4b:s6+s2], $0x80, v11, vm0, $0xb8;
	[tilespmem:$0x1C100] =	vst v63  }
0x9a: {  	v11 =	vld [tilespmem:$0x40A0];
	_ =	sdelay $0x4  }
0x9b: {  	v12 =	vshrl.u32 v11, $0x3  }
0x9c: {  	v12 =	vmul.u32 $0x30, v12  }
0x9d: {  	v11 =	vand.u32 $0x7, v11  }
0x9e: {  	v11 =	vor.u32 v11, v12  }
0x9f: {  	v12 =	vperm.xlane v11, v8;
	_ =	sdelay $0x1  }
0xa0: {  	v12 =	vadd.s32 v9, v12;
	_ =	sdelay $0x3  }
0xa1: {  	v11 =	vperm.xlane v11, v10  }
0xa2: {  	[tilespmem:s26], [sflag:$0x2] =	stream.indirect_vreg.gather [hbm4b:s3+s2], $0x80, v12, vm0, $0xb8;
	[tilespmem:$0x1C100] =	vst v63  }
0xa3: {  	v11 =	vadd.s32 v9, v11  }
0xa4: {  	[tilespmem:s28], [sflag:$0x2] =	stream.indirect_vreg.gather [hbm4b:s5+s2], $0x80, v12, vm0, $0xb8;
	[tilespmem:$0x1C100] =	vst v63  }
0xa5: {  	_ = 	snop  }
0xa6: {  	[tilespmem:s29], [sflag:$0x2] =	stream.indirect_vreg.gather [hbm4b:s6+s2], $0x80, v12, vm0, $0xb8;
	[tilespmem:$0x1C100] =	vst v63  }
0xa7: {  	_ = 	snop  }
0xa8: {  	[tilespmem:s30], [sflag:$0x2] =	stream.indirect_vreg.gather [hbm4b:s3+s2], $0x80, v11, vm0, $0xb8;
	[tilespmem:$0x1C100] =	vst v63  }
0xa9: {  	_ = 	snop  }
0xaa: {  	[tilespmem:s31], [sflag:$0x2] =	stream.indirect_vreg.gather [hbm4b:s5+s2], $0x80, v11, vm0, $0xb8;
	[tilespmem:$0x1C100] =	vst v63  }
0xab: {  	_ = 	snop  }
0xac: {  	[tilespmem:s0], [sflag:$0x2] =	stream.indirect_vreg.gather [hbm4b:s6+s2], $0x80, v11, vm0, $0xb8;
	[tilespmem:$0x1C100] =	vst v63  }
0xad: {  	v11 =	vld [tilespmem:$0x40B0];
	_ =	sdelay $0x4  }
0xae: {  	v12 =	vshrl.u32 v11, $0x3  }
0xaf: {  	v12 =	vmul.u32 $0x30, v12  }
0xb0: {  	v11 =	vand.u32 $0x7, v11  }
0xb1: {  	v11 =	vor.u32 v11, v12  }
0xb2: {  	v12 =	vperm.xlane v11, v8;
	_ =	sdelay $0x1  }
0xb3: {  	v12 =	vadd.s32 v9, v12;
	_ =	sdelay $0x3  }
0xb4: {  	v11 =	vperm.xlane v11, v10  }
0xb5: {  	[tilespmem:s1], [sflag:$0x2] =	stream.indirect_vreg.gather [hbm4b:s3+s2], $0x80, v12, vm0, $0xb8;
	[tilespmem:$0x1C100] =	vst v63  }
0xb6: {  	v11 =	vadd.s32 v9, v11  }
0xb7: {  	[tilespmem:s12], [sflag:$0x2] =	stream.indirect_vreg.gather [hbm4b:s5+s2], $0x80, v12, vm0, $0xb8;
	[tilespmem:$0x1C100] =	vst v63  }
0xb8: {  	_ = 	snop  }
0xb9: {  	[tilespmem:s13], [sflag:$0x2] =	stream.indirect_vreg.gather [hbm4b:s6+s2], $0x80, v12, vm0, $0xb8;
	[tilespmem:$0x1C100] =	vst v63  }
0xba: {  	_ = 	snop  }
0xbb: {  	[tilespmem:s14], [sflag:$0x2] =	stream.indirect_vreg.gather [hbm4b:s3+s2], $0x80, v11, vm0, $0xb8;
	[tilespmem:$0x1C100] =	vst v63  }
0xbc: {  	_ = 	snop  }
0xbd: {  	[tilespmem:s15], [sflag:$0x2] =	stream.indirect_vreg.gather [hbm4b:s5+s2], $0x80, v11, vm0, $0xb8;
	[tilespmem:$0x1C100] =	vst v63  }
0xbe: {  	_ = 	snop  }
0xbf: {  	[tilespmem:s16], [sflag:$0x2] =	stream.indirect_vreg.gather [hbm4b:s6+s2], $0x80, v11, vm0, $0xb8;
	[tilespmem:$0x1C100] =	vst v63  }
0xc0: {  	_ = 	snop  }
0xc1: {  	[tilespmem:s17], [sflag:$0x3] =	stream.linear.gather [hbm4b:s7+s2], $0x2000, $0x38;
	[tilespmem:$0x1C100] =	vst v63  }
0xc2: {  	_ =	swait.ge [sflag:s10], $0x2000  }
0xc3: {  	[sflag:s10] =	ssyncset.done $0x0  }
0xc4: {  	[sflag:s10] =	ssyncadd.s32 $0xFFFFE000  }
0xc5: {  	_ =	swait.ge [sflag:s18], $0xC000  }
0xc6: {  	[sflag:s18] =	ssyncset.done $0x0  }
0xc7: {  	s25 =	simm.s32 $0x0;
	[sflag:s18] =	ssyncadd.s32 $0xFFFF4000  }
0xc8: {  	s21 =	smul.u32 $0x1800, s25;
	_ =	swait.ge [sflag:s19], $0xC000  }
0xc9: {  	s22 =	sand.u32 $0x380, s2;
	[sflag:s19] =	ssyncset.done $0x0  }
0xca: {  	s21 =	sor.u32 s22, s21;
	[sflag:s19] =	ssyncadd.s32 $0xFFFF4000  }
0xcb: {  	v11 =	vld [tilespmem:s21+$0x10100]  }
0xcc: {  	v12 =	vld [tilespmem:s21+$0x4110]  }
0xcd: {  	v13 =	vld [tilespmem:s21+$0x10110]  }
0xce: {  	v14 =	vld [tilespmem:s21+$0x4120]  }
0xcf: {  	v15 =	vld [tilespmem:s21+$0x10120]  }
0xd0: {  	v16 =	vld [tilespmem:s21+$0x4130]  }
0xd1: {  	v17 =	vld [tilespmem:s21+$0x10130]  }
0xd2: {  	v18 =	vld [tilespmem:s21+$0x4140]  }
0xd3: {  	v19 =	vld [tilespmem:s21+$0x10140]  }
0xd4: {  	v20 =	vld [tilespmem:s21+$0x10150]  }
0xd5: {  	v21 =	vld [tilespmem:s21+$0x10160]  }
0xd6: {  	v22 =	vld [tilespmem:s21+$0x10170]  }
0xd7: {  	v23 =	vld [tilespmem:s21+$0x10500]  }
0xd8: {  	v24 =	vld [tilespmem:s21+$0x10510]  }
0xd9: {  	v25 =	vld [tilespmem:s21+$0x10520]  }
0xda: {  	v26 =	vld [tilespmem:s21+$0x10530]  }
0xdb: {  	v27 =	vld [tilespmem:s21+$0x10540]  }
0xdc: {  	v28 =	vld [tilespmem:s21+$0x10550]  }
0xdd: {  	v29 =	vld [tilespmem:s21+$0x10560]  }
0xde: {  	v30 =	vld [tilespmem:s21+$0x10570]  }
0xdf: {  	v31 =	vld [tilespmem:s21+$0x10900]  }
0xe0: {  	v32 =	vld [tilespmem:s21+$0x10910]  }
0xe1: {  	v33 =	vld [tilespmem:s21+$0x10920]  }
0xe2: {  	v34 =	vld [tilespmem:s21+$0x10930]  }
0xe3: {  	v35 =	vld [tilespmem:s21+$0x10940]  }
0xe4: {  	v36 =	vld [tilespmem:s21+$0x10950]  }
0xe5: {  	v37 =	vld [tilespmem:s21+$0x10960]  }
0xe6: {  	v38 =	vld [tilespmem:s21+$0x10970]  }
0xe7: {  	v40 =	vld [tilespmem:s21+$0x10D00]  }
0xe8: {  	v42 =	vld [tilespmem:s21+$0x10D10]  }
0xe9: {  	v43 =	vld [tilespmem:s21+$0x10D20]  }
0xea: {  	v44 =	vld [tilespmem:s21+$0x10D30]  }
0xeb: {  	v45 =	vld [tilespmem:s21+$0x10D40]  }
0xec: {  	v46 =	vld [tilespmem:s21+$0x10D50]  }
0xed: {  	v47 =	vld [tilespmem:s21+$0x10D60]  }
0xee: {  	v48 =	vld [tilespmem:s21+$0x10D70]  }
0xef: {  	v49 =	vld [tilespmem:s21+$0x11100]  }
0xf0: {  	v50 =	vld [tilespmem:s21+$0x11110]  }
0xf1: {  	v51 =	vld [tilespmem:s21+$0x11120]  }
0xf2: {  	v52 =	vld [tilespmem:s21+$0x11130]  }
0xf3: {  	v53 =	vld [tilespmem:s21+$0x11140]  }
0xf4: {  	v54 =	vld [tilespmem:s21+$0x11150]  }
0xf5: {  	s22 =	simm.s32 $0x1;
	s23 =	simm.s32 $0x0;
	s24 =	simm.s32 $0x0;
	v55 =	vld [tilespmem:s21+$0x11160]  }
.LBB2_2:
0xf6: {  	p0 =	sne.s32 s22, $0x3F;
	v39 =	vmov s24;
	v56 =	vld [tilespmem:s21+$0x5500]  }
0xf7: {  	v41 =	vor.u32 $0x1, v39;
	v57 =	vld [tilespmem:s21+$0x5510]  }
0xf8: {  	v58 =	vld [tilespmem:s21+$0x11510]  }
0xf9: {  	v59 =	vld [tilespmem:s21+$0x11530]  }
0xfa: {  	v60 =	vld [tilespmem:s21+$0x5520]  }
0xfb: {  	v39 =	vld.idx.msk [tilespmem:v39+s17+$0x0], $0xffff  }
0xfc: {  	v41 =	vld.idx.msk [tilespmem:v41+s17+$0x0], $0xffff  }
0xfd: {  	v61 =	vld [tilespmem:s21+$0x5530]  }
0xfe: {  	v62 =	vld [tilespmem:s21+$0x11520]  }
0xff: {  	v63 =	vld [tilespmem:s21+$0x11500]  }
0x100: {  	v1 =	vld [tilespmem:s21+$0x11170]  }
0x101: {  	v57 =	vmul.f32 v57, v39;
	v60 =	vmul.f32 v60, v39;
	v2 =	vld [tilespmem:s21+$0x5170]  }
0x102: {  	v59 =	vmul.f32 v59, v41;
	v3 =	vld [tilespmem:s21+$0x5160];
	v61 =	vmul.f32 v61, v39  }
0x103: {  	v58 =	vmul.f32 v58, v41;
	v4 =	vld [tilespmem:s21+$0x5150];
	v62 =	vmul.f32 v62, v41  }
0x104: {  	v56 =	vmul.f32 v56, v39;
	v5 =	vld [tilespmem:s21+$0x5140];
	v63 =	vmul.f32 v63, v41;
	v59 =	vadd.f32 v59, v61  }
0x105: {  	v57 =	vadd.f32 v58, v57;
	v61 =	vld [tilespmem:s21+$0x5130];
	v1 =	vmul.f32 v1, v41;
	v58 =	vadd.f32 v62, v60  }
0x106: {  	v55 =	vmul.f32 v55, v41;
	v60 =	vld [tilespmem:s21+$0x5120];
	v2 =	vmul.f32 v2, v39;
	v56 =	vadd.f32 v63, v56;
	[tilespmem:s21+$0x5530] =	vst v59  }
0x107: {  	v54 =	vmul.f32 v54, v41;
	v59 =	vld [tilespmem:s21+$0x5110];
	v3 =	vmul.f32 v3, v39;
	[tilespmem:s21+$0x5520] =	vst v58  }
0x108: {  	v53 =	vmul.f32 v53, v41;
	v58 =	vld [tilespmem:s21+$0x5100];
	v4 =	vmul.f32 v4, v39;
	v1 =	vadd.f32 v1, v2;
	[tilespmem:s21+$0x5510] =	vst v57  }
0x109: {  	v52 =	vmul.f32 v52, v41;
	v2 =	vld [tilespmem:s21+$0x4D70];
	v5 =	vmul.f32 v5, v39;
	v3 =	vadd.f32 v55, v3;
	[tilespmem:s21+$0x5500] =	vst v56  }
0x10a: {  	v51 =	vmul.f32 v51, v41;
	v55 =	vld [tilespmem:s21+$0x4D60];
	v56 =	vmul.f32 v61, v39;
	v4 =	vadd.f32 v54, v4;
	[tilespmem:s21+$0x5170] =	vst v1  }
0x10b: {  	v50 =	vmul.f32 v50, v41;
	v1 =	vld [tilespmem:s21+$0x4D50];
	v54 =	vmul.f32 v60, v39;
	v5 =	vadd.f32 v53, v5;
	[tilespmem:s21+$0x5160] =	vst v3  }
0x10c: {  	v49 =	vmul.f32 v49, v41;
	v3 =	vld [tilespmem:s21+$0x4D40];
	v53 =	vmul.f32 v59, v39;
	v52 =	vadd.f32 v52, v56;
	[tilespmem:s21+$0x5150] =	vst v4  }
0x10d: {  	v48 =	vmul.f32 v48, v41;
	v4 =	vld [tilespmem:s21+$0x4D30];
	v56 =	vmul.f32 v58, v39;
	v51 =	vadd.f32 v51, v54;
	[tilespmem:s21+$0x5140] =	vst v5  }
0x10e: {  	v47 =	vmul.f32 v47, v41;
	v5 =	vld [tilespmem:s21+$0x4D20];
	v2 =	vmul.f32 v2, v39;
	v50 =	vadd.f32 v50, v53;
	[tilespmem:s21+$0x5130] =	vst v52  }
0x10f: {  	v46 =	vmul.f32 v46, v41;
	v52 =	vld [tilespmem:s21+$0x4D10];
	v53 =	vmul.f32 v55, v39;
	v49 =	vadd.f32 v49, v56;
	[tilespmem:s21+$0x5120] =	vst v51  }
0x110: {  	v45 =	vmul.f32 v45, v41;
	v51 =	vld [tilespmem:s21+$0x4D00];
	v1 =	vmul.f32 v1, v39;
	v2 =	vadd.f32 v48, v2;
	[tilespmem:s21+$0x5110] =	vst v50  }
0x111: {  	v44 =	vmul.f32 v44, v41;
	v48 =	vld [tilespmem:s21+$0x4970];
	v3 =	vmul.f32 v3, v39;
	v47 =	vadd.f32 v47, v53;
	[tilespmem:s21+$0x5100] =	vst v49  }
0x112: {  	v43 =	vmul.f32 v43, v41;
	v49 =	vld [tilespmem:s21+$0x4960];
	v4 =	vmul.f32 v4, v39;
	v1 =	vadd.f32 v46, v1;
	[tilespmem:s21+$0x4D70] =	vst v2  }
0x113: {  	v42 =	vmul.f32 v42, v41;
	v2 =	vld [tilespmem:s21+$0x4950];
	v5 =	vmul.f32 v5, v39;
	v3 =	vadd.f32 v45, v3;
	[tilespmem:s21+$0x4D60] =	vst v47  }
0x114: {  	v40 =	vmul.f32 v40, v41;
	v45 =	vld [tilespmem:s21+$0x4940];
	v46 =	vmul.f32 v52, v39;
	v4 =	vadd.f32 v44, v4;
	[tilespmem:s21+$0x4D50] =	vst v1  }
0x115: {  	v38 =	vmul.f32 v38, v41;
	v1 =	vld [tilespmem:s21+$0x4930];
	v44 =	vmul.f32 v51, v39;
	v5 =	vadd.f32 v43, v5;
	[tilespmem:s21+$0x4D40] =	vst v3  }
0x116: {  	v37 =	vmul.f32 v37, v41;
	v3 =	vld [tilespmem:s21+$0x4920];
	v43 =	vmul.f32 v48, v39;
	v42 =	vadd.f32 v42, v46;
	[tilespmem:s21+$0x4D30] =	vst v4  }
0x117: {  	v36 =	vmul.f32 v36, v41;
	v4 =	vld [tilespmem:s21+$0x4910];
	v46 =	vmul.f32 v49, v39;
	v40 =	vadd.f32 v40, v44;
	[tilespmem:s21+$0x4D20] =	vst v5  }
0x118: {  	v35 =	vmul.f32 v35, v41;
	v5 =	vld [tilespmem:s21+$0x4900];
	v2 =	vmul.f32 v2, v39;
	v38 =	vadd.f32 v38, v43;
	[tilespmem:s21+$0x4D10] =	vst v42  }
0x119: {  	v34 =	vmul.f32 v34, v41;
	v42 =	vld [tilespmem:s21+$0x4570];
	v43 =	vmul.f32 v45, v39;
	v37 =	vadd.f32 v37, v46;
	[tilespmem:s21+$0x4D00] =	vst v40  }
0x11a: {  	v33 =	vmul.f32 v33, v41;
	v40 =	vld [tilespmem:s21+$0x4560];
	v1 =	vmul.f32 v1, v39;
	v2 =	vadd.f32 v36, v2;
	[tilespmem:s21+$0x4970] =	vst v38  }
0x11b: {  	v32 =	vmul.f32 v32, v41;
	v36 =	vld [tilespmem:s21+$0x4550];
	v3 =	vmul.f32 v3, v39;
	v35 =	vadd.f32 v35, v43;
	[tilespmem:s21+$0x4960] =	vst v37  }
0x11c: {  	v31 =	vmul.f32 v31, v41;
	v37 =	vld [tilespmem:s21+$0x4540];
	v4 =	vmul.f32 v4, v39;
	v1 =	vadd.f32 v34, v1;
	[tilespmem:s21+$0x4950] =	vst v2  }
0x11d: {  	v30 =	vmul.f32 v30, v41;
	v2 =	vld [tilespmem:s21+$0x4530];
	v5 =	vmul.f32 v5, v39;
	v3 =	vadd.f32 v33, v3;
	[tilespmem:s21+$0x4940] =	vst v35  }
0x11e: {  	v29 =	vmul.f32 v29, v41;
	v33 =	vld [tilespmem:s21+$0x4520];
	v34 =	vmul.f32 v42, v39;
	v4 =	vadd.f32 v32, v4;
	[tilespmem:s21+$0x4930] =	vst v1  }
0x11f: {  	v28 =	vmul.f32 v28, v41;
	v1 =	vld [tilespmem:s21+$0x4510];
	v32 =	vmul.f32 v40, v39;
	v5 =	vadd.f32 v31, v5;
	[tilespmem:s21+$0x4920] =	vst v3  }
0x120: {  	v27 =	vmul.f32 v27, v41;
	v3 =	vld [tilespmem:s21+$0x4500];
	v31 =	vmul.f32 v36, v39;
	v30 =	vadd.f32 v30, v34;
	[tilespmem:s21+$0x4910] =	vst v4  }
0x121: {  	v26 =	vmul.f32 v26, v41;
	v4 =	vld [tilespmem:s21+$0x4170];
	v34 =	vmul.f32 v37, v39;
	v29 =	vadd.f32 v29, v32;
	[tilespmem:s21+$0x4900] =	vst v5  }
0x122: {  	v25 =	vmul.f32 v25, v41;
	v5 =	vld [tilespmem:s21+$0x4160];
	v2 =	vmul.f32 v2, v39;
	v28 =	vadd.f32 v28, v31;
	[tilespmem:s21+$0x4570] =	vst v30  }
0x123: {  	v24 =	vmul.f32 v24, v41;
	v30 =	vld [tilespmem:s21+$0x4150];
	v31 =	vmul.f32 v33, v39;
	v27 =	vadd.f32 v27, v34;
	[tilespmem:s21+$0x4560] =	vst v29  }
0x124: {  	v23 =	vmul.f32 v23, v41;
	v1 =	vmul.f32 v1, v39;
	v2 =	vadd.f32 v26, v2;
	[tilespmem:s21+$0x4550] =	vst v28;
	v26 =	vld [tilespmem:s21+$0x11540]  }
0x125: {  	v22 =	vmul.f32 v22, v41;
	v3 =	vmul.f32 v3, v39;
	v25 =	vadd.f32 v25, v31;
	[tilespmem:s21+$0x4540] =	vst v27;
	v27 =	vld [tilespmem:s21+$0x11550]  }
0x126: {  	v21 =	vmul.f32 v21, v41;
	v4 =	vmul.f32 v4, v39;
	v1 =	vadd.f32 v24, v1;
	[tilespmem:s21+$0x4530] =	vst v2;
	v2 =	vld [tilespmem:s21+$0x11560]  }
0x127: {  	v20 =	vmul.f32 v20, v41;
	v5 =	vmul.f32 v5, v39;
	v3 =	vadd.f32 v23, v3;
	[tilespmem:s21+$0x4520] =	vst v25;
	v23 =	vld [tilespmem:s21+$0x11570]  }
0x128: {  	v19 =	vmul.f32 v19, v41;
	v24 =	vmul.f32 v30, v39;
	v4 =	vadd.f32 v22, v4;
	[tilespmem:s21+$0x4510] =	vst v1;
	v1 =	vld [tilespmem:s21+$0x5540]  }
0x129: {  	v18 =	vmul.f32 v18, v39;
	v17 =	vmul.f32 v17, v41;
	v5 =	vadd.f32 v21, v5;
	[tilespmem:s21+$0x4500] =	vst v3;
	v3 =	vld [tilespmem:s21+$0x5550]  }
0x12a: {  	v16 =	vmul.f32 v16, v39;
	v15 =	vmul.f32 v15, v41;
	v20 =	vadd.f32 v20, v24;
	[tilespmem:s21+$0x4170] =	vst v4;
	v4 =	vld [tilespmem:s21+$0x5560]  }
0x12b: {  	v14 =	vmul.f32 v14, v39;
	v13 =	vmul.f32 v13, v41;
	v18 =	vadd.f32 v19, v18;
	[tilespmem:s21+$0x4160] =	vst v5;
	v5 =	vld [tilespmem:s21+$0x5570]  }
0x12c: {  	s24 =	sshrl.u32 s22, $0x3;
	v12 =	vmul.f32 v12, v39;
	v16 =	vadd.f32 v17, v16;
	v17 =	vmul.f32 v26, v41;
	v19 =	vld [tilespmem:s21+$0x4100];
	[tilespmem:s21+$0x4150] =	vst v20  }
0x12d: {  	s23 =	sadd.s32 $0x80, s23;
	s24 =	smul.u32 $0x1800, s24;
	v14 =	vadd.f32 v15, v14;
	v15 =	vmul.f32 v27, v41;
	[tilespmem:s21+$0x4140] =	vst v18;
	v1 =	vmul.f32 v1, v39  }
0x12e: {  	s25 =	sand.u32 $0x380, s23;
	v12 =	vadd.f32 v13, v12;
	v2 =	vmul.f32 v2, v41;
	[tilespmem:s21+$0x4130] =	vst v16;
	v3 =	vmul.f32 v3, v39  }
0x12f: {  	s24 =	sor.u32 s25, s24;
	[tilespmem:s21+$0x4120] =	vst v14;
	v1 =	vadd.f32 v17, v1;
	v4 =	vmul.f32 v4, v39;
	v14 =	vmul.f32 v23, v41  }
0x130: {  	v16 =	vmul.f32 v11, v41;
	v11 =	vld [tilespmem:s24+$0x10100];
	[tilespmem:s21+$0x4110] =	vst v12;
	v3 =	vadd.f32 v15, v3;
	v5 =	vmul.f32 v5, v39  }
0x131: {  	v12 =	vld [tilespmem:s24+$0x4110];
	v15 =	vmul.f32 v19, v39;
	[tilespmem:s21+$0x5540] =	vst v1;
	v1 =	vadd.f32 v2, v4  }
0x132: {  	v13 =	vld [tilespmem:s24+$0x10110];
	[tilespmem:s21+$0x5550] =	vst v3;
	v2 =	vadd.f32 v14, v5  }
0x133: {  	v14 =	vld [tilespmem:s24+$0x4120];
	v3 =	vadd.f32 v16, v15;
	[tilespmem:s21+$0x5560] =	vst v1  }
0x134: {  	v15 =	vld [tilespmem:s24+$0x10120];
	[tilespmem:s21+$0x5570] =	vst v2  }
0x135: {  	v16 =	vld [tilespmem:s24+$0x4130];
	[tilespmem:s21+$0x4100] =	vst v3;
	s21 =	smov.u32 s24  }
0x136: {  	v17 =	vld [tilespmem:s21+$0x10130]  }
0x137: {  	v18 =	vld [tilespmem:s21+$0x4140]  }
0x138: {  	v19 =	vld [tilespmem:s21+$0x10140]  }
0x139: {  	v20 =	vld [tilespmem:s21+$0x10150]  }
0x13a: {  	v21 =	vld [tilespmem:s21+$0x10160]  }
0x13b: {  	v22 =	vld [tilespmem:s21+$0x10170]  }
0x13c: {  	v23 =	vld [tilespmem:s21+$0x10500]  }
0x13d: {  	v24 =	vld [tilespmem:s21+$0x10510]  }
0x13e: {  	v25 =	vld [tilespmem:s21+$0x10520]  }
0x13f: {  	v26 =	vld [tilespmem:s21+$0x10530]  }
0x140: {  	v27 =	vld [tilespmem:s21+$0x10540]  }
0x141: {  	v28 =	vld [tilespmem:s21+$0x10550]  }
0x142: {  	v29 =	vld [tilespmem:s21+$0x10560]  }
0x143: {  	v30 =	vld [tilespmem:s21+$0x10570]  }
0x144: {  	v31 =	vld [tilespmem:s21+$0x10900]  }
0x145: {  	v32 =	vld [tilespmem:s21+$0x10910]  }
0x146: {  	v33 =	vld [tilespmem:s21+$0x10920]  }
0x147: {  	v34 =	vld [tilespmem:s21+$0x10930]  }
0x148: {  	v35 =	vld [tilespmem:s21+$0x10940]  }
0x149: {  	v36 =	vld [tilespmem:s21+$0x10950]  }
0x14a: {  	v37 =	vld [tilespmem:s21+$0x10960]  }
0x14b: {  	v38 =	vld [tilespmem:s21+$0x10970]  }
0x14c: {  	v40 =	vld [tilespmem:s21+$0x10D00]  }
0x14d: {  	v42 =	vld [tilespmem:s21+$0x10D10]  }
0x14e: {  	v43 =	vld [tilespmem:s21+$0x10D20]  }
0x14f: {  	v44 =	vld [tilespmem:s21+$0x10D30]  }
0x150: {  	v45 =	vld [tilespmem:s21+$0x10D40]  }
0x151: {  	v46 =	vld [tilespmem:s21+$0x10D50]  }
0x152: {  	v47 =	vld [tilespmem:s21+$0x10D60]  }
0x153: {  	v48 =	vld [tilespmem:s21+$0x10D70]  }
0x154: {  	v49 =	vld [tilespmem:s21+$0x11100]  }
0x155: {  	v50 =	vld [tilespmem:s21+$0x11110]  }
.Ltmp0:
0x156: {  	v51 =	vld [tilespmem:s21+$0x11120];
	(pc) =	sbr.rel @p0 .LBB2_2-.Ltmp0, $4  }
0x157: {  	v52 =	vld [tilespmem:s21+$0x11130]  }
0x158: {  	v53 =	vld [tilespmem:s21+$0x11140]  }
0x159: {  	v54 =	vld [tilespmem:s21+$0x11150]  }
0x15a: {  	s24 =	sshll.u32 s22, $0x7;
	s22 =	sadd.s32 $0x1, s22;
	v55 =	vld [tilespmem:s21+$0x11160]  }
0x15b: {  	v2 =	vld [tilespmem:s21+$0x5500]  }
0x15c: {  	v1 =	vmov s24;
	v4 =	vld [tilespmem:s21+$0x5510]  }
0x15d: {  	v5 =	vld [tilespmem:s21+$0x11510]  }
0x15e: {  	v56 =	vld [tilespmem:s21+$0x11530];
	v3 =	vor.u32 $0x1, v1  }
0x15f: {  	v57 =	vld [tilespmem:s21+$0x5520]  }
0x160: {  	v58 =	vld [tilespmem:s21+$0x11500]  }
0x161: {  	v39 =	vld.idx.msk [tilespmem:v1+s17+$0x0], $0xffff  }
0x162: {  	v1 =	vld [tilespmem:s21+$0x5530]  }
0x163: {  	v41 =	vld.idx.msk [tilespmem:v3+s17+$0x0], $0xffff  }
0x164: {  	v3 =	vld [tilespmem:s21+$0x11520]  }
0x165: {  	v60 =	vld [tilespmem:s21+$0x5170]  }
0x166: {  	v61 =	vld [tilespmem:s21+$0x5160]  }
0x167: {  	v62 =	vld [tilespmem:s21+$0x5150];
	v1 =	vmul.f32 v1, v39;
	v57 =	vmul.f32 v57, v39  }
0x168: {  	v6 =	vld [tilespmem:s21+$0x5120];
	v4 =	vmul.f32 v4, v39;
	v56 =	vmul.f32 v56, v41  }
0x169: {  	v59 =	vld [tilespmem:s21+$0x11170];
	v2 =	vmul.f32 v2, v39;
	v3 =	vmul.f32 v3, v41  }
0x16a: {  	v60 =	vmul.f32 v60, v39;
	v5 =	vmul.f32 v5, v41;
	v1 =	vadd.f32 v56, v1  }
0x16b: {  	v63 =	vld [tilespmem:s21+$0x5140];
	v61 =	vmul.f32 v61, v39;
	v55 =	vmul.f32 v55, v41;
	v3 =	vadd.f32 v3, v57  }
0x16c: {  	v62 =	vmul.f32 v62, v39;
	v56 =	vld [tilespmem:s21+$0x5130];
	v57 =	vmul.f32 v58, v41;
	v4 =	vadd.f32 v5, v4;
	[tilespmem:s21+$0x5530] =	vst v1  }
0x16d: {  	v6 =	vmul.f32 v6, v39;
	v54 =	vmul.f32 v54, v41;
	v55 =	vadd.f32 v55, v61;
	v61 =	vld [tilespmem:s21+$0x4D40];
	[tilespmem:s21+$0x5520] =	vst v3  }
0x16e: {  	v16 =	vmul.f32 v16, v39;
	v5 =	vmul.f32 v59, v41;
	v1 =	vld [tilespmem:s21+$0x5110];
	v2 =	vadd.f32 v57, v2;
	[tilespmem:s21+$0x5510] =	vst v4  }
0x16f: {  	v12 =	vmul.f32 v12, v39;
	v51 =	vmul.f32 v51, v41;
	v54 =	vadd.f32 v54, v62;
	v4 =	vld [tilespmem:s21+$0x4D70];
	[tilespmem:s21+$0x5160] =	vst v55  }
0x170: {  	v53 =	vmul.f32 v53, v41;
	v17 =	vmul.f32 v17, v41;
	v5 =	vadd.f32 v5, v60;
	[tilespmem:s21+$0x5500] =	vst v2;
	v2 =	vld [tilespmem:s21+$0x4D60]  }
0x171: {  	v52 =	vmul.f32 v52, v41;
	v13 =	vmul.f32 v13, v41;
	v6 =	vadd.f32 v51, v6;
	v3 =	vld [tilespmem:s21+$0x5100];
	[tilespmem:s21+$0x5150] =	vst v54  }
0x172: {  	v50 =	vmul.f32 v50, v41;
	v16 =	vadd.f32 v17, v16;
	v60 =	vmul.f32 v63, v39;
	[tilespmem:s21+$0x5170] =	vst v5;
	v5 =	vld [tilespmem:s21+$0x4D50]  }
0x173: {  	v49 =	vmul.f32 v49, v41;
	v62 =	vld [tilespmem:s21+$0x4D30];
	v12 =	vadd.f32 v13, v12;
	[tilespmem:s21+$0x5120] =	vst v6;
	v1 =	vmul.f32 v1, v39  }
0x174: {  	v48 =	vmul.f32 v48, v41;
	v6 =	vld [tilespmem:s21+$0x4D00];
	[tilespmem:s21+$0x4130] =	vst v16;
	v53 =	vadd.f32 v53, v60;
	v4 =	vmul.f32 v4, v39  }
0x175: {  	v47 =	vmul.f32 v47, v41;
	v51 =	vld [tilespmem:s21+$0x4500];
	[tilespmem:s21+$0x4110] =	vst v12;
	v1 =	vadd.f32 v50, v1;
	v2 =	vmul.f32 v2, v39  }
0x176: {  	v46 =	vmul.f32 v46, v41;
	v63 =	vld [tilespmem:s21+$0x4D20];
	[tilespmem:s21+$0x5140] =	vst v53;
	v3 =	vmul.f32 v3, v39;
	v4 =	vadd.f32 v48, v4  }
0x177: {  	v45 =	vmul.f32 v45, v41;
	v5 =	vmul.f32 v5, v39;
	[tilespmem:s21+$0x5110] =	vst v1;
	v1 =	vld [tilespmem:s21+$0x4970];
	v2 =	vadd.f32 v47, v2  }
0x178: {  	v44 =	vmul.f32 v44, v41;
	v56 =	vmul.f32 v56, v39;
	v3 =	vadd.f32 v49, v3;
	[tilespmem:s21+$0x4D70] =	vst v4;
	v4 =	vld [tilespmem:s21+$0x4950]  }
0x179: {  	v40 =	vmul.f32 v40, v41;
	v6 =	vmul.f32 v6, v39;
	v5 =	vadd.f32 v46, v5;
	[tilespmem:s21+$0x4D60] =	vst v2;
	v2 =	vld [tilespmem:s21+$0x4940]  }
0x17a: {  	v43 =	vmul.f32 v43, v41;
	v57 =	vmul.f32 v61, v39;
	v52 =	vadd.f32 v52, v56;
	[tilespmem:s21+$0x5100] =	vst v3;
	v3 =	vld [tilespmem:s21+$0x4960]  }
0x17b: {  	v42 =	vmul.f32 v42, v41;
	v58 =	vmul.f32 v62, v39;
	v6 =	vadd.f32 v40, v6;
	[tilespmem:s21+$0x4D50] =	vst v5;
	v5 =	vld [tilespmem:s21+$0x4930]  }
0x17c: {  	v38 =	vmul.f32 v38, v41;
	v54 =	vld [tilespmem:s21+$0x11560];
	v45 =	vadd.f32 v45, v57;
	[tilespmem:s21+$0x5130] =	vst v52;
	v1 =	vmul.f32 v1, v39  }
0x17d: {  	v36 =	vmul.f32 v36, v41;
	v44 =	vadd.f32 v44, v58;
	[tilespmem:s21+$0x4D00] =	vst v6;
	v6 =	vld [tilespmem:s21+$0x4560];
	v4 =	vmul.f32 v4, v39  }
0x17e: {  	v35 =	vmul.f32 v35, v41;
	v62 =	vld [tilespmem:s21+$0x4910];
	[tilespmem:s21+$0x4D40] =	vst v45;
	v1 =	vadd.f32 v38, v1;
	v2 =	vmul.f32 v2, v39  }
0x17f: {  	v37 =	vmul.f32 v37, v41;
	v60 =	vld [tilespmem:s21+$0x4920];
	[tilespmem:s21+$0x4D30] =	vst v44;
	v3 =	vmul.f32 v3, v39;
	v4 =	vadd.f32 v36, v4  }
0x180: {  	v34 =	vmul.f32 v34, v41;
	v5 =	vmul.f32 v5, v39;
	[tilespmem:s21+$0x4970] =	vst v1;
	v1 =	vld [tilespmem:s21+$0x4550];
	v2 =	vadd.f32 v35, v2  }
0x181: {  	v33 =	vmul.f32 v33, v41;
	v59 =	vmul.f32 v63, v39;
	v3 =	vadd.f32 v37, v3;
	[tilespmem:s21+$0x4950] =	vst v4;
	v4 =	vld [tilespmem:s21+$0x4530]  }
0x182: {  	v29 =	vmul.f32 v29, v41;
	v6 =	vmul.f32 v6, v39;
	v5 =	vadd.f32 v34, v5;
	[tilespmem:s21+$0x4940] =	vst v2;
	v2 =	vld [tilespmem:s21+$0x4520]  }
0x183: {  	v32 =	vmul.f32 v32, v41;
	v43 =	vadd.f32 v43, v59;
	v48 =	vmul.f32 v62, v39;
	[tilespmem:s21+$0x4960] =	vst v3;
	v3 =	vld [tilespmem:s21+$0x4540]  }
0x184: {  	v28 =	vmul.f32 v28, v41;
	v47 =	vmul.f32 v60, v39;
	v6 =	vadd.f32 v29, v6;
	[tilespmem:s21+$0x4930] =	vst v5;
	v5 =	vld [tilespmem:s21+$0x4510]  }
0x185: {  	v27 =	vmul.f32 v27, v41;
	v56 =	vld [tilespmem:s21+$0x4D10];
	[tilespmem:s21+$0x4D20] =	vst v43;
	v32 =	vadd.f32 v32, v48;
	v1 =	vmul.f32 v1, v39  }
0x186: {  	v52 =	vld [tilespmem:s21+$0x4170];
	v33 =	vadd.f32 v33, v47;
	[tilespmem:s21+$0x4560] =	vst v6;
	v6 =	vmul.f32 v26, v41;
	v4 =	vmul.f32 v4, v39  }
0x187: {  	v25 =	vmul.f32 v25, v41;
	v63 =	vld [tilespmem:s21+$0x4900];
	[tilespmem:s21+$0x4910] =	vst v32;
	v1 =	vadd.f32 v28, v1;
	v2 =	vmul.f32 v2, v39  }
0x188: {  	v24 =	vmul.f32 v24, v41;
	[tilespmem:s21+$0x4920] =	vst v33;
	v3 =	vmul.f32 v3, v39;
	v4 =	vadd.f32 v6, v4;
	v6 =	vld [tilespmem:s21+$0x4160]  }
0x189: {  	v55 =	vld [tilespmem:s21+$0x4150];
	v53 =	vmul.f32 v51, v39;
	v5 =	vmul.f32 v5, v39;
	[tilespmem:s21+$0x4550] =	vst v1;
	v2 =	vadd.f32 v25, v2  }
0x18a: {  	v57 =	vld [tilespmem:s21+$0x11570];
	v61 =	vmul.f32 v56, v39;
	v3 =	vadd.f32 v27, v3;
	[tilespmem:s21+$0x4530] =	vst v4;
	v4 =	vmul.f32 v23, v41  }
0x18b: {  	v58 =	vld [tilespmem:s21+$0x5540];
	v56 =	vmul.f32 v52, v39;
	v5 =	vadd.f32 v24, v5;
	[tilespmem:s21+$0x4520] =	vst v2;
	v2 =	vmul.f32 v22, v41  }
0x18c: {  	v31 =	vmul.f32 v31, v41;
	v46 =	vld [tilespmem:s21+$0x4570];
	v49 =	vmul.f32 v63, v39;
	[tilespmem:s21+$0x4540] =	vst v3;
	v4 =	vadd.f32 v4, v53  }
0x18d: {  	v1 =	vld [tilespmem:s21+$0x11540];
	[tilespmem:s21+$0x4510] =	vst v5;
	v5 =	vmul.f32 v21, v41;
	v6 =	vmul.f32 v6, v39;
	v2 =	vadd.f32 v2, v56  }
0x18e: {  	v42 =	vadd.f32 v42, v61;
	v31 =	vadd.f32 v31, v49;
	v3 =	vld [tilespmem:s21+$0x11550];
	[tilespmem:s21+$0x4500] =	vst v4  }
0x18f: {  	v4 =	vld [tilespmem:s21+$0x5550];
	v5 =	vadd.f32 v5, v6;
	v6 =	vmul.f32 v18, v39;
	[tilespmem:s21+$0x4170] =	vst v2;
	v2 =	vmul.f32 v19, v41  }
0x190: {  	v20 =	vmul.f32 v20, v41;
	v59 =	vmul.f32 v55, v39;
	v60 =	vld [tilespmem:s21+$0x5560];
	[tilespmem:s21+$0x4D10] =	vst v42  }
0x191: {  	v30 =	vmul.f32 v30, v41;
	v50 =	vmul.f32 v46, v39;
	[tilespmem:s21+$0x4900] =	vst v31;
	v2 =	vadd.f32 v2, v6;
	v6 =	vld [tilespmem:s21+$0x5570]  }
0x192: {  	v14 =	vmul.f32 v14, v39;
	v62 =	vld [tilespmem:s21+$0x4100];
	v61 =	vadd.f32 v20, v59;
	[tilespmem:s21+$0x4160] =	vst v5;
	v5 =	vmul.f32 v15, v41  }
0x193: {  	v30 =	vadd.f32 v30, v50;
	v1 =	vmul.f32 v1, v41;
	[tilespmem:s21+$0x4140] =	vst v2;
	v2 =	vmul.f32 v58, v39  }
0x194: {  	[tilespmem:s21+$0x4150] =	vst v61;
	v3 =	vmul.f32 v3, v41;
	v5 =	vadd.f32 v5, v14;
	v4 =	vmul.f32 v4, v39  }
0x195: {  	v63 =	vmul.f32 v54, v41;
	[tilespmem:s21+$0x4570] =	vst v30;
	v1 =	vadd.f32 v1, v2;
	v2 =	vmul.f32 v60, v39  }
0x196: {  	[tilespmem:s21+$0x4120] =	vst v5;
	v5 =	vmul.f32 v57, v41;
	v3 =	vadd.f32 v3, v4;
	v4 =	vmul.f32 v6, v39  }
0x197: {  	v6 =	vmul.f32 v11, v41;
	v11 =	vmul.f32 v62, v39;
	[tilespmem:s21+$0x5540] =	vst v1;
	v1 =	vadd.f32 v63, v2  }
0x198: {  	[tilespmem:s21+$0x5550] =	vst v3;
	v2 =	vadd.f32 v5, v4  }
0x199: {  	s20 =	sadd.s32 $0x1, s20;
	v3 =	vadd.f32 v6, v11;
	[tilespmem:s21+$0x5560] =	vst v1  }
0x19a: {  	p0 =	sne.s32 s20, s9;
	[tilespmem:s21+$0x5570] =	vst v2  }
.Ltmp1:
0x19b: {  	[tilespmem:s21+$0x4100] =	vst v3;
	(pc) =	sbr.rel @p0 .LBB2_1-.Ltmp1, $4  }
0x19c: {  	[hbm4b:s8+s2] =	stream.linear.scatter [tilespmem:s11], [sflag:$0x3], $0xC000, $0x38;
	[tilespmem:$0x1C100] =	vst v63  }
0x19d: {  	_ =	swait.ge [sflag:s10], $0xC000  }
0x19e: {  	[sflag:s10] =	ssyncset.done $0x0  }
0x19f: {  	[sflag:s10] =	ssyncadd.s32 $0xFFFF4000  }
0x1a0: {  	_ =	sfence.sel $0x180000  }
0x1a1: {  	[bflag:$0x0] =	sbarrier.arrive $0xFFFF  }
0x1a2: {  	_ =	strace $0x9000004A  }
0x1a3: {  	s0 =	stileid.u32;
	[bflag:$0x2] =	sbarrier.arrive $0xFFFF  }
0x1a4: {  	p0 =	sne.s32 s0, $0x0;
	s0 =	rddreg [dreg:$0x2]  }
0x1a5: {  	s0 =	sadd.s32 @!p0 $0x100000, s0  }
0x1a6: {  	[sflag:s0] =	ssyncadd.tile.s32 @!p0 $0x1;
	_ =	shalt  }
.Lfunc_end2:
_tile_overlayer_lowered:
.L_overlay_start_2:
0x1a7: {  	(tag) =	ssettag $0x2  }
0x1a8: {  	s0 =	rddreg [dreg:$0x0];
	s2 =	stileid.u32  }
0x1a9: {  	s1 =	rddreg [dreg:$0x1];
	p0 =	sne.s32 s2, $0x0  }
0x1aa: {  	s3 =	rddreg [dreg:$0x2];
	[bflag:$0x3] =	sbarrier.arrive $0xFFFF;
	s2 =	simm.s32 @!p0 $0x1C03  }
0x1ab: {  	[timem:s3], [sflag:s2] =	dma.local @!p0 [hbm:s0], s1  }
0x1ac: {  	s0 =	simm.s32 @!p0 $0x3  }
0x1ad: {  	_ =	swait.ge @!p0 [sflag:s0], s1  }
0x1ae: {  	s1 =	ssub.s32 @!p0 $0x0, s1;
	[sflag:s0] =	ssyncset.done @!p0 $0x0  }
0x1af: {  	[sflag:s0] =	ssyncadd.s32 @!p0 s1  }
0x1b0: {  	[bflag:$0x3] =	sbarrier.arrive $0xFFFF  }
0x1b1: {  	_ =	shalt  }

</sc_bundles>
